<compile_context>
chip_gen: v7x
topology: tpu7x:2x2x1
jax: 0.10.2.dev20260603
libtpu: 0.0.44.dev20260713+nightly
codegen_flags: <defaults>
</compile_context>

<pallas_src>
import jax
import jax.numpy as jnp
from jax import lax
from jax.experimental import pallas as pl
from jax.experimental.pallas import tpu as pltpu
from jax.experimental.pallas import tpu_sc as plsc

NN = 10000
NP = 10240
NE = 320000
NC, NS = 2, 16
NW = NC * NS
CHUNK = 128
GPT = 80
GPT0 = 120
GPT1 = 40
HGPT = 40
NR0 = NS * GPT0
EP = NW * GPT * CHUNK
RPT = NP // NS

_mesh = plsc.VectorSubcoreMesh(core_axis_name="c", subcore_axis_name="s")


def _fill_rowidx(rowidx_v, wid):
    @pl.loop(0, GPT, step=16)
    def _(j):
        rowidx_v[pl.ds(j, 16)] = wid * GPT + j + lax.iota(jnp.int32, 16)


def _deg_body(dst_hbm, out_hbm, rowidx_v, didx_v, ones_v, acc_sh):
    cid = lax.axis_index("c")
    sid = lax.axis_index("s")
    wid = cid * NS + sid
    _fill_rowidx(rowidx_v, wid)

    @pl.loop(0, CHUNK)
    def _(r):
        @pl.loop(0, 128, step=16)
        def _(cc):
            ones_v[r, pl.ds(cc, 16)] = jnp.zeros((16,), jnp.float32)

    for j in range(RPT // CHUNK):
        pltpu.sync_copy(ones_v, acc_sh.at[pl.ds(sid * RPT + j * CHUNK, CHUNK)])

    @pl.loop(0, CHUNK)
    def _(r):
        @pl.loop(0, 128, step=16)
        def _(cc):
            ones_v[r, pl.ds(cc, 16)] = jnp.full((16,), 1.0, jnp.float32)

    pltpu.sync_copy(dst_hbm.at[rowidx_v], didx_v)
    plsc.subcore_barrier()

    @pl.loop(0, GPT)
    def _(g):
        pltpu.sync_copy(ones_v, acc_sh.at[didx_v.at[g]], add=True)

    plsc.subcore_barrier()
    pltpu.sync_copy(acc_sh.at[pl.ds(sid * RPT, RPT)],
                    out_hbm.at[cid, pl.ds(sid * RPT, RPT)])


_deg = pl.kernel(
    _deg_body,
    out_type=jax.ShapeDtypeStruct((NC, NP, 128), jnp.float32),
    mesh=_mesh,
    scratch_types=[
        pltpu.VMEM((GPT,), jnp.int32),
        pltpu.VMEM((GPT, CHUNK), jnp.int32),
        pltpu.VMEM((CHUNK, 128), jnp.float32),
        pltpu.VMEM_SHARED((NP, 128), jnp.float32),
    ],
)


def _agg_body(hs_hbm, src_hbm, dst_hbm, out_hbm, rowidx_v, sidx_v, didx_v,
              rows0_v, rows1_v, gsem0, gsem1, acc_sh):
    cid = lax.axis_index("c")
    sid = lax.axis_index("s")
    base = jnp.where(cid == 0, sid * GPT0, NR0 + sid * GPT1)

    @pl.loop(0, 128, step=16)
    def _(j):
        rowidx_v[pl.ds(j, 16)] = base + j + lax.iota(jnp.int32, 16)

    @pl.loop(0, CHUNK)
    def _(r):
        @pl.loop(0, 128, step=16)
        def _(cc):
            rows0_v[r, pl.ds(cc, 16)] = jnp.zeros((16,), jnp.float32)

    for j in range(RPT // CHUNK):
        pltpu.sync_copy(rows0_v, acc_sh.at[pl.ds(sid * RPT + j * CHUNK, CHUNK)])

    def _phase(h, first):
        pltpu.sync_copy(src_hbm.at[rowidx_v.at[pl.ds(h * HGPT, HGPT)]], sidx_v)
        pltpu.sync_copy(dst_hbm.at[rowidx_v.at[pl.ds(h * HGPT, HGPT)]], didx_v)
        if first:
            plsc.subcore_barrier()

        pltpu.async_copy(hs_hbm.at[sidx_v.at[0]], rows0_v, gsem0)

        @pl.loop(0, HGPT // 2)
        def _(p):
            g0 = 2 * p
            g1 = g0 + 1
            pltpu.make_async_copy(hs_hbm.at[sidx_v.at[g0]], rows0_v,
                                  gsem0).wait()
            pltpu.async_copy(hs_hbm.at[sidx_v.at[g1]], rows1_v, gsem1)
            pltpu.sync_copy(rows0_v, acc_sh.at[didx_v.at[g0]], add=True)
            pltpu.make_async_copy(hs_hbm.at[sidx_v.at[g1]], rows1_v,
                                  gsem1).wait()

            @pl.when(p < HGPT // 2 - 1)
            def _():
                pltpu.async_copy(hs_hbm.at[sidx_v.at[g0 + 2]], rows0_v, gsem0)

            pltpu.sync_copy(rows1_v, acc_sh.at[didx_v.at[g1]], add=True)

    _phase(0, True)

    @pl.when(cid == 0)
    def _():
        _phase(1, False)
        _phase(2, False)

    plsc.subcore_barrier()
    pltpu.sync_copy(acc_sh.at[pl.ds(sid * RPT, RPT)],
                    out_hbm.at[cid, pl.ds(sid * RPT, RPT)])


_agg = pl.kernel(
    _agg_body,
    out_type=jax.ShapeDtypeStruct((NC, NP, 128), jnp.float32),
    mesh=_mesh,
    scratch_types=[
        pltpu.VMEM((128,), jnp.int32),
        pltpu.VMEM((HGPT, CHUNK), jnp.int32),
        pltpu.VMEM((HGPT, CHUNK), jnp.int32),
        pltpu.VMEM((CHUNK, 128), jnp.float32),
        pltpu.VMEM((CHUNK, 128), jnp.float32),
        pltpu.SemaphoreType.DMA,
        pltpu.SemaphoreType.DMA,
        pltpu.VMEM_SHARED((NP, 128), jnp.float32),
    ],
)


def _matTt(a, w):
    return lax.dot_general(a, w, (((1,), (1,)), ((), ())),
                           preferred_element_type=jnp.float32)


def _pre_body(x_ref, w0_ref, dp_ref, dis_ref, hs0_ref):
    deg = dp_ref[0, :, 0:1] + dp_ref[1, :, 0:1] + 1.0
    dis = lax.rsqrt(deg)
    row = lax.broadcasted_iota(jnp.int32, (NP, 1), 0)
    dis_m = jnp.where(row < NN, dis, 0.0)
    h0 = _matTt(x_ref[...], w0_ref[...])
    dis_ref[...] = dis_m
    hs0_ref[...] = h0 * dis_m


_pre = pl.pallas_call(
    _pre_body,
    out_shape=[jax.ShapeDtypeStruct((NP, 1), jnp.float32),
               jax.ShapeDtypeStruct((NP, 128), jnp.float32)],
)


def _gcn_tail(agg_ref, hs_ref, dis_ref, b_ref):
    s = agg_ref[0] + agg_ref[1] + hs_ref[...]
    t = dis_ref[...] * s + b_ref[...]
    t = jnp.maximum(t, 0.0)
    nrm = jnp.sqrt(jnp.sum(t * t, axis=1, keepdims=True))
    return t / jnp.maximum(nrm, 1e-12)


def _mid_body(agg_ref, hs_ref, dis_ref, b_ref, w_ref, out_ref):
    t = _gcn_tail(agg_ref, hs_ref, dis_ref, b_ref)
    out_ref[...] = _matTt(t, w_ref[...]) * dis_ref[...]


_mid = pl.pallas_call(
    _mid_body,
    out_shape=jax.ShapeDtypeStruct((NP, 128), jnp.float32),
)


def _fin_body(agg_ref, hs_ref, dis_ref, b1_ref, wl1_ref, bl1_ref, wl2_ref,
              bl2_ref, out_ref):
    t = _gcn_tail(agg_ref, hs_ref, dis_ref, b1_ref)
    u = _matTt(t, wl1_ref[...]) + bl1_ref[...]
    u = jnp.where(u > 0.0, u, jnp.exp(jnp.minimum(u, 0.0)) - 1.0)
    o = _matTt(u, wl2_ref[...]) + bl2_ref[...]
    out_ref[...] = o[:NN, :]


_fin = pl.pallas_call(
    _fin_body,
    out_shape=jax.ShapeDtypeStruct((NN, 128), jnp.float32),
)


def kernel(x, edges, W0, b0, W1, b1, Wl1, bl1, Wl2, bl2):
    fill = jnp.full((EP - NE,), NN, jnp.int32)
    srcp = jnp.concatenate([edges[0].astype(jnp.int32),
                            fill]).reshape(NW * GPT, CHUNK)
    dstp = jnp.concatenate([edges[1].astype(jnp.int32),
                            fill]).reshape(NW * GPT, CHUNK)
    x_p = jnp.pad(x, ((0, NP - NN), (0, 0)))

    dp = _deg(dstp)
    dis, hs0 = _pre(x_p, W0, dp)
    agg0 = _agg(hs0, srcp, dstp)
    hs1 = _mid(agg0, hs0, dis, b0.reshape(1, -1), W1)
    agg1 = _agg(hs1, srcp, dstp)
    out = _fin(agg1, hs1, dis, b1.reshape(1, -1), Wl1, bl1.reshape(1, -1),
               Wl2, bl2.reshape(1, -1))
    return out

# --- scband reference (transcript-rebuilt; emitter-appended) ---
"""Pipeline reference for scband-gcnsy-62783831933365 (READ-ONLY COPY).

The authoritative reference and input builder live on the scoring server;
editing this copy changes nothing except your own understanding.
"""

import jax, jax.numpy as jnp
import numpy as np

N_NODES = 10000
N_EDGES = 320000
IN_DIM = 128
HID_DIM = 128
OUT_DIM = 128


def _glorot(key, shape):
    fan_in, fan_out = shape[1], shape[0]
    limit = (6.0 / (fan_in + fan_out)) ** 0.5
    return jax.random.uniform(key, shape, dtype=jnp.float32, minval=-limit, maxval=limit)


def setup_inputs(seed: int = 0) -> dict:
    key = jax.random.key(seed)
    ks = jax.random.split(key, 10)
    x = jax.random.normal(ks[0], (N_NODES, IN_DIM), dtype=jnp.float32)
    edges = jax.random.randint(ks[1], (2, N_EDGES), 0, N_NODES, dtype=jnp.int64)
    W0 = _glorot(ks[2], (HID_DIM, IN_DIM))
    b0 = jnp.zeros((HID_DIM,), dtype=jnp.float32)
    W1 = _glorot(ks[3], (HID_DIM, HID_DIM))
    b1 = jnp.zeros((HID_DIM,), dtype=jnp.float32)
    Wl1 = _glorot(ks[4], (HID_DIM, HID_DIM))
    bl1 = jax.random.uniform(ks[5], (HID_DIM,), dtype=jnp.float32, minval=-0.05, maxval=0.05)
    Wl2 = _glorot(ks[6], (OUT_DIM, HID_DIM))
    bl2 = jax.random.uniform(ks[7], (OUT_DIM,), dtype=jnp.float32, minval=-0.05, maxval=0.05)
    return {"x": x, "edges": edges, "W0": W0, "b0": b0, "W1": W1, "b1": b1,
            "Wl1": Wl1, "bl1": bl1, "Wl2": Wl2, "bl2": bl2}


def _gcn_conv(x, src, dst, W, b, num_nodes):
    # PyG GCNConv: linear transform, add self-loops, symmetric deg^{-1/2} A deg^{-1/2} aggregation, bias
    h = x @ W.T
    loop = jnp.arange(num_nodes, dtype=src.dtype)
    s = jnp.concatenate([src, loop])
    d = jnp.concatenate([dst, loop])
    ones = jnp.ones(d.shape[0], dtype=x.dtype)
    deg = jnp.zeros((num_nodes,), dtype=x.dtype).at[d].add(ones)
    deg_inv_sqrt = jnp.where(deg > 0, deg ** -0.5, 0.0)
    norm = deg_inv_sqrt[s] * deg_inv_sqrt[d]
    msgs = h[s] * norm[:, None]
    out = jax.ops.segment_sum(msgs, d, num_segments=num_nodes)
    return out + b


def _l2_normalize(x, eps=1e-12):
    nrm = jnp.sqrt(jnp.sum(x * x, axis=1, keepdims=True))
    return x / jnp.maximum(nrm, eps)


def reference(x, edges, W0, b0, W1, b1, Wl1, bl1, Wl2, bl2):
    src = edges[0]
    dst = edges[1]
    h = _gcn_conv(x, src, dst, W0, b0, N_NODES)
    h = jax.nn.relu(h)
    h = _l2_normalize(h)
    h = _gcn_conv(h, src, dst, W1, b1, N_NODES)
    h = jax.nn.relu(h)
    h = _l2_normalize(h)
    h = jax.nn.elu(h @ Wl1.T + bl1)
    out = h @ Wl2.T + bl2
    return out

if __name__ == "__main__":
    import jax
    _d = setup_inputs()
    print(jax.jit(kernel)(*tuple(_d.values())))

</pallas_src>

<mosaic_0001>
#map = affine_map<(d0, d1) -> (0, 0)>
#map1 = affine_map<(d0, d1) -> (0, 0, 0)>
module attributes {stable_mosaic.version = 14 : i64} {
  func.func @_deg_body(%arg0: i32, %arg1: i32, %arg2: memref<2560x128xi32, #tpu.memory_space<hbm>>, %arg3: memref<2x10240x128xf32, #tpu.memory_space<hbm>>, %arg4: memref<80xi32, #tpu.memory_space<vmem>>, %arg5: memref<80x128xi32, #tpu.memory_space<vmem>>, %arg6: memref<128x128xf32, #tpu.memory_space<vmem>>, %arg7: memref<10240x128xf32, #tpu.memory_space<vmem_shared>>) attributes {dimension_semantics = [#tpu.dimension_semantics<core_parallel>, #tpu.dimension_semantics<subcore_parallel>], iteration_bounds = array<i64: 2, 16>, scalar_prefetch = 0 : i64, scratch_operands = 4 : i64, tpu.core_type = #tpu.core_type<sc_vector_subcore>, window_params = [{transform_indices = #map}, {transform_indices = #map1}]} {
    %mul3A = arith.constant 16 : i32
    %mul3A_0 = arith.muli %arg0, %mul3A : i32
    %add3A = arith.addi %mul3A_0, %arg1 : i32
    %scan3A = arith.constant 0 : i32
    %scan3A_1 = arith.constant 5 : i32
    %scan3A_2 = arith.addi %scan3A, %scan3A_1 : i32
    %scan3A_3 = arith.constant 1 : i32
    scf.for %scan3A_45 = %scan3A to %scan3A_2 step %scan3A_3  : i32 {
      %mul3A_46 = arith.constant 16 : i32
      %mul3A_47 = arith.muli %scan3A_45, %mul3A_46 : i32
      %add3A_48 = arith.constant 0 : i32
      %add3A_49 = arith.addi %add3A_48, %mul3A_47 : i32
      %mul3A_50 = arith.constant 80 : i32
      %mul3A_51 = arith.muli %add3A, %mul3A_50 : i32
      %add3A_52 = arith.addi %mul3A_51, %add3A_49 : i32
      %iota3A = tpu.iota {dimensions = array<i32: 0>} : vector<16xi32>
      %add3A_53 = vector.broadcast %add3A_52 : i32 to vector<16xi32>
      %add3A_54 = arith.addi %add3A_53, %iota3A : vector<16xi32>
      %swap3A = arith.index_cast %add3A_49 : i32 to index
      %swap3A_55 = tpu.vector_load %arg4[%swap3A] {strides = array<i32>} : memref<80xi32, #tpu.memory_space<vmem>>, vector<16xi32>,
      %swap3A_56 = vector.shape_cast %swap3A_55 : vector<16xi32> to vector<16xi32>
      %swap3A_57 = vector.shape_cast %add3A_54 : vector<16xi32> to vector<16xi32>
      tpu.vector_store %arg4[%swap3A], %swap3A_57 {strides = array<i32>} : memref<80xi32, #tpu.memory_space<vmem>>, vector<16xi32>,
    }
    %scan3A_4 = arith.constant 5 : i32
    %scan3A_5 = arith.constant 0 : i32
    %scan3A_6 = arith.constant 128 : i32
    %scan3A_7 = arith.addi %scan3A_5, %scan3A_6 : i32
    %scan3A_8 = arith.constant 1 : i32
    scf.for %scan3A_45 = %scan3A_5 to %scan3A_7 step %scan3A_8  : i32 {
      %mul3A_46 = arith.constant 1 : i32
      %mul3A_47 = arith.muli %scan3A_45, %mul3A_46 : i32
      %add3A_48 = arith.constant 0 : i32
      %add3A_49 = arith.addi %add3A_48, %mul3A_47 : i32
      %scan3A_50 = arith.constant 0 : i32
      %scan3A_51 = arith.constant 8 : i32
      %scan3A_52 = arith.addi %scan3A_50, %scan3A_51 : i32
      %scan3A_53 = arith.constant 1 : i32
      scf.for %scan3A_55 = %scan3A_50 to %scan3A_52 step %scan3A_53  : i32 {
        %mul3A_56 = arith.constant 16 : i32
        %mul3A_57 = arith.muli %scan3A_55, %mul3A_56 : i32
        %add3A_58 = arith.constant 0 : i32
        %add3A_59 = arith.addi %add3A_58, %mul3A_57 : i32
        %broadcast_in_dim3A = arith.constant 0.000000e+00 : f32
        %broadcast_in_dim3A_60 = vector.broadcast %broadcast_in_dim3A : f32 to vector<16xf32>
        %swap3A = arith.index_cast %add3A_49 : i32 to index
        %swap3A_61 = arith.index_cast %add3A_59 : i32 to index
        %swap3A_62 = tpu.vector_load %arg6[%swap3A, %swap3A_61] {strides = array<i32>} : memref<128x128xf32, #tpu.memory_space<vmem>>, vector<1x16xf32>,
        %swap3A_63 = vector.shape_cast %swap3A_62 : vector<1x16xf32> to vector<16xf32>
        %swap3A_64 = vector.shape_cast %broadcast_in_dim3A_60 : vector<16xf32> to vector<1x16xf32>
        tpu.vector_store %arg6[%swap3A, %swap3A_61], %swap3A_64 {strides = array<i32>} : memref<128x128xf32, #tpu.memory_space<vmem>>, vector<1x16xf32>,
      }
      %scan3A_54 = arith.constant 8 : i32
    }
    %scan3A_9 = arith.constant 128 : i32
    %mul3A_10 = arith.constant 640 : i32
    %mul3A_11 = arith.muli %arg1, %mul3A_10 : i32
    %add3A_12 = arith.constant 0 : i32
    %add3A_13 = arith.addi %mul3A_11, %add3A_12 : i32
    "tpu.region"() ({
      %run_scoped3A = tpu.sem_alloc : memref<!tpu.dma_semaphore, #tpu.memory_space<semaphore_mem>>
      %dma_start3A = arith.constant 0 : i32
      %dma_start3A_45 = tpu.memref_slice %arg7[%add3A_13, %dma_start3A] : memref<10240x128xf32, #tpu.memory_space<vmem_shared>> -> memref<128x128xf32, #tpu.memory_space<vmem_shared>>
      %dma_start3A_46 = arith.constant 0 : i32
      %dma_start3A_47 = tpu.memref_slice %arg7[%add3A_13, %dma_start3A_46] : memref<10240x128xf32, #tpu.memory_space<vmem_shared>> -> memref<128x128xf32, #tpu.memory_space<vmem_shared>>
      tpu.enqueue_dma source(%arg6 : memref<128x128xf32, #tpu.memory_space<vmem>>) target(%dma_start3A_47 : memref<128x128xf32, #tpu.memory_space<vmem_shared>>) target_semaphore(%run_scoped3A : memref<!tpu.dma_semaphore, #tpu.memory_space<semaphore_mem>>)
      %dma_wait3A = arith.constant 0 : i32
      %dma_wait3A_48 = tpu.memref_slice %arg7[%add3A_13, %dma_wait3A] : memref<10240x128xf32, #tpu.memory_space<vmem_shared>> -> memref<128x128xf32, #tpu.memory_space<vmem_shared>>
      %dma_wait3A_49 = arith.constant 0 : i32
      %dma_wait3A_50 = tpu.memref_slice %arg7[%add3A_13, %dma_wait3A_49] : memref<10240x128xf32, #tpu.memory_space<vmem_shared>> -> memref<128x128xf32, #tpu.memory_space<vmem_shared>>
      tpu.wait_dma2 semaphore(%run_scoped3A : memref<!tpu.dma_semaphore, #tpu.memory_space<semaphore_mem>>) src(%arg6 : memref<128x128xf32, #tpu.memory_space<vmem>>) dst(%dma_wait3A_50 : memref<128x128xf32, #tpu.memory_space<vmem_shared>>)
      tpu.yield
    }) : () -> ()
    %mul3A_14 = arith.constant 640 : i32
    %mul3A_15 = arith.muli %arg1, %mul3A_14 : i32
    %add3A_16 = arith.constant 128 : i32
    %add3A_17 = arith.addi %mul3A_15, %add3A_16 : i32
    "tpu.region"() ({
      %run_scoped3A = tpu.sem_alloc : memref<!tpu.dma_semaphore, #tpu.memory_space<semaphore_mem>>
      %dma_start3A = arith.constant 0 : i32
      %dma_start3A_45 = tpu.memref_slice %arg7[%add3A_17, %dma_start3A] : memref<10240x128xf32, #tpu.memory_space<vmem_shared>> -> memref<128x128xf32, #tpu.memory_space<vmem_shared>>
      %dma_start3A_46 = arith.constant 0 : i32
      %dma_start3A_47 = tpu.memref_slice %arg7[%add3A_17, %dma_start3A_46] : memref<10240x128xf32, #tpu.memory_space<vmem_shared>> -> memref<128x128xf32, #tpu.memory_space<vmem_shared>>
      tpu.enqueue_dma source(%arg6 : memref<128x128xf32, #tpu.memory_space<vmem>>) target(%dma_start3A_47 : memref<128x128xf32, #tpu.memory_space<vmem_shared>>) target_semaphore(%run_scoped3A : memref<!tpu.dma_semaphore, #tpu.memory_space<semaphore_mem>>)
      %dma_wait3A = arith.constant 0 : i32
      %dma_wait3A_48 = tpu.memref_slice %arg7[%add3A_17, %dma_wait3A] : memref<10240x128xf32, #tpu.memory_space<vmem_shared>> -> memref<128x128xf32, #tpu.memory_space<vmem_shared>>
      %dma_wait3A_49 = arith.constant 0 : i32
      %dma_wait3A_50 = tpu.memref_slice %arg7[%add3A_17, %dma_wait3A_49] : memref<10240x128xf32, #tpu.memory_space<vmem_shared>> -> memref<128x128xf32, #tpu.memory_space<vmem_shared>>
      tpu.wait_dma2 semaphore(%run_scoped3A : memref<!tpu.dma_semaphore, #tpu.memory_space<semaphore_mem>>) src(%arg6 : memref<128x128xf32, #tpu.memory_space<vmem>>) dst(%dma_wait3A_50 : memref<128x128xf32, #tpu.memory_space<vmem_shared>>)
      tpu.yield
    }) : () -> ()
    %mul3A_18 = arith.constant 640 : i32
    %mul3A_19 = arith.muli %arg1, %mul3A_18 : i32
    %add3A_20 = arith.constant 256 : i32
    %add3A_21 = arith.addi %mul3A_19, %add3A_20 : i32
    "tpu.region"() ({
      %run_scoped3A = tpu.sem_alloc : memref<!tpu.dma_semaphore, #tpu.memory_space<semaphore_mem>>
      %dma_start3A = arith.constant 0 : i32
      %dma_start3A_45 = tpu.memref_slice %arg7[%add3A_21, %dma_start3A] : memref<10240x128xf32, #tpu.memory_space<vmem_shared>> -> memref<128x128xf32, #tpu.memory_space<vmem_shared>>
      %dma_start3A_46 = arith.constant 0 : i32
      %dma_start3A_47 = tpu.memref_slice %arg7[%add3A_21, %dma_start3A_46] : memref<10240x128xf32, #tpu.memory_space<vmem_shared>> -> memref<128x128xf32, #tpu.memory_space<vmem_shared>>
      tpu.enqueue_dma source(%arg6 : memref<128x128xf32, #tpu.memory_space<vmem>>) target(%dma_start3A_47 : memref<128x128xf32, #tpu.memory_space<vmem_shared>>) target_semaphore(%run_scoped3A : memref<!tpu.dma_semaphore, #tpu.memory_space<semaphore_mem>>)
      %dma_wait3A = arith.constant 0 : i32
      %dma_wait3A_48 = tpu.memref_slice %arg7[%add3A_21, %dma_wait3A] : memref<10240x128xf32, #tpu.memory_space<vmem_shared>> -> memref<128x128xf32, #tpu.memory_space<vmem_shared>>
      %dma_wait3A_49 = arith.constant 0 : i32
      %dma_wait3A_50 = tpu.memref_slice %arg7[%add3A_21, %dma_wait3A_49] : memref<10240x128xf32, #tpu.memory_space<vmem_shared>> -> memref<128x128xf32, #tpu.memory_space<vmem_shared>>
      tpu.wait_dma2 semaphore(%run_scoped3A : memref<!tpu.dma_semaphore, #tpu.memory_space<semaphore_mem>>) src(%arg6 : memref<128x128xf32, #tpu.memory_space<vmem>>) dst(%dma_wait3A_50 : memref<128x128xf32, #tpu.memory_space<vmem_shared>>)
      tpu.yield
    }) : () -> ()
    %mul3A_22 = arith.constant 640 : i32
    %mul3A_23 = arith.muli %arg1, %mul3A_22 : i32
    %add3A_24 = arith.constant 384 : i32
    %add3A_25 = arith.addi %mul3A_23, %add3A_24 : i32
    "tpu.region"() ({
      %run_scoped3A = tpu.sem_alloc : memref<!tpu.dma_semaphore, #tpu.memory_space<semaphore_mem>>
      %dma_start3A = arith.constant 0 : i32
      %dma_start3A_45 = tpu.memref_slice %arg7[%add3A_25, %dma_start3A] : memref<10240x128xf32, #tpu.memory_space<vmem_shared>> -> memref<128x128xf32, #tpu.memory_space<vmem_shared>>
      %dma_start3A_46 = arith.constant 0 : i32
      %dma_start3A_47 = tpu.memref_slice %arg7[%add3A_25, %dma_start3A_46] : memref<10240x128xf32, #tpu.memory_space<vmem_shared>> -> memref<128x128xf32, #tpu.memory_space<vmem_shared>>
      tpu.enqueue_dma source(%arg6 : memref<128x128xf32, #tpu.memory_space<vmem>>) target(%dma_start3A_47 : memref<128x128xf32, #tpu.memory_space<vmem_shared>>) target_semaphore(%run_scoped3A : memref<!tpu.dma_semaphore, #tpu.memory_space<semaphore_mem>>)
      %dma_wait3A = arith.constant 0 : i32
      %dma_wait3A_48 = tpu.memref_slice %arg7[%add3A_25, %dma_wait3A] : memref<10240x128xf32, #tpu.memory_space<vmem_shared>> -> memref<128x128xf32, #tpu.memory_space<vmem_shared>>
      %dma_wait3A_49 = arith.constant 0 : i32
      %dma_wait3A_50 = tpu.memref_slice %arg7[%add3A_25, %dma_wait3A_49] : memref<10240x128xf32, #tpu.memory_space<vmem_shared>> -> memref<128x128xf32, #tpu.memory_space<vmem_shared>>
      tpu.wait_dma2 semaphore(%run_scoped3A : memref<!tpu.dma_semaphore, #tpu.memory_space<semaphore_mem>>) src(%arg6 : memref<128x128xf32, #tpu.memory_space<vmem>>) dst(%dma_wait3A_50 : memref<128x128xf32, #tpu.memory_space<vmem_shared>>)
      tpu.yield
    }) : () -> ()
    %mul3A_26 = arith.constant 640 : i32
    %mul3A_27 = arith.muli %arg1, %mul3A_26 : i32
    %add3A_28 = arith.constant 512 : i32
    %add3A_29 = arith.addi %mul3A_27, %add3A_28 : i32
    "tpu.region"() ({
      %run_scoped3A = tpu.sem_alloc : memref<!tpu.dma_semaphore, #tpu.memory_space<semaphore_mem>>
      %dma_start3A = arith.constant 0 : i32
      %dma_start3A_45 = tpu.memref_slice %arg7[%add3A_29, %dma_start3A] : memref<10240x128xf32, #tpu.memory_space<vmem_shared>> -> memref<128x128xf32, #tpu.memory_space<vmem_shared>>
      %dma_start3A_46 = arith.constant 0 : i32
      %dma_start3A_47 = tpu.memref_slice %arg7[%add3A_29, %dma_start3A_46] : memref<10240x128xf32, #tpu.memory_space<vmem_shared>> -> memref<128x128xf32, #tpu.memory_space<vmem_shared>>
      tpu.enqueue_dma source(%arg6 : memref<128x128xf32, #tpu.memory_space<vmem>>) target(%dma_start3A_47 : memref<128x128xf32, #tpu.memory_space<vmem_shared>>) target_semaphore(%run_scoped3A : memref<!tpu.dma_semaphore, #tpu.memory_space<semaphore_mem>>)
      %dma_wait3A = arith.constant 0 : i32
      %dma_wait3A_48 = tpu.memref_slice %arg7[%add3A_29, %dma_wait3A] : memref<10240x128xf32, #tpu.memory_space<vmem_shared>> -> memref<128x128xf32, #tpu.memory_space<vmem_shared>>
      %dma_wait3A_49 = arith.constant 0 : i32
      %dma_wait3A_50 = tpu.memref_slice %arg7[%add3A_29, %dma_wait3A_49] : memref<10240x128xf32, #tpu.memory_space<vmem_shared>> -> memref<128x128xf32, #tpu.memory_space<vmem_shared>>
      tpu.wait_dma2 semaphore(%run_scoped3A : memref<!tpu.dma_semaphore, #tpu.memory_space<semaphore_mem>>) src(%arg6 : memref<128x128xf32, #tpu.memory_space<vmem>>) dst(%dma_wait3A_50 : memref<128x128xf32, #tpu.memory_space<vmem_shared>>)
      tpu.yield
    }) : () -> ()
    %scan3A_30 = arith.constant 0 : i32
    %scan3A_31 = arith.constant 128 : i32
    %scan3A_32 = arith.addi %scan3A_30, %scan3A_31 : i32
    %scan3A_33 = arith.constant 1 : i32
    scf.for %scan3A_45 = %scan3A_30 to %scan3A_32 step %scan3A_33  : i32 {
      %mul3A_46 = arith.constant 1 : i32
      %mul3A_47 = arith.muli %scan3A_45, %mul3A_46 : i32
      %add3A_48 = arith.constant 0 : i32
      %add3A_49 = arith.addi %add3A_48, %mul3A_47 : i32
      %scan3A_50 = arith.constant 0 : i32
      %scan3A_51 = arith.constant 8 : i32
      %scan3A_52 = arith.addi %scan3A_50, %scan3A_51 : i32
      %scan3A_53 = arith.constant 1 : i32
      scf.for %scan3A_55 = %scan3A_50 to %scan3A_52 step %scan3A_53  : i32 {
        %mul3A_56 = arith.constant 16 : i32
        %mul3A_57 = arith.muli %scan3A_55, %mul3A_56 : i32
        %add3A_58 = arith.constant 0 : i32
        %add3A_59 = arith.addi %add3A_58, %mul3A_57 : i32
        %broadcast_in_dim3A = arith.constant 1.000000e+00 : f32
        %broadcast_in_dim3A_60 = vector.broadcast %broadcast_in_dim3A : f32 to vector<16xf32>
        %swap3A = arith.index_cast %add3A_49 : i32 to index
        %swap3A_61 = arith.index_cast %add3A_59 : i32 to index
        %swap3A_62 = tpu.vector_load %arg6[%swap3A, %swap3A_61] {strides = array<i32>} : memref<128x128xf32, #tpu.memory_space<vmem>>, vector<1x16xf32>,
        %swap3A_63 = vector.shape_cast %swap3A_62 : vector<1x16xf32> to vector<16xf32>
        %swap3A_64 = vector.shape_cast %broadcast_in_dim3A_60 : vector<16xf32> to vector<1x16xf32>
        tpu.vector_store %arg6[%swap3A, %swap3A_61], %swap3A_64 {strides = array<i32>} : memref<128x128xf32, #tpu.memory_space<vmem>>, vector<1x16xf32>,
      }
      %scan3A_54 = arith.constant 8 : i32
    }
    %scan3A_34 = arith.constant 128 : i32
    "tpu.region"() ({
      %run_scoped3A = tpu.sem_alloc : memref<!tpu.dma_semaphore, #tpu.memory_space<semaphore_mem>>
      %dma_start3A = arith.constant 0 : i32
      %dma_start3A_45 = arith.constant 0 : i32
      %dma_start3A_46 = tpu.memref_slice %arg2[%dma_start3A, %dma_start3A_45] : memref<2560x128xi32, #tpu.memory_space<hbm>> -> memref<2560x128xi32, #tpu.memory_space<hbm>>
      tpu.enqueue_indirect_dma source(%dma_start3A_46 : memref<2560x128xi32, #tpu.memory_space<hbm>>) target(%arg5 : memref<80x128xi32, #tpu.memory_space<vmem>>) offsets(%arg4 : memref<80xi32, #tpu.memory_space<vmem>>) semaphore(%run_scoped3A : memref<!tpu.dma_semaphore, #tpu.memory_space<semaphore_mem>>)
      %dma_wait3A = arith.constant 0 : i32
      %dma_wait3A_47 = arith.constant 0 : i32
      %dma_wait3A_48 = tpu.memref_slice %arg2[%dma_wait3A, %dma_wait3A_47] : memref<2560x128xi32, #tpu.memory_space<hbm>> -> memref<2560x128xi32, #tpu.memory_space<hbm>>
      tpu.wait_indirect_dma semaphore(%run_scoped3A : memref<!tpu.dma_semaphore, #tpu.memory_space<semaphore_mem>>) src(%dma_wait3A_48 : memref<2560x128xi32, #tpu.memory_space<hbm>>) dst(%arg5 : memref<80x128xi32, #tpu.memory_space<vmem>>)
      tpu.yield
    }) : () -> ()
    %barrier3A = arith.constant 0 : index
    tpu.barrier barrier_id(%barrier3A)
    %scan3A_35 = arith.constant 0 : i32
    %scan3A_36 = arith.constant 80 : i32
    %scan3A_37 = arith.addi %scan3A_35, %scan3A_36 : i32
    %scan3A_38 = arith.constant 1 : i32
    scf.for %scan3A_45 = %scan3A_35 to %scan3A_37 step %scan3A_38  : i32 {
      %mul3A_46 = arith.constant 1 : i32
      %mul3A_47 = arith.muli %scan3A_45, %mul3A_46 : i32
      %add3A_48 = arith.constant 0 : i32
      %add3A_49 = arith.addi %add3A_48, %mul3A_47 : i32
      "tpu.region"() ({
        %run_scoped3A = tpu.sem_alloc : memref<!tpu.dma_semaphore, #tpu.memory_space<semaphore_mem>>
        %dma_start3A = arith.constant 0 : i32
        %dma_start3A_50 = tpu.memref_slice %arg5[%add3A_49, %dma_start3A] : memref<80x128xi32, #tpu.memory_space<vmem>> -> memref<1x128xi32, #tpu.memory_space<vmem>>
        %dma_start3A_51 = tpu.memref_squeeze %dma_start3A_50 : memref<1x128xi32, #tpu.memory_space<vmem>> -> memref<128xi32, #tpu.memory_space<vmem>>
        %dma_start3A_52 = arith.constant 0 : i32
        %dma_start3A_53 = arith.constant 0 : i32
        %dma_start3A_54 = tpu.memref_slice %arg7[%dma_start3A_52, %dma_start3A_53] : memref<10240x128xf32, #tpu.memory_space<vmem_shared>> -> memref<10240x128xf32, #tpu.memory_space<vmem_shared>>
        tpu.enqueue_indirect_dma source(%arg6 : memref<128x128xf32, #tpu.memory_space<vmem>>) target(%dma_start3A_54 : memref<10240x128xf32, #tpu.memory_space<vmem_shared>>) offsets(%dma_start3A_51 : memref<128xi32, #tpu.memory_space<vmem>>) semaphore(%run_scoped3A : memref<!tpu.dma_semaphore, #tpu.memory_space<semaphore_mem>>) {add = true}
        %dma_wait3A = arith.constant 0 : i32
        %dma_wait3A_55 = tpu.memref_slice %arg5[%add3A_49, %dma_wait3A] : memref<80x128xi32, #tpu.memory_space<vmem>> -> memref<1x128xi32, #tpu.memory_space<vmem>>
        %dma_wait3A_56 = tpu.memref_squeeze %dma_wait3A_55 : memref<1x128xi32, #tpu.memory_space<vmem>> -> memref<128xi32, #tpu.memory_space<vmem>>
        %dma_wait3A_57 = arith.constant 0 : i32
        %dma_wait3A_58 = arith.constant 0 : i32
        %dma_wait3A_59 = tpu.memref_slice %arg7[%dma_wait3A_57, %dma_wait3A_58] : memref<10240x128xf32, #tpu.memory_space<vmem_shared>> -> memref<10240x128xf32, #tpu.memory_space<vmem_shared>>
        tpu.wait_indirect_dma semaphore(%run_scoped3A : memref<!tpu.dma_semaphore, #tpu.memory_space<semaphore_mem>>) src(%arg6 : memref<128x128xf32, #tpu.memory_space<vmem>>) dst(%dma_wait3A_59 : memref<10240x128xf32, #tpu.memory_space<vmem_shared>>)
        tpu.yield
      }) : () -> ()
    }
    %scan3A_39 = arith.constant 80 : i32
    %barrier3A_40 = arith.constant 0 : index
    tpu.barrier barrier_id(%barrier3A_40)
    %mul3A_41 = arith.constant 640 : i32
    %mul3A_42 = arith.muli %arg1, %mul3A_41 : i32
    %mul3A_43 = arith.constant 640 : i32
    %mul3A_44 = arith.muli %arg1, %mul3A_43 : i32
    "tpu.region"() ({
      %run_scoped3A = tpu.sem_alloc : memref<!tpu.dma_semaphore, #tpu.memory_space<semaphore_mem>>
      %dma_start3A = arith.constant 0 : i32
      %dma_start3A_45 = tpu.memref_slice %arg3[%arg0, %mul3A_44, %dma_start3A] : memref<2x10240x128xf32, #tpu.memory_space<hbm>> -> memref<1x640x128xf32, #tpu.memory_space<hbm>>
      %dma_start3A_46 = tpu.memref_squeeze %dma_start3A_45 : memref<1x640x128xf32, #tpu.memory_space<hbm>> -> memref<640x128xf32, #tpu.memory_space<hbm>>
      %dma_start3A_47 = arith.constant 0 : i32
      %dma_start3A_48 = tpu.memref_slice %arg7[%mul3A_42, %dma_start3A_47] : memref<10240x128xf32, #tpu.memory_space<vmem_shared>> -> memref<640x128xf32, #tpu.memory_space<vmem_shared>>
      tpu.enqueue_dma source(%dma_start3A_48 : memref<640x128xf32, #tpu.memory_space<vmem_shared>>) target(%dma_start3A_46 : memref<640x128xf32, #tpu.memory_space<hbm>>) target_semaphore(%run_scoped3A : memref<!tpu.dma_semaphore, #tpu.memory_space<semaphore_mem>>)
      %dma_wait3A = arith.constant 0 : i32
      %dma_wait3A_49 = tpu.memref_slice %arg3[%arg0, %mul3A_44, %dma_wait3A] : memref<2x10240x128xf32, #tpu.memory_space<hbm>> -> memref<1x640x128xf32, #tpu.memory_space<hbm>>
      %dma_wait3A_50 = tpu.memref_squeeze %dma_wait3A_49 : memref<1x640x128xf32, #tpu.memory_space<hbm>> -> memref<640x128xf32, #tpu.memory_space<hbm>>
      %dma_wait3A_51 = arith.constant 0 : i32
      %dma_wait3A_52 = tpu.memref_slice %arg7[%mul3A_42, %dma_wait3A_51] : memref<10240x128xf32, #tpu.memory_space<vmem_shared>> -> memref<640x128xf32, #tpu.memory_space<vmem_shared>>
      tpu.wait_dma2 semaphore(%run_scoped3A : memref<!tpu.dma_semaphore, #tpu.memory_space<semaphore_mem>>) src(%dma_wait3A_52 : memref<640x128xf32, #tpu.memory_space<vmem_shared>>) dst(%dma_wait3A_50 : memref<640x128xf32, #tpu.memory_space<hbm>>)
      tpu.yield
    }) : () -> ()
    return
  }
}

#map = affine_map<(d0, d1) -> (0, 0)>
#map1 = affine_map<(d0, d1) -> (0, 0, 0)>
module attributes {stable_mosaic.version = 14 : i64} {
  func.func @_agg_body(%arg0: i32, %arg1: i32, %arg2: memref<10240x128xf32, #tpu.memory_space<hbm>>, %arg3: memref<2560x128xi32, #tpu.memory_space<hbm>>, %arg4: memref<2560x128xi32, #tpu.memory_space<hbm>>, %arg5: memref<2x10240x128xf32, #tpu.memory_space<hbm>>, %arg6: memref<128xi32, #tpu.memory_space<vmem>>, %arg7: memref<40x128xi32, #tpu.memory_space<vmem>>, %arg8: memref<40x128xi32, #tpu.memory_space<vmem>>, %arg9: memref<128x128xf32, #tpu.memory_space<vmem>>, %arg10: memref<128x128xf32, #tpu.memory_space<vmem>>, %arg11: memref<!tpu.dma_semaphore, #tpu.memory_space<semaphore_mem>>, %arg12: memref<!tpu.dma_semaphore, #tpu.memory_space<semaphore_mem>>, %arg13: memref<10240x128xf32, #tpu.memory_space<vmem_shared>>) attributes {dimension_semantics = [#tpu.dimension_semantics<core_parallel>, #tpu.dimension_semantics<subcore_parallel>], iteration_bounds = array<i64: 2, 16>, scalar_prefetch = 0 : i64, scratch_operands = 8 : i64, tpu.core_type = #tpu.core_type<sc_vector_subcore>, window_params = [{transform_indices = #map}, {transform_indices = #map}, {transform_indices = #map}, {transform_indices = #map1}]} {
    %eq3A = arith.constant 0 : i32
    %eq3A_0 = arith.cmpi eq, %arg0, %eq3A : i32
    %mul3A = arith.constant 120 : i32
    %mul3A_1 = arith.muli %arg1, %mul3A : i32
    %mul3A_2 = arith.constant 40 : i32
    %mul3A_3 = arith.muli %arg1, %mul3A_2 : i32
    %add3A = arith.constant 1920 : i32
    %add3A_4 = arith.addi %add3A, %mul3A_3 : i32
    %select_n3A = arith.select %eq3A_0, %mul3A_1, %add3A_4 : i32
    %scan3A = arith.constant 0 : i32
    %scan3A_5 = arith.constant 8 : i32
    %scan3A_6 = arith.addi %scan3A, %scan3A_5 : i32
    %scan3A_7 = arith.constant 1 : i32
    scf.for %scan3A_53 = %scan3A to %scan3A_6 step %scan3A_7  : i32 {
      %mul3A_54 = arith.constant 16 : i32
      %mul3A_55 = arith.muli %scan3A_53, %mul3A_54 : i32
      %add3A_56 = arith.constant 0 : i32
      %add3A_57 = arith.addi %add3A_56, %mul3A_55 : i32
      %add3A_58 = arith.addi %select_n3A, %add3A_57 : i32
      %iota3A = tpu.iota {dimensions = array<i32: 0>} : vector<16xi32>
      %add3A_59 = vector.broadcast %add3A_58 : i32 to vector<16xi32>
      %add3A_60 = arith.addi %add3A_59, %iota3A : vector<16xi32>
      %swap3A = arith.index_cast %add3A_57 : i32 to index
      %swap3A_61 = tpu.vector_load %arg6[%swap3A] {strides = array<i32>} : memref<128xi32, #tpu.memory_space<vmem>>, vector<16xi32>,
      %swap3A_62 = vector.shape_cast %swap3A_61 : vector<16xi32> to vector<16xi32>
      %swap3A_63 = vector.shape_cast %add3A_60 : vector<16xi32> to vector<16xi32>
      tpu.vector_store %arg6[%swap3A], %swap3A_63 {strides = array<i32>} : memref<128xi32, #tpu.memory_space<vmem>>, vector<16xi32>,
    }
    %scan3A_8 = arith.constant 8 : i32
    %scan3A_9 = arith.constant 0 : i32
    %scan3A_10 = arith.constant 128 : i32
    %scan3A_11 = arith.addi %scan3A_9, %scan3A_10 : i32
    %scan3A_12 = arith.constant 1 : i32
    scf.for %scan3A_53 = %scan3A_9 to %scan3A_11 step %scan3A_12  : i32 {
      %mul3A_54 = arith.constant 1 : i32
      %mul3A_55 = arith.muli %scan3A_53, %mul3A_54 : i32
      %add3A_56 = arith.constant 0 : i32
      %add3A_57 = arith.addi %add3A_56, %mul3A_55 : i32
      %scan3A_58 = arith.constant 0 : i32
      %scan3A_59 = arith.constant 8 : i32
      %scan3A_60 = arith.addi %scan3A_58, %scan3A_59 : i32
      %scan3A_61 = arith.constant 1 : i32
      scf.for %scan3A_63 = %scan3A_58 to %scan3A_60 step %scan3A_61  : i32 {
        %mul3A_64 = arith.constant 16 : i32
        %mul3A_65 = arith.muli %scan3A_63, %mul3A_64 : i32
        %add3A_66 = arith.constant 0 : i32
        %add3A_67 = arith.addi %add3A_66, %mul3A_65 : i32
        %broadcast_in_dim3A = arith.constant 0.000000e+00 : f32
        %broadcast_in_dim3A_68 = vector.broadcast %broadcast_in_dim3A : f32 to vector<16xf32>
        %swap3A = arith.index_cast %add3A_57 : i32 to index
        %swap3A_69 = arith.index_cast %add3A_67 : i32 to index
        %swap3A_70 = tpu.vector_load %arg9[%swap3A, %swap3A_69] {strides = array<i32>} : memref<128x128xf32, #tpu.memory_space<vmem>>, vector<1x16xf32>,
        %swap3A_71 = vector.shape_cast %swap3A_70 : vector<1x16xf32> to vector<16xf32>
        %swap3A_72 = vector.shape_cast %broadcast_in_dim3A_68 : vector<16xf32> to vector<1x16xf32>
        tpu.vector_store %arg9[%swap3A, %swap3A_69], %swap3A_72 {strides = array<i32>} : memref<128x128xf32, #tpu.memory_space<vmem>>, vector<1x16xf32>,
      }
      %scan3A_62 = arith.constant 8 : i32
    }
    %scan3A_13 = arith.constant 128 : i32
    %mul3A_14 = arith.constant 640 : i32
    %mul3A_15 = arith.muli %arg1, %mul3A_14 : i32
    %add3A_16 = arith.constant 0 : i32
    %add3A_17 = arith.addi %mul3A_15, %add3A_16 : i32
    "tpu.region"() ({
      %run_scoped3A = tpu.sem_alloc : memref<!tpu.dma_semaphore, #tpu.memory_space<semaphore_mem>>
      %dma_start3A_53 = arith.constant 0 : i32
      %dma_start3A_54 = tpu.memref_slice %arg13[%add3A_17, %dma_start3A_53] : memref<10240x128xf32, #tpu.memory_space<vmem_shared>> -> memref<128x128xf32, #tpu.memory_space<vmem_shared>>
      %dma_start3A_55 = arith.constant 0 : i32
      %dma_start3A_56 = tpu.memref_slice %arg13[%add3A_17, %dma_start3A_55] : memref<10240x128xf32, #tpu.memory_space<vmem_shared>> -> memref<128x128xf32, #tpu.memory_space<vmem_shared>>
      tpu.enqueue_dma source(%arg9 : memref<128x128xf32, #tpu.memory_space<vmem>>) target(%dma_start3A_56 : memref<128x128xf32, #tpu.memory_space<vmem_shared>>) target_semaphore(%run_scoped3A : memref<!tpu.dma_semaphore, #tpu.memory_space<semaphore_mem>>)
      %dma_wait3A = arith.constant 0 : i32
      %dma_wait3A_57 = tpu.memref_slice %arg13[%add3A_17, %dma_wait3A] : memref<10240x128xf32, #tpu.memory_space<vmem_shared>> -> memref<128x128xf32, #tpu.memory_space<vmem_shared>>
      %dma_wait3A_58 = arith.constant 0 : i32
      %dma_wait3A_59 = tpu.memref_slice %arg13[%add3A_17, %dma_wait3A_58] : memref<10240x128xf32, #tpu.memory_space<vmem_shared>> -> memref<128x128xf32, #tpu.memory_space<vmem_shared>>
      tpu.wait_dma2 semaphore(%run_scoped3A : memref<!tpu.dma_semaphore, #tpu.memory_space<semaphore_mem>>) src(%arg9 : memref<128x128xf32, #tpu.memory_space<vmem>>) dst(%dma_wait3A_59 : memref<128x128xf32, #tpu.memory_space<vmem_shared>>)
      tpu.yield
    }) : () -> ()
    %mul3A_18 = arith.constant 640 : i32
    %mul3A_19 = arith.muli %arg1, %mul3A_18 : i32
    %add3A_20 = arith.constant 128 : i32
    %add3A_21 = arith.addi %mul3A_19, %add3A_20 : i32
    "tpu.region"() ({
      %run_scoped3A = tpu.sem_alloc : memref<!tpu.dma_semaphore, #tpu.memory_space<semaphore_mem>>
      %dma_start3A_53 = arith.constant 0 : i32
      %dma_start3A_54 = tpu.memref_slice %arg13[%add3A_21, %dma_start3A_53] : memref<10240x128xf32, #tpu.memory_space<vmem_shared>> -> memref<128x128xf32, #tpu.memory_space<vmem_shared>>
      %dma_start3A_55 = arith.constant 0 : i32
      %dma_start3A_56 = tpu.memref_slice %arg13[%add3A_21, %dma_start3A_55] : memref<10240x128xf32, #tpu.memory_space<vmem_shared>> -> memref<128x128xf32, #tpu.memory_space<vmem_shared>>
      tpu.enqueue_dma source(%arg9 : memref<128x128xf32, #tpu.memory_space<vmem>>) target(%dma_start3A_56 : memref<128x128xf32, #tpu.memory_space<vmem_shared>>) target_semaphore(%run_scoped3A : memref<!tpu.dma_semaphore, #tpu.memory_space<semaphore_mem>>)
      %dma_wait3A = arith.constant 0 : i32
      %dma_wait3A_57 = tpu.memref_slice %arg13[%add3A_21, %dma_wait3A] : memref<10240x128xf32, #tpu.memory_space<vmem_shared>> -> memref<128x128xf32, #tpu.memory_space<vmem_shared>>
      %dma_wait3A_58 = arith.constant 0 : i32
      %dma_wait3A_59 = tpu.memref_slice %arg13[%add3A_21, %dma_wait3A_58] : memref<10240x128xf32, #tpu.memory_space<vmem_shared>> -> memref<128x128xf32, #tpu.memory_space<vmem_shared>>
      tpu.wait_dma2 semaphore(%run_scoped3A : memref<!tpu.dma_semaphore, #tpu.memory_space<semaphore_mem>>) src(%arg9 : memref<128x128xf32, #tpu.memory_space<vmem>>) dst(%dma_wait3A_59 : memref<128x128xf32, #tpu.memory_space<vmem_shared>>)
      tpu.yield
    }) : () -> ()
    %mul3A_22 = arith.constant 640 : i32
    %mul3A_23 = arith.muli %arg1, %mul3A_22 : i32
    %add3A_24 = arith.constant 256 : i32
    %add3A_25 = arith.addi %mul3A_23, %add3A_24 : i32
    "tpu.region"() ({
      %run_scoped3A = tpu.sem_alloc : memref<!tpu.dma_semaphore, #tpu.memory_space<semaphore_mem>>
      %dma_start3A_53 = arith.constant 0 : i32
      %dma_start3A_54 = tpu.memref_slice %arg13[%add3A_25, %dma_start3A_53] : memref<10240x128xf32, #tpu.memory_space<vmem_shared>> -> memref<128x128xf32, #tpu.memory_space<vmem_shared>>
      %dma_start3A_55 = arith.constant 0 : i32
      %dma_start3A_56 = tpu.memref_slice %arg13[%add3A_25, %dma_start3A_55] : memref<10240x128xf32, #tpu.memory_space<vmem_shared>> -> memref<128x128xf32, #tpu.memory_space<vmem_shared>>
      tpu.enqueue_dma source(%arg9 : memref<128x128xf32, #tpu.memory_space<vmem>>) target(%dma_start3A_56 : memref<128x128xf32, #tpu.memory_space<vmem_shared>>) target_semaphore(%run_scoped3A : memref<!tpu.dma_semaphore, #tpu.memory_space<semaphore_mem>>)
      %dma_wait3A = arith.constant 0 : i32
      %dma_wait3A_57 = tpu.memref_slice %arg13[%add3A_25, %dma_wait3A] : memref<10240x128xf32, #tpu.memory_space<vmem_shared>> -> memref<128x128xf32, #tpu.memory_space<vmem_shared>>
      %dma_wait3A_58 = arith.constant 0 : i32
      %dma_wait3A_59 = tpu.memref_slice %arg13[%add3A_25, %dma_wait3A_58] : memref<10240x128xf32, #tpu.memory_space<vmem_shared>> -> memref<128x128xf32, #tpu.memory_space<vmem_shared>>
      tpu.wait_dma2 semaphore(%run_scoped3A : memref<!tpu.dma_semaphore, #tpu.memory_space<semaphore_mem>>) src(%arg9 : memref<128x128xf32, #tpu.memory_space<vmem>>) dst(%dma_wait3A_59 : memref<128x128xf32, #tpu.memory_space<vmem_shared>>)
      tpu.yield
    }) : () -> ()
    %mul3A_26 = arith.constant 640 : i32
    %mul3A_27 = arith.muli %arg1, %mul3A_26 : i32
    %add3A_28 = arith.constant 384 : i32
    %add3A_29 = arith.addi %mul3A_27, %add3A_28 : i32
    "tpu.region"() ({
      %run_scoped3A = tpu.sem_alloc : memref<!tpu.dma_semaphore, #tpu.memory_space<semaphore_mem>>
      %dma_start3A_53 = arith.constant 0 : i32
      %dma_start3A_54 = tpu.memref_slice %arg13[%add3A_29, %dma_start3A_53] : memref<10240x128xf32, #tpu.memory_space<vmem_shared>> -> memref<128x128xf32, #tpu.memory_space<vmem_shared>>
      %dma_start3A_55 = arith.constant 0 : i32
      %dma_start3A_56 = tpu.memref_slice %arg13[%add3A_29, %dma_start3A_55] : memref<10240x128xf32, #tpu.memory_space<vmem_shared>> -> memref<128x128xf32, #tpu.memory_space<vmem_shared>>
      tpu.enqueue_dma source(%arg9 : memref<128x128xf32, #tpu.memory_space<vmem>>) target(%dma_start3A_56 : memref<128x128xf32, #tpu.memory_space<vmem_shared>>) target_semaphore(%run_scoped3A : memref<!tpu.dma_semaphore, #tpu.memory_space<semaphore_mem>>)
      %dma_wait3A = arith.constant 0 : i32
      %dma_wait3A_57 = tpu.memref_slice %arg13[%add3A_29, %dma_wait3A] : memref<10240x128xf32, #tpu.memory_space<vmem_shared>> -> memref<128x128xf32, #tpu.memory_space<vmem_shared>>
      %dma_wait3A_58 = arith.constant 0 : i32
      %dma_wait3A_59 = tpu.memref_slice %arg13[%add3A_29, %dma_wait3A_58] : memref<10240x128xf32, #tpu.memory_space<vmem_shared>> -> memref<128x128xf32, #tpu.memory_space<vmem_shared>>
      tpu.wait_dma2 semaphore(%run_scoped3A : memref<!tpu.dma_semaphore, #tpu.memory_space<semaphore_mem>>) src(%arg9 : memref<128x128xf32, #tpu.memory_space<vmem>>) dst(%dma_wait3A_59 : memref<128x128xf32, #tpu.memory_space<vmem_shared>>)
      tpu.yield
    }) : () -> ()
    %mul3A_30 = arith.constant 640 : i32
    %mul3A_31 = arith.muli %arg1, %mul3A_30 : i32
    %add3A_32 = arith.constant 512 : i32
    %add3A_33 = arith.addi %mul3A_31, %add3A_32 : i32
    "tpu.region"() ({
      %run_scoped3A = tpu.sem_alloc : memref<!tpu.dma_semaphore, #tpu.memory_space<semaphore_mem>>
      %dma_start3A_53 = arith.constant 0 : i32
      %dma_start3A_54 = tpu.memref_slice %arg13[%add3A_33, %dma_start3A_53] : memref<10240x128xf32, #tpu.memory_space<vmem_shared>> -> memref<128x128xf32, #tpu.memory_space<vmem_shared>>
      %dma_start3A_55 = arith.constant 0 : i32
      %dma_start3A_56 = tpu.memref_slice %arg13[%add3A_33, %dma_start3A_55] : memref<10240x128xf32, #tpu.memory_space<vmem_shared>> -> memref<128x128xf32, #tpu.memory_space<vmem_shared>>
      tpu.enqueue_dma source(%arg9 : memref<128x128xf32, #tpu.memory_space<vmem>>) target(%dma_start3A_56 : memref<128x128xf32, #tpu.memory_space<vmem_shared>>) target_semaphore(%run_scoped3A : memref<!tpu.dma_semaphore, #tpu.memory_space<semaphore_mem>>)
      %dma_wait3A = arith.constant 0 : i32
      %dma_wait3A_57 = tpu.memref_slice %arg13[%add3A_33, %dma_wait3A] : memref<10240x128xf32, #tpu.memory_space<vmem_shared>> -> memref<128x128xf32, #tpu.memory_space<vmem_shared>>
      %dma_wait3A_58 = arith.constant 0 : i32
      %dma_wait3A_59 = tpu.memref_slice %arg13[%add3A_33, %dma_wait3A_58] : memref<10240x128xf32, #tpu.memory_space<vmem_shared>> -> memref<128x128xf32, #tpu.memory_space<vmem_shared>>
      tpu.wait_dma2 semaphore(%run_scoped3A : memref<!tpu.dma_semaphore, #tpu.memory_space<semaphore_mem>>) src(%arg9 : memref<128x128xf32, #tpu.memory_space<vmem>>) dst(%dma_wait3A_59 : memref<128x128xf32, #tpu.memory_space<vmem_shared>>)
      tpu.yield
    }) : () -> ()
    "tpu.region"() ({
      %run_scoped3A = tpu.sem_alloc : memref<!tpu.dma_semaphore, #tpu.memory_space<semaphore_mem>>
      %dma_start3A_53 = arith.constant 0 : i32
      %dma_start3A_54 = tpu.memref_slice %arg6[%dma_start3A_53] : memref<128xi32, #tpu.memory_space<vmem>> -> memref<40xi32, #tpu.memory_space<vmem>>
      %dma_start3A_55 = arith.constant 0 : i32
      %dma_start3A_56 = arith.constant 0 : i32
      %dma_start3A_57 = tpu.memref_slice %arg3[%dma_start3A_55, %dma_start3A_56] : memref<2560x128xi32, #tpu.memory_space<hbm>> -> memref<2560x128xi32, #tpu.memory_space<hbm>>
      tpu.enqueue_indirect_dma source(%dma_start3A_57 : memref<2560x128xi32, #tpu.memory_space<hbm>>) target(%arg7 : memref<40x128xi32, #tpu.memory_space<vmem>>) offsets(%dma_start3A_54 : memref<40xi32, #tpu.memory_space<vmem>>) semaphore(%run_scoped3A : memref<!tpu.dma_semaphore, #tpu.memory_space<semaphore_mem>>)
      %dma_wait3A = arith.constant 0 : i32
      %dma_wait3A_58 = tpu.memref_slice %arg6[%dma_wait3A] : memref<128xi32, #tpu.memory_space<vmem>> -> memref<40xi32, #tpu.memory_space<vmem>>
      %dma_wait3A_59 = arith.constant 0 : i32
      %dma_wait3A_60 = arith.constant 0 : i32
      %dma_wait3A_61 = tpu.memref_slice %arg3[%dma_wait3A_59, %dma_wait3A_60] : memref<2560x128xi32, #tpu.memory_space<hbm>> -> memref<2560x128xi32, #tpu.memory_space<hbm>>
      tpu.wait_indirect_dma semaphore(%run_scoped3A : memref<!tpu.dma_semaphore, #tpu.memory_space<semaphore_mem>>) src(%dma_wait3A_61 : memref<2560x128xi32, #tpu.memory_space<hbm>>) dst(%arg7 : memref<40x128xi32, #tpu.memory_space<vmem>>)
      tpu.yield
    }) : () -> ()
    "tpu.region"() ({
      %run_scoped3A = tpu.sem_alloc : memref<!tpu.dma_semaphore, #tpu.memory_space<semaphore_mem>>
      %dma_start3A_53 = arith.constant 0 : i32
      %dma_start3A_54 = tpu.memref_slice %arg6[%dma_start3A_53] : memref<128xi32, #tpu.memory_space<vmem>> -> memref<40xi32, #tpu.memory_space<vmem>>
      %dma_start3A_55 = arith.constant 0 : i32
      %dma_start3A_56 = arith.constant 0 : i32
      %dma_start3A_57 = tpu.memref_slice %arg4[%dma_start3A_55, %dma_start3A_56] : memref<2560x128xi32, #tpu.memory_space<hbm>> -> memref<2560x128xi32, #tpu.memory_space<hbm>>
      tpu.enqueue_indirect_dma source(%dma_start3A_57 : memref<2560x128xi32, #tpu.memory_space<hbm>>) target(%arg8 : memref<40x128xi32, #tpu.memory_space<vmem>>) offsets(%dma_start3A_54 : memref<40xi32, #tpu.memory_space<vmem>>) semaphore(%run_scoped3A : memref<!tpu.dma_semaphore, #tpu.memory_space<semaphore_mem>>)
      %dma_wait3A = arith.constant 0 : i32
      %dma_wait3A_58 = tpu.memref_slice %arg6[%dma_wait3A] : memref<128xi32, #tpu.memory_space<vmem>> -> memref<40xi32, #tpu.memory_space<vmem>>
      %dma_wait3A_59 = arith.constant 0 : i32
      %dma_wait3A_60 = arith.constant 0 : i32
      %dma_wait3A_61 = tpu.memref_slice %arg4[%dma_wait3A_59, %dma_wait3A_60] : memref<2560x128xi32, #tpu.memory_space<hbm>> -> memref<2560x128xi32, #tpu.memory_space<hbm>>
      tpu.wait_indirect_dma semaphore(%run_scoped3A : memref<!tpu.dma_semaphore, #tpu.memory_space<semaphore_mem>>) src(%dma_wait3A_61 : memref<2560x128xi32, #tpu.memory_space<hbm>>) dst(%arg8 : memref<40x128xi32, #tpu.memory_space<vmem>>)
      tpu.yield
    }) : () -> ()
    %barrier3A = arith.constant 0 : index
    tpu.barrier barrier_id(%barrier3A)
    %dma_start3A = arith.constant 0 : i32
    %dma_start3A_34 = arith.constant 0 : i32
    %dma_start3A_35 = tpu.memref_slice %arg7[%dma_start3A, %dma_start3A_34] : memref<40x128xi32, #tpu.memory_space<vmem>> -> memref<1x128xi32, #tpu.memory_space<vmem>>
    %dma_start3A_36 = tpu.memref_squeeze %dma_start3A_35 : memref<1x128xi32, #tpu.memory_space<vmem>> -> memref<128xi32, #tpu.memory_space<vmem>>
    %dma_start3A_37 = arith.constant 0 : i32
    %dma_start3A_38 = arith.constant 0 : i32
    %dma_start3A_39 = tpu.memref_slice %arg2[%dma_start3A_37, %dma_start3A_38] : memref<10240x128xf32, #tpu.memory_space<hbm>> -> memref<10240x128xf32, #tpu.memory_space<hbm>>
    tpu.enqueue_indirect_dma source(%dma_start3A_39 : memref<10240x128xf32, #tpu.memory_space<hbm>>) target(%arg9 : memref<128x128xf32, #tpu.memory_space<vmem>>) offsets(%dma_start3A_36 : memref<128xi32, #tpu.memory_space<vmem>>) semaphore(%arg11 : memref<!tpu.dma_semaphore, #tpu.memory_space<semaphore_mem>>)
    %scan3A_40 = arith.constant 0 : i32
    %scan3A_41 = arith.constant 20 : i32
    %scan3A_42 = arith.addi %scan3A_40, %scan3A_41 : i32
    %scan3A_43 = arith.constant 1 : i32
    scf.for %scan3A_53 = %scan3A_40 to %scan3A_42 step %scan3A_43  : i32 {
      %mul3A_54 = arith.constant 1 : i32
      %mul3A_55 = arith.muli %scan3A_53, %mul3A_54 : i32
      %add3A_56 = arith.constant 0 : i32
      %add3A_57 = arith.addi %add3A_56, %mul3A_55 : i32
      %mul3A_58 = arith.constant 2 : i32
      %mul3A_59 = arith.muli %mul3A_58, %add3A_57 : i32
      %add3A_60 = arith.constant 1 : i32
      %add3A_61 = arith.addi %mul3A_59, %add3A_60 : i32
      %dma_wait3A = arith.constant 0 : i32
      %dma_wait3A_62 = tpu.memref_slice %arg7[%mul3A_59, %dma_wait3A] : memref<40x128xi32, #tpu.memory_space<vmem>> -> memref<1x128xi32, #tpu.memory_space<vmem>>
      %dma_wait3A_63 = tpu.memref_squeeze %dma_wait3A_62 : memref<1x128xi32, #tpu.memory_space<vmem>> -> memref<128xi32, #tpu.memory_space<vmem>>
      %dma_wait3A_64 = arith.constant 0 : i32
      %dma_wait3A_65 = arith.constant 0 : i32
      %dma_wait3A_66 = tpu.memref_slice %arg2[%dma_wait3A_64, %dma_wait3A_65] : memref<10240x128xf32, #tpu.memory_space<hbm>> -> memref<10240x128xf32, #tpu.memory_space<hbm>>
      tpu.wait_indirect_dma semaphore(%arg11 : memref<!tpu.dma_semaphore, #tpu.memory_space<semaphore_mem>>) src(%dma_wait3A_66 : memref<10240x128xf32, #tpu.memory_space<hbm>>) dst(%arg9 : memref<128x128xf32, #tpu.memory_space<vmem>>)
      %dma_start3A_67 = arith.constant 0 : i32
      %dma_start3A_68 = tpu.memref_slice %arg7[%add3A_61, %dma_start3A_67] : memref<40x128xi32, #tpu.memory_space<vmem>> -> memref<1x128xi32, #tpu.memory_space<vmem>>
      %dma_start3A_69 = tpu.memref_squeeze %dma_start3A_68 : memref<1x128xi32, #tpu.memory_space<vmem>> -> memref<128xi32, #tpu.memory_space<vmem>>
      %dma_start3A_70 = arith.constant 0 : i32
      %dma_start3A_71 = arith.constant 0 : i32
      %dma_start3A_72 = tpu.memref_slice %arg2[%dma_start3A_70, %dma_start3A_71] : memref<10240x128xf32, #tpu.memory_space<hbm>> -> memref<10240x128xf32, #tpu.memory_space<hbm>>
      tpu.enqueue_indirect_dma source(%dma_start3A_72 : memref<10240x128xf32, #tpu.memory_space<hbm>>) target(%arg10 : memref<128x128xf32, #tpu.memory_space<vmem>>) offsets(%dma_start3A_69 : memref<128xi32, #tpu.memory_space<vmem>>) semaphore(%arg12 : memref<!tpu.dma_semaphore, #tpu.memory_space<semaphore_mem>>)
      "tpu.region"() ({
        %run_scoped3A = tpu.sem_alloc : memref<!tpu.dma_semaphore, #tpu.memory_space<semaphore_mem>>
        %dma_start3A_83 = arith.constant 0 : i32
        %dma_start3A_84 = tpu.memref_slice %arg8[%mul3A_59, %dma_start3A_83] : memref<40x128xi32, #tpu.memory_space<vmem>> -> memref<1x128xi32, #tpu.memory_space<vmem>>
        %dma_start3A_85 = tpu.memref_squeeze %dma_start3A_84 : memref<1x128xi32, #tpu.memory_space<vmem>> -> memref<128xi32, #tpu.memory_space<vmem>>
        %dma_start3A_86 = arith.constant 0 : i32
        %dma_start3A_87 = arith.constant 0 : i32
        %dma_start3A_88 = tpu.memref_slice %arg13[%dma_start3A_86, %dma_start3A_87] : memref<10240x128xf32, #tpu.memory_space<vmem_shared>> -> memref<10240x128xf32, #tpu.memory_space<vmem_shared>>
        tpu.enqueue_indirect_dma source(%arg9 : memref<128x128xf32, #tpu.memory_space<vmem>>) target(%dma_start3A_88 : memref<10240x128xf32, #tpu.memory_space<vmem_shared>>) offsets(%dma_start3A_85 : memref<128xi32, #tpu.memory_space<vmem>>) semaphore(%run_scoped3A : memref<!tpu.dma_semaphore, #tpu.memory_space<semaphore_mem>>) {add = true}
        %dma_wait3A_89 = arith.constant 0 : i32
        %dma_wait3A_90 = tpu.memref_slice %arg8[%mul3A_59, %dma_wait3A_89] : memref<40x128xi32, #tpu.memory_space<vmem>> -> memref<1x128xi32, #tpu.memory_space<vmem>>
        %dma_wait3A_91 = tpu.memref_squeeze %dma_wait3A_90 : memref<1x128xi32, #tpu.memory_space<vmem>> -> memref<128xi32, #tpu.memory_space<vmem>>
        %dma_wait3A_92 = arith.constant 0 : i32
        %dma_wait3A_93 = arith.constant 0 : i32
        %dma_wait3A_94 = tpu.memref_slice %arg13[%dma_wait3A_92, %dma_wait3A_93] : memref<10240x128xf32, #tpu.memory_space<vmem_shared>> -> memref<10240x128xf32, #tpu.memory_space<vmem_shared>>
        tpu.wait_indirect_dma semaphore(%run_scoped3A : memref<!tpu.dma_semaphore, #tpu.memory_space<semaphore_mem>>) src(%arg9 : memref<128x128xf32, #tpu.memory_space<vmem>>) dst(%dma_wait3A_94 : memref<10240x128xf32, #tpu.memory_space<vmem_shared>>)
        tpu.yield
      }) : () -> ()
      %dma_wait3A_73 = arith.constant 0 : i32
      %dma_wait3A_74 = tpu.memref_slice %arg7[%add3A_61, %dma_wait3A_73] : memref<40x128xi32, #tpu.memory_space<vmem>> -> memref<1x128xi32, #tpu.memory_space<vmem>>
      %dma_wait3A_75 = tpu.memref_squeeze %dma_wait3A_74 : memref<1x128xi32, #tpu.memory_space<vmem>> -> memref<128xi32, #tpu.memory_space<vmem>>
      %dma_wait3A_76 = arith.constant 0 : i32
      %dma_wait3A_77 = arith.constant 0 : i32
      %dma_wait3A_78 = tpu.memref_slice %arg2[%dma_wait3A_76, %dma_wait3A_77] : memref<10240x128xf32, #tpu.memory_space<hbm>> -> memref<10240x128xf32, #tpu.memory_space<hbm>>
      tpu.wait_indirect_dma semaphore(%arg12 : memref<!tpu.dma_semaphore, #tpu.memory_space<semaphore_mem>>) src(%dma_wait3A_78 : memref<10240x128xf32, #tpu.memory_space<hbm>>) dst(%arg10 : memref<128x128xf32, #tpu.memory_space<vmem>>)
      %lt3A = arith.constant 19 : i32
      %lt3A_79 = arith.cmpi slt, %add3A_57, %lt3A : i32
      %convert_element_type3A_80 = arith.extui %lt3A_79 : i1 to i32
      %cond3A_81 = arith.constant 0 : i32
      %cond3A_82 = arith.cmpi ne, %convert_element_type3A_80, %cond3A_81 : i32
      scf.if %cond3A_82 {
        %add3A_83 = arith.constant 2 : i32
        %add3A_84 = arith.addi %mul3A_59, %add3A_83 : i32
        %dma_start3A_85 = arith.constant 0 : i32
        %dma_start3A_86 = tpu.memref_slice %arg7[%add3A_84, %dma_start3A_85] : memref<40x128xi32, #tpu.memory_space<vmem>> -> memref<1x128xi32, #tpu.memory_space<vmem>>
        %dma_start3A_87 = tpu.memref_squeeze %dma_start3A_86 : memref<1x128xi32, #tpu.memory_space<vmem>> -> memref<128xi32, #tpu.memory_space<vmem>>
        %dma_start3A_88 = arith.constant 0 : i32
        %dma_start3A_89 = arith.constant 0 : i32
        %dma_start3A_90 = tpu.memref_slice %arg2[%dma_start3A_88, %dma_start3A_89] : memref<10240x128xf32, #tpu.memory_space<hbm>> -> memref<10240x128xf32, #tpu.memory_space<hbm>>
        tpu.enqueue_indirect_dma source(%dma_start3A_90 : memref<10240x128xf32, #tpu.memory_space<hbm>>) target(%arg9 : memref<128x128xf32, #tpu.memory_space<vmem>>) offsets(%dma_start3A_87 : memref<128xi32, #tpu.memory_space<vmem>>) semaphore(%arg11 : memref<!tpu.dma_semaphore, #tpu.memory_space<semaphore_mem>>)
      } else {
      }
      "tpu.region"() ({
        %run_scoped3A = tpu.sem_alloc : memref<!tpu.dma_semaphore, #tpu.memory_space<semaphore_mem>>
        %dma_start3A_83 = arith.constant 0 : i32
        %dma_start3A_84 = tpu.memref_slice %arg8[%add3A_61, %dma_start3A_83] : memref<40x128xi32, #tpu.memory_space<vmem>> -> memref<1x128xi32, #tpu.memory_space<vmem>>
        %dma_start3A_85 = tpu.memref_squeeze %dma_start3A_84 : memref<1x128xi32, #tpu.memory_space<vmem>> -> memref<128xi32, #tpu.memory_space<vmem>>
        %dma_start3A_86 = arith.constant 0 : i32
        %dma_start3A_87 = arith.constant 0 : i32
        %dma_start3A_88 = tpu.memref_slice %arg13[%dma_start3A_86, %dma_start3A_87] : memref<10240x128xf32, #tpu.memory_space<vmem_shared>> -> memref<10240x128xf32, #tpu.memory_space<vmem_shared>>
        tpu.enqueue_indirect_dma source(%arg10 : memref<128x128xf32, #tpu.memory_space<vmem>>) target(%dma_start3A_88 : memref<10240x128xf32, #tpu.memory_space<vmem_shared>>) offsets(%dma_start3A_85 : memref<128xi32, #tpu.memory_space<vmem>>) semaphore(%run_scoped3A : memref<!tpu.dma_semaphore, #tpu.memory_space<semaphore_mem>>) {add = true}
        %dma_wait3A_89 = arith.constant 0 : i32
        %dma_wait3A_90 = tpu.memref_slice %arg8[%add3A_61, %dma_wait3A_89] : memref<40x128xi32, #tpu.memory_space<vmem>> -> memref<1x128xi32, #tpu.memory_space<vmem>>
        %dma_wait3A_91 = tpu.memref_squeeze %dma_wait3A_90 : memref<1x128xi32, #tpu.memory_space<vmem>> -> memref<128xi32, #tpu.memory_space<vmem>>
        %dma_wait3A_92 = arith.constant 0 : i32
        %dma_wait3A_93 = arith.constant 0 : i32
        %dma_wait3A_94 = tpu.memref_slice %arg13[%dma_wait3A_92, %dma_wait3A_93] : memref<10240x128xf32, #tpu.memory_space<vmem_shared>> -> memref<10240x128xf32, #tpu.memory_space<vmem_shared>>
        tpu.wait_indirect_dma semaphore(%run_scoped3A : memref<!tpu.dma_semaphore, #tpu.memory_space<semaphore_mem>>) src(%arg10 : memref<128x128xf32, #tpu.memory_space<vmem>>) dst(%dma_wait3A_94 : memref<10240x128xf32, #tpu.memory_space<vmem_shared>>)
        tpu.yield
      }) : () -> ()
    }
    %scan3A_44 = arith.constant 20 : i32
    %eq3A_45 = arith.constant 0 : i32
    %eq3A_46 = arith.cmpi eq, %arg0, %eq3A_45 : i32
    %convert_element_type3A = arith.extui %eq3A_46 : i1 to i32
    %cond3A = arith.constant 0 : i32
    %cond3A_47 = arith.cmpi ne, %convert_element_type3A, %cond3A : i32
    scf.if %cond3A_47 {
      "tpu.region"() ({
        %run_scoped3A = tpu.sem_alloc : memref<!tpu.dma_semaphore, #tpu.memory_space<semaphore_mem>>
        %dma_start3A_77 = arith.constant 40 : i32
        %dma_start3A_78 = tpu.memref_slice %arg6[%dma_start3A_77] : memref<128xi32, #tpu.memory_space<vmem>> -> memref<40xi32, #tpu.memory_space<vmem>>
        %dma_start3A_79 = arith.constant 0 : i32
        %dma_start3A_80 = arith.constant 0 : i32
        %dma_start3A_81 = tpu.memref_slice %arg3[%dma_start3A_79, %dma_start3A_80] : memref<2560x128xi32, #tpu.memory_space<hbm>> -> memref<2560x128xi32, #tpu.memory_space<hbm>>
        tpu.enqueue_indirect_dma source(%dma_start3A_81 : memref<2560x128xi32, #tpu.memory_space<hbm>>) target(%arg7 : memref<40x128xi32, #tpu.memory_space<vmem>>) offsets(%dma_start3A_78 : memref<40xi32, #tpu.memory_space<vmem>>) semaphore(%run_scoped3A : memref<!tpu.dma_semaphore, #tpu.memory_space<semaphore_mem>>)
        %dma_wait3A = arith.constant 40 : i32
        %dma_wait3A_82 = tpu.memref_slice %arg6[%dma_wait3A] : memref<128xi32, #tpu.memory_space<vmem>> -> memref<40xi32, #tpu.memory_space<vmem>>
        %dma_wait3A_83 = arith.constant 0 : i32
        %dma_wait3A_84 = arith.constant 0 : i32
        %dma_wait3A_85 = tpu.memref_slice %arg3[%dma_wait3A_83, %dma_wait3A_84] : memref<2560x128xi32, #tpu.memory_space<hbm>> -> memref<2560x128xi32, #tpu.memory_space<hbm>>
        tpu.wait_indirect_dma semaphore(%run_scoped3A : memref<!tpu.dma_semaphore, #tpu.memory_space<semaphore_mem>>) src(%dma_wait3A_85 : memref<2560x128xi32, #tpu.memory_space<hbm>>) dst(%arg7 : memref<40x128xi32, #tpu.memory_space<vmem>>)
        tpu.yield
      }) : () -> ()
      "tpu.region"() ({
        %run_scoped3A = tpu.sem_alloc : memref<!tpu.dma_semaphore, #tpu.memory_space<semaphore_mem>>
        %dma_start3A_77 = arith.constant 40 : i32
        %dma_start3A_78 = tpu.memref_slice %arg6[%dma_start3A_77] : memref<128xi32, #tpu.memory_space<vmem>> -> memref<40xi32, #tpu.memory_space<vmem>>
        %dma_start3A_79 = arith.constant 0 : i32
        %dma_start3A_80 = arith.constant 0 : i32
        %dma_start3A_81 = tpu.memref_slice %arg4[%dma_start3A_79, %dma_start3A_80] : memref<2560x128xi32, #tpu.memory_space<hbm>> -> memref<2560x128xi32, #tpu.memory_space<hbm>>
        tpu.enqueue_indirect_dma source(%dma_start3A_81 : memref<2560x128xi32, #tpu.memory_space<hbm>>) target(%arg8 : memref<40x128xi32, #tpu.memory_space<vmem>>) offsets(%dma_start3A_78 : memref<40xi32, #tpu.memory_space<vmem>>) semaphore(%run_scoped3A : memref<!tpu.dma_semaphore, #tpu.memory_space<semaphore_mem>>)
        %dma_wait3A = arith.constant 40 : i32
        %dma_wait3A_82 = tpu.memref_slice %arg6[%dma_wait3A] : memref<128xi32, #tpu.memory_space<vmem>> -> memref<40xi32, #tpu.memory_space<vmem>>
        %dma_wait3A_83 = arith.constant 0 : i32
        %dma_wait3A_84 = arith.constant 0 : i32
        %dma_wait3A_85 = tpu.memref_slice %arg4[%dma_wait3A_83, %dma_wait3A_84] : memref<2560x128xi32, #tpu.memory_space<hbm>> -> memref<2560x128xi32, #tpu.memory_space<hbm>>
        tpu.wait_indirect_dma semaphore(%run_scoped3A : memref<!tpu.dma_semaphore, #tpu.memory_space<semaphore_mem>>) src(%dma_wait3A_85 : memref<2560x128xi32, #tpu.memory_space<hbm>>) dst(%arg8 : memref<40x128xi32, #tpu.memory_space<vmem>>)
        tpu.yield
      }) : () -> ()
      %dma_start3A_53 = arith.constant 0 : i32
      %dma_start3A_54 = arith.constant 0 : i32
      %dma_start3A_55 = tpu.memref_slice %arg7[%dma_start3A_53, %dma_start3A_54] : memref<40x128xi32, #tpu.memory_space<vmem>> -> memref<1x128xi32, #tpu.memory_space<vmem>>
      %dma_start3A_56 = tpu.memref_squeeze %dma_start3A_55 : memref<1x128xi32, #tpu.memory_space<vmem>> -> memref<128xi32, #tpu.memory_space<vmem>>
      %dma_start3A_57 = arith.constant 0 : i32
      %dma_start3A_58 = arith.constant 0 : i32
      %dma_start3A_59 = tpu.memref_slice %arg2[%dma_start3A_57, %dma_start3A_58] : memref<10240x128xf32, #tpu.memory_space<hbm>> -> memref<10240x128xf32, #tpu.memory_space<hbm>>
      tpu.enqueue_indirect_dma source(%dma_start3A_59 : memref<10240x128xf32, #tpu.memory_space<hbm>>) target(%arg9 : memref<128x128xf32, #tpu.memory_space<vmem>>) offsets(%dma_start3A_56 : memref<128xi32, #tpu.memory_space<vmem>>) semaphore(%arg11 : memref<!tpu.dma_semaphore, #tpu.memory_space<semaphore_mem>>)
      %scan3A_60 = arith.constant 0 : i32
      %scan3A_61 = arith.constant 20 : i32
      %scan3A_62 = arith.addi %scan3A_60, %scan3A_61 : i32
      %scan3A_63 = arith.constant 1 : i32
      scf.for %scan3A_77 = %scan3A_60 to %scan3A_62 step %scan3A_63  : i32 {
        %mul3A_78 = arith.constant 1 : i32
        %mul3A_79 = arith.muli %scan3A_77, %mul3A_78 : i32
        %add3A_80 = arith.constant 0 : i32
        %add3A_81 = arith.addi %add3A_80, %mul3A_79 : i32
        %mul3A_82 = arith.constant 2 : i32
        %mul3A_83 = arith.muli %mul3A_82, %add3A_81 : i32
        %add3A_84 = arith.constant 1 : i32
        %add3A_85 = arith.addi %mul3A_83, %add3A_84 : i32
        %dma_wait3A = arith.constant 0 : i32
        %dma_wait3A_86 = tpu.memref_slice %arg7[%mul3A_83, %dma_wait3A] : memref<40x128xi32, #tpu.memory_space<vmem>> -> memref<1x128xi32, #tpu.memory_space<vmem>>
        %dma_wait3A_87 = tpu.memref_squeeze %dma_wait3A_86 : memref<1x128xi32, #tpu.memory_space<vmem>> -> memref<128xi32, #tpu.memory_space<vmem>>
        %dma_wait3A_88 = arith.constant 0 : i32
        %dma_wait3A_89 = arith.constant 0 : i32
        %dma_wait3A_90 = tpu.memref_slice %arg2[%dma_wait3A_88, %dma_wait3A_89] : memref<10240x128xf32, #tpu.memory_space<hbm>> -> memref<10240x128xf32, #tpu.memory_space<hbm>>
        tpu.wait_indirect_dma semaphore(%arg11 : memref<!tpu.dma_semaphore, #tpu.memory_space<semaphore_mem>>) src(%dma_wait3A_90 : memref<10240x128xf32, #tpu.memory_space<hbm>>) dst(%arg9 : memref<128x128xf32, #tpu.memory_space<vmem>>)
        %dma_start3A_91 = arith.constant 0 : i32
        %dma_start3A_92 = tpu.memref_slice %arg7[%add3A_85, %dma_start3A_91] : memref<40x128xi32, #tpu.memory_space<vmem>> -> memref<1x128xi32, #tpu.memory_space<vmem>>
        %dma_start3A_93 = tpu.memref_squeeze %dma_start3A_92 : memref<1x128xi32, #tpu.memory_space<vmem>> -> memref<128xi32, #tpu.memory_space<vmem>>
        %dma_start3A_94 = arith.constant 0 : i32
        %dma_start3A_95 = arith.constant 0 : i32
        %dma_start3A_96 = tpu.memref_slice %arg2[%dma_start3A_94, %dma_start3A_95] : memref<10240x128xf32, #tpu.memory_space<hbm>> -> memref<10240x128xf32, #tpu.memory_space<hbm>>
        tpu.enqueue_indirect_dma source(%dma_start3A_96 : memref<10240x128xf32, #tpu.memory_space<hbm>>) target(%arg10 : memref<128x128xf32, #tpu.memory_space<vmem>>) offsets(%dma_start3A_93 : memref<128xi32, #tpu.memory_space<vmem>>) semaphore(%arg12 : memref<!tpu.dma_semaphore, #tpu.memory_space<semaphore_mem>>)
        "tpu.region"() ({
          %run_scoped3A = tpu.sem_alloc : memref<!tpu.dma_semaphore, #tpu.memory_space<semaphore_mem>>
          %dma_start3A_107 = arith.constant 0 : i32
          %dma_start3A_108 = tpu.memref_slice %arg8[%mul3A_83, %dma_start3A_107] : memref<40x128xi32, #tpu.memory_space<vmem>> -> memref<1x128xi32, #tpu.memory_space<vmem>>
          %dma_start3A_109 = tpu.memref_squeeze %dma_start3A_108 : memref<1x128xi32, #tpu.memory_space<vmem>> -> memref<128xi32, #tpu.memory_space<vmem>>
          %dma_start3A_110 = arith.constant 0 : i32
          %dma_start3A_111 = arith.constant 0 : i32
          %dma_start3A_112 = tpu.memref_slice %arg13[%dma_start3A_110, %dma_start3A_111] : memref<10240x128xf32, #tpu.memory_space<vmem_shared>> -> memref<10240x128xf32, #tpu.memory_space<vmem_shared>>
          tpu.enqueue_indirect_dma source(%arg9 : memref<128x128xf32, #tpu.memory_space<vmem>>) target(%dma_start3A_112 : memref<10240x128xf32, #tpu.memory_space<vmem_shared>>) offsets(%dma_start3A_109 : memref<128xi32, #tpu.memory_space<vmem>>) semaphore(%run_scoped3A : memref<!tpu.dma_semaphore, #tpu.memory_space<semaphore_mem>>) {add = true}
          %dma_wait3A_113 = arith.constant 0 : i32
          %dma_wait3A_114 = tpu.memref_slice %arg8[%mul3A_83, %dma_wait3A_113] : memref<40x128xi32, #tpu.memory_space<vmem>> -> memref<1x128xi32, #tpu.memory_space<vmem>>
          %dma_wait3A_115 = tpu.memref_squeeze %dma_wait3A_114 : memref<1x128xi32, #tpu.memory_space<vmem>> -> memref<128xi32, #tpu.memory_space<vmem>>
          %dma_wait3A_116 = arith.constant 0 : i32
          %dma_wait3A_117 = arith.constant 0 : i32
          %dma_wait3A_118 = tpu.memref_slice %arg13[%dma_wait3A_116, %dma_wait3A_117] : memref<10240x128xf32, #tpu.memory_space<vmem_shared>> -> memref<10240x128xf32, #tpu.memory_space<vmem_shared>>
          tpu.wait_indirect_dma semaphore(%run_scoped3A : memref<!tpu.dma_semaphore, #tpu.memory_space<semaphore_mem>>) src(%arg9 : memref<128x128xf32, #tpu.memory_space<vmem>>) dst(%dma_wait3A_118 : memref<10240x128xf32, #tpu.memory_space<vmem_shared>>)
          tpu.yield
        }) : () -> ()
        %dma_wait3A_97 = arith.constant 0 : i32
        %dma_wait3A_98 = tpu.memref_slice %arg7[%add3A_85, %dma_wait3A_97] : memref<40x128xi32, #tpu.memory_space<vmem>> -> memref<1x128xi32, #tpu.memory_space<vmem>>
        %dma_wait3A_99 = tpu.memref_squeeze %dma_wait3A_98 : memref<1x128xi32, #tpu.memory_space<vmem>> -> memref<128xi32, #tpu.memory_space<vmem>>
        %dma_wait3A_100 = arith.constant 0 : i32
        %dma_wait3A_101 = arith.constant 0 : i32
        %dma_wait3A_102 = tpu.memref_slice %arg2[%dma_wait3A_100, %dma_wait3A_101] : memref<10240x128xf32, #tpu.memory_space<hbm>> -> memref<10240x128xf32, #tpu.memory_space<hbm>>
        tpu.wait_indirect_dma semaphore(%arg12 : memref<!tpu.dma_semaphore, #tpu.memory_space<semaphore_mem>>) src(%dma_wait3A_102 : memref<10240x128xf32, #tpu.memory_space<hbm>>) dst(%arg10 : memref<128x128xf32, #tpu.memory_space<vmem>>)
        %lt3A = arith.constant 19 : i32
        %lt3A_103 = arith.cmpi slt, %add3A_81, %lt3A : i32
        %convert_element_type3A_104 = arith.extui %lt3A_103 : i1 to i32
        %cond3A_105 = arith.constant 0 : i32
        %cond3A_106 = arith.cmpi ne, %convert_element_type3A_104, %cond3A_105 : i32
        scf.if %cond3A_106 {
          %add3A_107 = arith.constant 2 : i32
          %add3A_108 = arith.addi %mul3A_83, %add3A_107 : i32
          %dma_start3A_109 = arith.constant 0 : i32
          %dma_start3A_110 = tpu.memref_slice %arg7[%add3A_108, %dma_start3A_109] : memref<40x128xi32, #tpu.memory_space<vmem>> -> memref<1x128xi32, #tpu.memory_space<vmem>>
          %dma_start3A_111 = tpu.memref_squeeze %dma_start3A_110 : memref<1x128xi32, #tpu.memory_space<vmem>> -> memref<128xi32, #tpu.memory_space<vmem>>
          %dma_start3A_112 = arith.constant 0 : i32
          %dma_start3A_113 = arith.constant 0 : i32
          %dma_start3A_114 = tpu.memref_slice %arg2[%dma_start3A_112, %dma_start3A_113] : memref<10240x128xf32, #tpu.memory_space<hbm>> -> memref<10240x128xf32, #tpu.memory_space<hbm>>
          tpu.enqueue_indirect_dma source(%dma_start3A_114 : memref<10240x128xf32, #tpu.memory_space<hbm>>) target(%arg9 : memref<128x128xf32, #tpu.memory_space<vmem>>) offsets(%dma_start3A_111 : memref<128xi32, #tpu.memory_space<vmem>>) semaphore(%arg11 : memref<!tpu.dma_semaphore, #tpu.memory_space<semaphore_mem>>)
        } else {
        }
        "tpu.region"() ({
          %run_scoped3A = tpu.sem_alloc : memref<!tpu.dma_semaphore, #tpu.memory_space<semaphore_mem>>
          %dma_start3A_107 = arith.constant 0 : i32
          %dma_start3A_108 = tpu.memref_slice %arg8[%add3A_85, %dma_start3A_107] : memref<40x128xi32, #tpu.memory_space<vmem>> -> memref<1x128xi32, #tpu.memory_space<vmem>>
          %dma_start3A_109 = tpu.memref_squeeze %dma_start3A_108 : memref<1x128xi32, #tpu.memory_space<vmem>> -> memref<128xi32, #tpu.memory_space<vmem>>
          %dma_start3A_110 = arith.constant 0 : i32
          %dma_start3A_111 = arith.constant 0 : i32
          %dma_start3A_112 = tpu.memref_slice %arg13[%dma_start3A_110, %dma_start3A_111] : memref<10240x128xf32, #tpu.memory_space<vmem_shared>> -> memref<10240x128xf32, #tpu.memory_space<vmem_shared>>
          tpu.enqueue_indirect_dma source(%arg10 : memref<128x128xf32, #tpu.memory_space<vmem>>) target(%dma_start3A_112 : memref<10240x128xf32, #tpu.memory_space<vmem_shared>>) offsets(%dma_start3A_109 : memref<128xi32, #tpu.memory_space<vmem>>) semaphore(%run_scoped3A : memref<!tpu.dma_semaphore, #tpu.memory_space<semaphore_mem>>) {add = true}
          %dma_wait3A_113 = arith.constant 0 : i32
          %dma_wait3A_114 = tpu.memref_slice %arg8[%add3A_85, %dma_wait3A_113] : memref<40x128xi32, #tpu.memory_space<vmem>> -> memref<1x128xi32, #tpu.memory_space<vmem>>
          %dma_wait3A_115 = tpu.memref_squeeze %dma_wait3A_114 : memref<1x128xi32, #tpu.memory_space<vmem>> -> memref<128xi32, #tpu.memory_space<vmem>>
          %dma_wait3A_116 = arith.constant 0 : i32
          %dma_wait3A_117 = arith.constant 0 : i32
          %dma_wait3A_118 = tpu.memref_slice %arg13[%dma_wait3A_116, %dma_wait3A_117] : memref<10240x128xf32, #tpu.memory_space<vmem_shared>> -> memref<10240x128xf32, #tpu.memory_space<vmem_shared>>
          tpu.wait_indirect_dma semaphore(%run_scoped3A : memref<!tpu.dma_semaphore, #tpu.memory_space<semaphore_mem>>) src(%arg10 : memref<128x128xf32, #tpu.memory_space<vmem>>) dst(%dma_wait3A_118 : memref<10240x128xf32, #tpu.memory_space<vmem_shared>>)
          tpu.yield
        }) : () -> ()
      }
      %scan3A_64 = arith.constant 20 : i32
      "tpu.region"() ({
        %run_scoped3A = tpu.sem_alloc : memref<!tpu.dma_semaphore, #tpu.memory_space<semaphore_mem>>
        %dma_start3A_77 = arith.constant 80 : i32
        %dma_start3A_78 = tpu.memref_slice %arg6[%dma_start3A_77] : memref<128xi32, #tpu.memory_space<vmem>> -> memref<40xi32, #tpu.memory_space<vmem>>
        %dma_start3A_79 = arith.constant 0 : i32
        %dma_start3A_80 = arith.constant 0 : i32
        %dma_start3A_81 = tpu.memref_slice %arg3[%dma_start3A_79, %dma_start3A_80] : memref<2560x128xi32, #tpu.memory_space<hbm>> -> memref<2560x128xi32, #tpu.memory_space<hbm>>
        tpu.enqueue_indirect_dma source(%dma_start3A_81 : memref<2560x128xi32, #tpu.memory_space<hbm>>) target(%arg7 : memref<40x128xi32, #tpu.memory_space<vmem>>) offsets(%dma_start3A_78 : memref<40xi32, #tpu.memory_space<vmem>>) semaphore(%run_scoped3A : memref<!tpu.dma_semaphore, #tpu.memory_space<semaphore_mem>>)
        %dma_wait3A = arith.constant 80 : i32
        %dma_wait3A_82 = tpu.memref_slice %arg6[%dma_wait3A] : memref<128xi32, #tpu.memory_space<vmem>> -> memref<40xi32, #tpu.memory_space<vmem>>
        %dma_wait3A_83 = arith.constant 0 : i32
        %dma_wait3A_84 = arith.constant 0 : i32
        %dma_wait3A_85 = tpu.memref_slice %arg3[%dma_wait3A_83, %dma_wait3A_84] : memref<2560x128xi32, #tpu.memory_space<hbm>> -> memref<2560x128xi32, #tpu.memory_space<hbm>>
        tpu.wait_indirect_dma semaphore(%run_scoped3A : memref<!tpu.dma_semaphore, #tpu.memory_space<semaphore_mem>>) src(%dma_wait3A_85 : memref<2560x128xi32, #tpu.memory_space<hbm>>) dst(%arg7 : memref<40x128xi32, #tpu.memory_space<vmem>>)
        tpu.yield
      }) : () -> ()
      "tpu.region"() ({
        %run_scoped3A = tpu.sem_alloc : memref<!tpu.dma_semaphore, #tpu.memory_space<semaphore_mem>>
        %dma_start3A_77 = arith.constant 80 : i32
        %dma_start3A_78 = tpu.memref_slice %arg6[%dma_start3A_77] : memref<128xi32, #tpu.memory_space<vmem>> -> memref<40xi32, #tpu.memory_space<vmem>>
        %dma_start3A_79 = arith.constant 0 : i32
        %dma_start3A_80 = arith.constant 0 : i32
        %dma_start3A_81 = tpu.memref_slice %arg4[%dma_start3A_79, %dma_start3A_80] : memref<2560x128xi32, #tpu.memory_space<hbm>> -> memref<2560x128xi32, #tpu.memory_space<hbm>>
        tpu.enqueue_indirect_dma source(%dma_start3A_81 : memref<2560x128xi32, #tpu.memory_space<hbm>>) target(%arg8 : memref<40x128xi32, #tpu.memory_space<vmem>>) offsets(%dma_start3A_78 : memref<40xi32, #tpu.memory_space<vmem>>) semaphore(%run_scoped3A : memref<!tpu.dma_semaphore, #tpu.memory_space<semaphore_mem>>)
        %dma_wait3A = arith.constant 80 : i32
        %dma_wait3A_82 = tpu.memref_slice %arg6[%dma_wait3A] : memref<128xi32, #tpu.memory_space<vmem>> -> memref<40xi32, #tpu.memory_space<vmem>>
        %dma_wait3A_83 = arith.constant 0 : i32
        %dma_wait3A_84 = arith.constant 0 : i32
        %dma_wait3A_85 = tpu.memref_slice %arg4[%dma_wait3A_83, %dma_wait3A_84] : memref<2560x128xi32, #tpu.memory_space<hbm>> -> memref<2560x128xi32, #tpu.memory_space<hbm>>
        tpu.wait_indirect_dma semaphore(%run_scoped3A : memref<!tpu.dma_semaphore, #tpu.memory_space<semaphore_mem>>) src(%dma_wait3A_85 : memref<2560x128xi32, #tpu.memory_space<hbm>>) dst(%arg8 : memref<40x128xi32, #tpu.memory_space<vmem>>)
        tpu.yield
      }) : () -> ()
      %dma_start3A_65 = arith.constant 0 : i32
      %dma_start3A_66 = arith.constant 0 : i32
      %dma_start3A_67 = tpu.memref_slice %arg7[%dma_start3A_65, %dma_start3A_66] : memref<40x128xi32, #tpu.memory_space<vmem>> -> memref<1x128xi32, #tpu.memory_space<vmem>>
      %dma_start3A_68 = tpu.memref_squeeze %dma_start3A_67 : memref<1x128xi32, #tpu.memory_space<vmem>> -> memref<128xi32, #tpu.memory_space<vmem>>
      %dma_start3A_69 = arith.constant 0 : i32
      %dma_start3A_70 = arith.constant 0 : i32
      %dma_start3A_71 = tpu.memref_slice %arg2[%dma_start3A_69, %dma_start3A_70] : memref<10240x128xf32, #tpu.memory_space<hbm>> -> memref<10240x128xf32, #tpu.memory_space<hbm>>
      tpu.enqueue_indirect_dma source(%dma_start3A_71 : memref<10240x128xf32, #tpu.memory_space<hbm>>) target(%arg9 : memref<128x128xf32, #tpu.memory_space<vmem>>) offsets(%dma_start3A_68 : memref<128xi32, #tpu.memory_space<vmem>>) semaphore(%arg11 : memref<!tpu.dma_semaphore, #tpu.memory_space<semaphore_mem>>)
      %scan3A_72 = arith.constant 0 : i32
      %scan3A_73 = arith.constant 20 : i32
      %scan3A_74 = arith.addi %scan3A_72, %scan3A_73 : i32
      %scan3A_75 = arith.constant 1 : i32
      scf.for %scan3A_77 = %scan3A_72 to %scan3A_74 step %scan3A_75  : i32 {
        %mul3A_78 = arith.constant 1 : i32
        %mul3A_79 = arith.muli %scan3A_77, %mul3A_78 : i32
        %add3A_80 = arith.constant 0 : i32
        %add3A_81 = arith.addi %add3A_80, %mul3A_79 : i32
        %mul3A_82 = arith.constant 2 : i32
        %mul3A_83 = arith.muli %mul3A_82, %add3A_81 : i32
        %add3A_84 = arith.constant 1 : i32
        %add3A_85 = arith.addi %mul3A_83, %add3A_84 : i32
        %dma_wait3A = arith.constant 0 : i32
        %dma_wait3A_86 = tpu.memref_slice %arg7[%mul3A_83, %dma_wait3A] : memref<40x128xi32, #tpu.memory_space<vmem>> -> memref<1x128xi32, #tpu.memory_space<vmem>>
        %dma_wait3A_87 = tpu.memref_squeeze %dma_wait3A_86 : memref<1x128xi32, #tpu.memory_space<vmem>> -> memref<128xi32, #tpu.memory_space<vmem>>
        %dma_wait3A_88 = arith.constant 0 : i32
        %dma_wait3A_89 = arith.constant 0 : i32
        %dma_wait3A_90 = tpu.memref_slice %arg2[%dma_wait3A_88, %dma_wait3A_89] : memref<10240x128xf32, #tpu.memory_space<hbm>> -> memref<10240x128xf32, #tpu.memory_space<hbm>>
        tpu.wait_indirect_dma semaphore(%arg11 : memref<!tpu.dma_semaphore, #tpu.memory_space<semaphore_mem>>) src(%dma_wait3A_90 : memref<10240x128xf32, #tpu.memory_space<hbm>>) dst(%arg9 : memref<128x128xf32, #tpu.memory_space<vmem>>)
        %dma_start3A_91 = arith.constant 0 : i32
        %dma_start3A_92 = tpu.memref_slice %arg7[%add3A_85, %dma_start3A_91] : memref<40x128xi32, #tpu.memory_space<vmem>> -> memref<1x128xi32, #tpu.memory_space<vmem>>
        %dma_start3A_93 = tpu.memref_squeeze %dma_start3A_92 : memref<1x128xi32, #tpu.memory_space<vmem>> -> memref<128xi32, #tpu.memory_space<vmem>>
        %dma_start3A_94 = arith.constant 0 : i32
        %dma_start3A_95 = arith.constant 0 : i32
        %dma_start3A_96 = tpu.memref_slice %arg2[%dma_start3A_94, %dma_start3A_95] : memref<10240x128xf32, #tpu.memory_space<hbm>> -> memref<10240x128xf32, #tpu.memory_space<hbm>>
        tpu.enqueue_indirect_dma source(%dma_start3A_96 : memref<10240x128xf32, #tpu.memory_space<hbm>>) target(%arg10 : memref<128x128xf32, #tpu.memory_space<vmem>>) offsets(%dma_start3A_93 : memref<128xi32, #tpu.memory_space<vmem>>) semaphore(%arg12 : memref<!tpu.dma_semaphore, #tpu.memory_space<semaphore_mem>>)
        "tpu.region"() ({
          %run_scoped3A = tpu.sem_alloc : memref<!tpu.dma_semaphore, #tpu.memory_space<semaphore_mem>>
          %dma_start3A_107 = arith.constant 0 : i32
          %dma_start3A_108 = tpu.memref_slice %arg8[%mul3A_83, %dma_start3A_107] : memref<40x128xi32, #tpu.memory_space<vmem>> -> memref<1x128xi32, #tpu.memory_space<vmem>>
          %dma_start3A_109 = tpu.memref_squeeze %dma_start3A_108 : memref<1x128xi32, #tpu.memory_space<vmem>> -> memref<128xi32, #tpu.memory_space<vmem>>
          %dma_start3A_110 = arith.constant 0 : i32
          %dma_start3A_111 = arith.constant 0 : i32
          %dma_start3A_112 = tpu.memref_slice %arg13[%dma_start3A_110, %dma_start3A_111] : memref<10240x128xf32, #tpu.memory_space<vmem_shared>> -> memref<10240x128xf32, #tpu.memory_space<vmem_shared>>
          tpu.enqueue_indirect_dma source(%arg9 : memref<128x128xf32, #tpu.memory_space<vmem>>) target(%dma_start3A_112 : memref<10240x128xf32, #tpu.memory_space<vmem_shared>>) offsets(%dma_start3A_109 : memref<128xi32, #tpu.memory_space<vmem>>) semaphore(%run_scoped3A : memref<!tpu.dma_semaphore, #tpu.memory_space<semaphore_mem>>) {add = true}
          %dma_wait3A_113 = arith.constant 0 : i32
          %dma_wait3A_114 = tpu.memref_slice %arg8[%mul3A_83, %dma_wait3A_113] : memref<40x128xi32, #tpu.memory_space<vmem>> -> memref<1x128xi32, #tpu.memory_space<vmem>>
          %dma_wait3A_115 = tpu.memref_squeeze %dma_wait3A_114 : memref<1x128xi32, #tpu.memory_space<vmem>> -> memref<128xi32, #tpu.memory_space<vmem>>
          %dma_wait3A_116 = arith.constant 0 : i32
          %dma_wait3A_117 = arith.constant 0 : i32
          %dma_wait3A_118 = tpu.memref_slice %arg13[%dma_wait3A_116, %dma_wait3A_117] : memref<10240x128xf32, #tpu.memory_space<vmem_shared>> -> memref<10240x128xf32, #tpu.memory_space<vmem_shared>>
          tpu.wait_indirect_dma semaphore(%run_scoped3A : memref<!tpu.dma_semaphore, #tpu.memory_space<semaphore_mem>>) src(%arg9 : memref<128x128xf32, #tpu.memory_space<vmem>>) dst(%dma_wait3A_118 : memref<10240x128xf32, #tpu.memory_space<vmem_shared>>)
          tpu.yield
        }) : () -> ()
        %dma_wait3A_97 = arith.constant 0 : i32
        %dma_wait3A_98 = tpu.memref_slice %arg7[%add3A_85, %dma_wait3A_97] : memref<40x128xi32, #tpu.memory_space<vmem>> -> memref<1x128xi32, #tpu.memory_space<vmem>>
        %dma_wait3A_99 = tpu.memref_squeeze %dma_wait3A_98 : memref<1x128xi32, #tpu.memory_space<vmem>> -> memref<128xi32, #tpu.memory_space<vmem>>
        %dma_wait3A_100 = arith.constant 0 : i32
        %dma_wait3A_101 = arith.constant 0 : i32
        %dma_wait3A_102 = tpu.memref_slice %arg2[%dma_wait3A_100, %dma_wait3A_101] : memref<10240x128xf32, #tpu.memory_space<hbm>> -> memref<10240x128xf32, #tpu.memory_space<hbm>>
        tpu.wait_indirect_dma semaphore(%arg12 : memref<!tpu.dma_semaphore, #tpu.memory_space<semaphore_mem>>) src(%dma_wait3A_102 : memref<10240x128xf32, #tpu.memory_space<hbm>>) dst(%arg10 : memref<128x128xf32, #tpu.memory_space<vmem>>)
        %lt3A = arith.constant 19 : i32
        %lt3A_103 = arith.cmpi slt, %add3A_81, %lt3A : i32
        %convert_element_type3A_104 = arith.extui %lt3A_103 : i1 to i32
        %cond3A_105 = arith.constant 0 : i32
        %cond3A_106 = arith.cmpi ne, %convert_element_type3A_104, %cond3A_105 : i32
        scf.if %cond3A_106 {
          %add3A_107 = arith.constant 2 : i32
          %add3A_108 = arith.addi %mul3A_83, %add3A_107 : i32
          %dma_start3A_109 = arith.constant 0 : i32
          %dma_start3A_110 = tpu.memref_slice %arg7[%add3A_108, %dma_start3A_109] : memref<40x128xi32, #tpu.memory_space<vmem>> -> memref<1x128xi32, #tpu.memory_space<vmem>>
          %dma_start3A_111 = tpu.memref_squeeze %dma_start3A_110 : memref<1x128xi32, #tpu.memory_space<vmem>> -> memref<128xi32, #tpu.memory_space<vmem>>
          %dma_start3A_112 = arith.constant 0 : i32
          %dma_start3A_113 = arith.constant 0 : i32
          %dma_start3A_114 = tpu.memref_slice %arg2[%dma_start3A_112, %dma_start3A_113] : memref<10240x128xf32, #tpu.memory_space<hbm>> -> memref<10240x128xf32, #tpu.memory_space<hbm>>
          tpu.enqueue_indirect_dma source(%dma_start3A_114 : memref<10240x128xf32, #tpu.memory_space<hbm>>) target(%arg9 : memref<128x128xf32, #tpu.memory_space<vmem>>) offsets(%dma_start3A_111 : memref<128xi32, #tpu.memory_space<vmem>>) semaphore(%arg11 : memref<!tpu.dma_semaphore, #tpu.memory_space<semaphore_mem>>)
        } else {
        }
        "tpu.region"() ({
          %run_scoped3A = tpu.sem_alloc : memref<!tpu.dma_semaphore, #tpu.memory_space<semaphore_mem>>
          %dma_start3A_107 = arith.constant 0 : i32
          %dma_start3A_108 = tpu.memref_slice %arg8[%add3A_85, %dma_start3A_107] : memref<40x128xi32, #tpu.memory_space<vmem>> -> memref<1x128xi32, #tpu.memory_space<vmem>>
          %dma_start3A_109 = tpu.memref_squeeze %dma_start3A_108 : memref<1x128xi32, #tpu.memory_space<vmem>> -> memref<128xi32, #tpu.memory_space<vmem>>
          %dma_start3A_110 = arith.constant 0 : i32
          %dma_start3A_111 = arith.constant 0 : i32
          %dma_start3A_112 = tpu.memref_slice %arg13[%dma_start3A_110, %dma_start3A_111] : memref<10240x128xf32, #tpu.memory_space<vmem_shared>> -> memref<10240x128xf32, #tpu.memory_space<vmem_shared>>
          tpu.enqueue_indirect_dma source(%arg10 : memref<128x128xf32, #tpu.memory_space<vmem>>) target(%dma_start3A_112 : memref<10240x128xf32, #tpu.memory_space<vmem_shared>>) offsets(%dma_start3A_109 : memref<128xi32, #tpu.memory_space<vmem>>) semaphore(%run_scoped3A : memref<!tpu.dma_semaphore, #tpu.memory_space<semaphore_mem>>) {add = true}
          %dma_wait3A_113 = arith.constant 0 : i32
          %dma_wait3A_114 = tpu.memref_slice %arg8[%add3A_85, %dma_wait3A_113] : memref<40x128xi32, #tpu.memory_space<vmem>> -> memref<1x128xi32, #tpu.memory_space<vmem>>
          %dma_wait3A_115 = tpu.memref_squeeze %dma_wait3A_114 : memref<1x128xi32, #tpu.memory_space<vmem>> -> memref<128xi32, #tpu.memory_space<vmem>>
          %dma_wait3A_116 = arith.constant 0 : i32
          %dma_wait3A_117 = arith.constant 0 : i32
          %dma_wait3A_118 = tpu.memref_slice %arg13[%dma_wait3A_116, %dma_wait3A_117] : memref<10240x128xf32, #tpu.memory_space<vmem_shared>> -> memref<10240x128xf32, #tpu.memory_space<vmem_shared>>
          tpu.wait_indirect_dma semaphore(%run_scoped3A : memref<!tpu.dma_semaphore, #tpu.memory_space<semaphore_mem>>) src(%arg10 : memref<128x128xf32, #tpu.memory_space<vmem>>) dst(%dma_wait3A_118 : memref<10240x128xf32, #tpu.memory_space<vmem_shared>>)
          tpu.yield
        }) : () -> ()
      }
      %scan3A_76 = arith.constant 20 : i32
    } else {
    }
    %barrier3A_48 = arith.constant 0 : index
    tpu.barrier barrier_id(%barrier3A_48)
    %mul3A_49 = arith.constant 640 : i32
    %mul3A_50 = arith.muli %arg1, %mul3A_49 : i32
    %mul3A_51 = arith.constant 640 : i32
    %mul3A_52 = arith.muli %arg1, %mul3A_51 : i32
    "tpu.region"() ({
      %run_scoped3A = tpu.sem_alloc : memref<!tpu.dma_semaphore, #tpu.memory_space<semaphore_mem>>
      %dma_start3A_53 = arith.constant 0 : i32
      %dma_start3A_54 = tpu.memref_slice %arg5[%arg0, %mul3A_52, %dma_start3A_53] : memref<2x10240x128xf32, #tpu.memory_space<hbm>> -> memref<1x640x128xf32, #tpu.memory_space<hbm>>
      %dma_start3A_55 = tpu.memref_squeeze %dma_start3A_54 : memref<1x640x128xf32, #tpu.memory_space<hbm>> -> memref<640x128xf32, #tpu.memory_space<hbm>>
      %dma_start3A_56 = arith.constant 0 : i32
      %dma_start3A_57 = tpu.memref_slice %arg13[%mul3A_50, %dma_start3A_56] : memref<10240x128xf32, #tpu.memory_space<vmem_shared>> -> memref<640x128xf32, #tpu.memory_space<vmem_shared>>
      tpu.enqueue_dma source(%dma_start3A_57 : memref<640x128xf32, #tpu.memory_space<vmem_shared>>) target(%dma_start3A_55 : memref<640x128xf32, #tpu.memory_space<hbm>>) target_semaphore(%run_scoped3A : memref<!tpu.dma_semaphore, #tpu.memory_space<semaphore_mem>>)
      %dma_wait3A = arith.constant 0 : i32
      %dma_wait3A_58 = tpu.memref_slice %arg5[%arg0, %mul3A_52, %dma_wait3A] : memref<2x10240x128xf32, #tpu.memory_space<hbm>> -> memref<1x640x128xf32, #tpu.memory_space<hbm>>
      %dma_wait3A_59 = tpu.memref_squeeze %dma_wait3A_58 : memref<1x640x128xf32, #tpu.memory_space<hbm>> -> memref<640x128xf32, #tpu.memory_space<hbm>>
      %dma_wait3A_60 = arith.constant 0 : i32
      %dma_wait3A_61 = tpu.memref_slice %arg13[%mul3A_50, %dma_wait3A_60] : memref<10240x128xf32, #tpu.memory_space<vmem_shared>> -> memref<640x128xf32, #tpu.memory_space<vmem_shared>>
      tpu.wait_dma2 semaphore(%run_scoped3A : memref<!tpu.dma_semaphore, #tpu.memory_space<semaphore_mem>>) src(%dma_wait3A_61 : memref<640x128xf32, #tpu.memory_space<vmem_shared>>) dst(%dma_wait3A_59 : memref<640x128xf32, #tpu.memory_space<hbm>>)
      tpu.yield
    }) : () -> ()
    return
  }
}

#map = affine_map<(d0, d1) -> (0, 0)>
#map1 = affine_map<(d0, d1) -> (0, 0, 0)>
module attributes {stable_mosaic.version = 14 : i64} {
  func.func @_agg_body(%arg0: i32, %arg1: i32, %arg2: memref<10240x128xf32, #tpu.memory_space<hbm>>, %arg3: memref<2560x128xi32, #tpu.memory_space<hbm>>, %arg4: memref<2560x128xi32, #tpu.memory_space<hbm>>, %arg5: memref<2x10240x128xf32, #tpu.memory_space<hbm>>, %arg6: memref<128xi32, #tpu.memory_space<vmem>>, %arg7: memref<40x128xi32, #tpu.memory_space<vmem>>, %arg8: memref<40x128xi32, #tpu.memory_space<vmem>>, %arg9: memref<128x128xf32, #tpu.memory_space<vmem>>, %arg10: memref<128x128xf32, #tpu.memory_space<vmem>>, %arg11: memref<!tpu.dma_semaphore, #tpu.memory_space<semaphore_mem>>, %arg12: memref<!tpu.dma_semaphore, #tpu.memory_space<semaphore_mem>>, %arg13: memref<10240x128xf32, #tpu.memory_space<vmem_shared>>) attributes {dimension_semantics = [#tpu.dimension_semantics<core_parallel>, #tpu.dimension_semantics<subcore_parallel>], iteration_bounds = array<i64: 2, 16>, scalar_prefetch = 0 : i64, scratch_operands = 8 : i64, tpu.core_type = #tpu.core_type<sc_vector_subcore>, window_params = [{transform_indices = #map}, {transform_indices = #map}, {transform_indices = #map}, {transform_indices = #map1}]} {
    %eq3A = arith.constant 0 : i32
    %eq3A_0 = arith.cmpi eq, %arg0, %eq3A : i32
    %mul3A = arith.constant 120 : i32
    %mul3A_1 = arith.muli %arg1, %mul3A : i32
    %mul3A_2 = arith.constant 40 : i32
    %mul3A_3 = arith.muli %arg1, %mul3A_2 : i32
    %add3A = arith.constant 1920 : i32
    %add3A_4 = arith.addi %add3A, %mul3A_3 : i32
    %select_n3A = arith.select %eq3A_0, %mul3A_1, %add3A_4 : i32
    %scan3A = arith.constant 0 : i32
    %scan3A_5 = arith.constant 8 : i32
    %scan3A_6 = arith.addi %scan3A, %scan3A_5 : i32
    %scan3A_7 = arith.constant 1 : i32
    scf.for %scan3A_53 = %scan3A to %scan3A_6 step %scan3A_7  : i32 {
      %mul3A_54 = arith.constant 16 : i32
      %mul3A_55 = arith.muli %scan3A_53, %mul3A_54 : i32
      %add3A_56 = arith.constant 0 : i32
      %add3A_57 = arith.addi %add3A_56, %mul3A_55 : i32
      %add3A_58 = arith.addi %select_n3A, %add3A_57 : i32
      %iota3A = tpu.iota {dimensions = array<i32: 0>} : vector<16xi32>
      %add3A_59 = vector.broadcast %add3A_58 : i32 to vector<16xi32>
      %add3A_60 = arith.addi %add3A_59, %iota3A : vector<16xi32>
      %swap3A = arith.index_cast %add3A_57 : i32 to index
      %swap3A_61 = tpu.vector_load %arg6[%swap3A] {strides = array<i32>} : memref<128xi32, #tpu.memory_space<vmem>>, vector<16xi32>,
      %swap3A_62 = vector.shape_cast %swap3A_61 : vector<16xi32> to vector<16xi32>
      %swap3A_63 = vector.shape_cast %add3A_60 : vector<16xi32> to vector<16xi32>
      tpu.vector_store %arg6[%swap3A], %swap3A_63 {strides = array<i32>} : memref<128xi32, #tpu.memory_space<vmem>>, vector<16xi32>,
    }
    %scan3A_8 = arith.constant 8 : i32
    %scan3A_9 = arith.constant 0 : i32
    %scan3A_10 = arith.constant 128 : i32
    %scan3A_11 = arith.addi %scan3A_9, %scan3A_10 : i32
    %scan3A_12 = arith.constant 1 : i32
    scf.for %scan3A_53 = %scan3A_9 to %scan3A_11 step %scan3A_12  : i32 {
      %mul3A_54 = arith.constant 1 : i32
      %mul3A_55 = arith.muli %scan3A_53, %mul3A_54 : i32
      %add3A_56 = arith.constant 0 : i32
      %add3A_57 = arith.addi %add3A_56, %mul3A_55 : i32
      %scan3A_58 = arith.constant 0 : i32
      %scan3A_59 = arith.constant 8 : i32
      %scan3A_60 = arith.addi %scan3A_58, %scan3A_59 : i32
      %scan3A_61 = arith.constant 1 : i32
      scf.for %scan3A_63 = %scan3A_58 to %scan3A_60 step %scan3A_61  : i32 {
        %mul3A_64 = arith.constant 16 : i32
        %mul3A_65 = arith.muli %scan3A_63, %mul3A_64 : i32
        %add3A_66 = arith.constant 0 : i32
        %add3A_67 = arith.addi %add3A_66, %mul3A_65 : i32
        %broadcast_in_dim3A = arith.constant 0.000000e+00 : f32
        %broadcast_in_dim3A_68 = vector.broadcast %broadcast_in_dim3A : f32 to vector<16xf32>
        %swap3A = arith.index_cast %add3A_57 : i32 to index
        %swap3A_69 = arith.index_cast %add3A_67 : i32 to index
        %swap3A_70 = tpu.vector_load %arg9[%swap3A, %swap3A_69] {strides = array<i32>} : memref<128x128xf32, #tpu.memory_space<vmem>>, vector<1x16xf32>,
        %swap3A_71 = vector.shape_cast %swap3A_70 : vector<1x16xf32> to vector<16xf32>
        %swap3A_72 = vector.shape_cast %broadcast_in_dim3A_68 : vector<16xf32> to vector<1x16xf32>
        tpu.vector_store %arg9[%swap3A, %swap3A_69], %swap3A_72 {strides = array<i32>} : memref<128x128xf32, #tpu.memory_space<vmem>>, vector<1x16xf32>,
      }
      %scan3A_62 = arith.constant 8 : i32
    }
    %scan3A_13 = arith.constant 128 : i32
    %mul3A_14 = arith.constant 640 : i32
    %mul3A_15 = arith.muli %arg1, %mul3A_14 : i32
    %add3A_16 = arith.constant 0 : i32
    %add3A_17 = arith.addi %mul3A_15, %add3A_16 : i32
    "tpu.region"() ({
      %run_scoped3A = tpu.sem_alloc : memref<!tpu.dma_semaphore, #tpu.memory_space<semaphore_mem>>
      %dma_start3A_53 = arith.constant 0 : i32
      %dma_start3A_54 = tpu.memref_slice %arg13[%add3A_17, %dma_start3A_53] : memref<10240x128xf32, #tpu.memory_space<vmem_shared>> -> memref<128x128xf32, #tpu.memory_space<vmem_shared>>
      %dma_start3A_55 = arith.constant 0 : i32
      %dma_start3A_56 = tpu.memref_slice %arg13[%add3A_17, %dma_start3A_55] : memref<10240x128xf32, #tpu.memory_space<vmem_shared>> -> memref<128x128xf32, #tpu.memory_space<vmem_shared>>
      tpu.enqueue_dma source(%arg9 : memref<128x128xf32, #tpu.memory_space<vmem>>) target(%dma_start3A_56 : memref<128x128xf32, #tpu.memory_space<vmem_shared>>) target_semaphore(%run_scoped3A : memref<!tpu.dma_semaphore, #tpu.memory_space<semaphore_mem>>)
      %dma_wait3A = arith.constant 0 : i32
      %dma_wait3A_57 = tpu.memref_slice %arg13[%add3A_17, %dma_wait3A] : memref<10240x128xf32, #tpu.memory_space<vmem_shared>> -> memref<128x128xf32, #tpu.memory_space<vmem_shared>>
      %dma_wait3A_58 = arith.constant 0 : i32
      %dma_wait3A_59 = tpu.memref_slice %arg13[%add3A_17, %dma_wait3A_58] : memref<10240x128xf32, #tpu.memory_space<vmem_shared>> -> memref<128x128xf32, #tpu.memory_space<vmem_shared>>
      tpu.wait_dma2 semaphore(%run_scoped3A : memref<!tpu.dma_semaphore, #tpu.memory_space<semaphore_mem>>) src(%arg9 : memref<128x128xf32, #tpu.memory_space<vmem>>) dst(%dma_wait3A_59 : memref<128x128xf32, #tpu.memory_space<vmem_shared>>)
      tpu.yield
    }) : () -> ()
    %mul3A_18 = arith.constant 640 : i32
    %mul3A_19 = arith.muli %arg1, %mul3A_18 : i32
    %add3A_20 = arith.constant 128 : i32
    %add3A_21 = arith.addi %mul3A_19, %add3A_20 : i32
    "tpu.region"() ({
      %run_scoped3A = tpu.sem_alloc : memref<!tpu.dma_semaphore, #tpu.memory_space<semaphore_mem>>
      %dma_start3A_53 = arith.constant 0 : i32
      %dma_start3A_54 = tpu.memref_slice %arg13[%add3A_21, %dma_start3A_53] : memref<10240x128xf32, #tpu.memory_space<vmem_shared>> -> memref<128x128xf32, #tpu.memory_space<vmem_shared>>
      %dma_start3A_55 = arith.constant 0 : i32
      %dma_start3A_56 = tpu.memref_slice %arg13[%add3A_21, %dma_start3A_55] : memref<10240x128xf32, #tpu.memory_space<vmem_shared>> -> memref<128x128xf32, #tpu.memory_space<vmem_shared>>
      tpu.enqueue_dma source(%arg9 : memref<128x128xf32, #tpu.memory_space<vmem>>) target(%dma_start3A_56 : memref<128x128xf32, #tpu.memory_space<vmem_shared>>) target_semaphore(%run_scoped3A : memref<!tpu.dma_semaphore, #tpu.memory_space<semaphore_mem>>)
      %dma_wait3A = arith.constant 0 : i32
      %dma_wait3A_57 = tpu.memref_slice %arg13[%add3A_21, %dma_wait3A] : memref<10240x128xf32, #tpu.memory_space<vmem_shared>> -> memref<128x128xf32, #tpu.memory_space<vmem_shared>>
      %dma_wait3A_58 = arith.constant 0 : i32
      %dma_wait3A_59 = tpu.memref_slice %arg13[%add3A_21, %dma_wait3A_58] : memref<10240x128xf32, #tpu.memory_space<vmem_shared>> -> memref<128x128xf32, #tpu.memory_space<vmem_shared>>
      tpu.wait_dma2 semaphore(%run_scoped3A : memref<!tpu.dma_semaphore, #tpu.memory_space<semaphore_mem>>) src(%arg9 : memref<128x128xf32, #tpu.memory_space<vmem>>) dst(%dma_wait3A_59 : memref<128x128xf32, #tpu.memory_space<vmem_shared>>)
      tpu.yield
    }) : () -> ()
    %mul3A_22 = arith.constant 640 : i32
    %mul3A_23 = arith.muli %arg1, %mul3A_22 : i32
    %add3A_24 = arith.constant 256 : i32
    %add3A_25 = arith.addi %mul3A_23, %add3A_24 : i32
    "tpu.region"() ({
      %run_scoped3A = tpu.sem_alloc : memref<!tpu.dma_semaphore, #tpu.memory_space<semaphore_mem>>
      %dma_start3A_53 = arith.constant 0 : i32
      %dma_start3A_54 = tpu.memref_slice %arg13[%add3A_25, %dma_start3A_53] : memref<10240x128xf32, #tpu.memory_space<vmem_shared>> -> memref<128x128xf32, #tpu.memory_space<vmem_shared>>
      %dma_start3A_55 = arith.constant 0 : i32
      %dma_start3A_56 = tpu.memref_slice %arg13[%add3A_25, %dma_start3A_55] : memref<10240x128xf32, #tpu.memory_space<vmem_shared>> -> memref<128x128xf32, #tpu.memory_space<vmem_shared>>
      tpu.enqueue_dma source(%arg9 : memref<128x128xf32, #tpu.memory_space<vmem>>) target(%dma_start3A_56 : memref<128x128xf32, #tpu.memory_space<vmem_shared>>) target_semaphore(%run_scoped3A : memref<!tpu.dma_semaphore, #tpu.memory_space<semaphore_mem>>)
      %dma_wait3A = arith.constant 0 : i32
      %dma_wait3A_57 = tpu.memref_slice %arg13[%add3A_25, %dma_wait3A] : memref<10240x128xf32, #tpu.memory_space<vmem_shared>> -> memref<128x128xf32, #tpu.memory_space<vmem_shared>>
      %dma_wait3A_58 = arith.constant 0 : i32
      %dma_wait3A_59 = tpu.memref_slice %arg13[%add3A_25, %dma_wait3A_58] : memref<10240x128xf32, #tpu.memory_space<vmem_shared>> -> memref<128x128xf32, #tpu.memory_space<vmem_shared>>
      tpu.wait_dma2 semaphore(%run_scoped3A : memref<!tpu.dma_semaphore, #tpu.memory_space<semaphore_mem>>) src(%arg9 : memref<128x128xf32, #tpu.memory_space<vmem>>) dst(%dma_wait3A_59 : memref<128x128xf32, #tpu.memory_space<vmem_shared>>)
      tpu.yield
    }) : () -> ()
    %mul3A_26 = arith.constant 640 : i32
    %mul3A_27 = arith.muli %arg1, %mul3A_26 : i32
    %add3A_28 = arith.constant 384 : i32
    %add3A_29 = arith.addi %mul3A_27, %add3A_28 : i32
    "tpu.region"() ({
      %run_scoped3A = tpu.sem_alloc : memref<!tpu.dma_semaphore, #tpu.memory_space<semaphore_mem>>
      %dma_start3A_53 = arith.constant 0 : i32
      %dma_start3A_54 = tpu.memref_slice %arg13[%add3A_29, %dma_start3A_53] : memref<10240x128xf32, #tpu.memory_space<vmem_shared>> -> memref<128x128xf32, #tpu.memory_space<vmem_shared>>
      %dma_start3A_55 = arith.constant 0 : i32
      %dma_start3A_56 = tpu.memref_slice %arg13[%add3A_29, %dma_start3A_55] : memref<10240x128xf32, #tpu.memory_space<vmem_shared>> -> memref<128x128xf32, #tpu.memory_space<vmem_shared>>
      tpu.enqueue_dma source(%arg9 : memref<128x128xf32, #tpu.memory_space<vmem>>) target(%dma_start3A_56 : memref<128x128xf32, #tpu.memory_space<vmem_shared>>) target_semaphore(%run_scoped3A : memref<!tpu.dma_semaphore, #tpu.memory_space<semaphore_mem>>)
      %dma_wait3A = arith.constant 0 : i32
      %dma_wait3A_57 = tpu.memref_slice %arg13[%add3A_29, %dma_wait3A] : memref<10240x128xf32, #tpu.memory_space<vmem_shared>> -> memref<128x128xf32, #tpu.memory_space<vmem_shared>>
      %dma_wait3A_58 = arith.constant 0 : i32
      %dma_wait3A_59 = tpu.memref_slice %arg13[%add3A_29, %dma_wait3A_58] : memref<10240x128xf32, #tpu.memory_space<vmem_shared>> -> memref<128x128xf32, #tpu.memory_space<vmem_shared>>
      tpu.wait_dma2 semaphore(%run_scoped3A : memref<!tpu.dma_semaphore, #tpu.memory_space<semaphore_mem>>) src(%arg9 : memref<128x128xf32, #tpu.memory_space<vmem>>) dst(%dma_wait3A_59 : memref<128x128xf32, #tpu.memory_space<vmem_shared>>)
      tpu.yield
    }) : () -> ()
    %mul3A_30 = arith.constant 640 : i32
    %mul3A_31 = arith.muli %arg1, %mul3A_30 : i32
    %add3A_32 = arith.constant 512 : i32
    %add3A_33 = arith.addi %mul3A_31, %add3A_32 : i32
    "tpu.region"() ({
      %run_scoped3A = tpu.sem_alloc : memref<!tpu.dma_semaphore, #tpu.memory_space<semaphore_mem>>
      %dma_start3A_53 = arith.constant 0 : i32
      %dma_start3A_54 = tpu.memref_slice %arg13[%add3A_33, %dma_start3A_53] : memref<10240x128xf32, #tpu.memory_space<vmem_shared>> -> memref<128x128xf32, #tpu.memory_space<vmem_shared>>
      %dma_start3A_55 = arith.constant 0 : i32
      %dma_start3A_56 = tpu.memref_slice %arg13[%add3A_33, %dma_start3A_55] : memref<10240x128xf32, #tpu.memory_space<vmem_shared>> -> memref<128x128xf32, #tpu.memory_space<vmem_shared>>
      tpu.enqueue_dma source(%arg9 : memref<128x128xf32, #tpu.memory_space<vmem>>) target(%dma_start3A_56 : memref<128x128xf32, #tpu.memory_space<vmem_shared>>) target_semaphore(%run_scoped3A : memref<!tpu.dma_semaphore, #tpu.memory_space<semaphore_mem>>)
      %dma_wait3A = arith.constant 0 : i32
      %dma_wait3A_57 = tpu.memref_slice %arg13[%add3A_33, %dma_wait3A] : memref<10240x128xf32, #tpu.memory_space<vmem_shared>> -> memref<128x128xf32, #tpu.memory_space<vmem_shared>>
      %dma_wait3A_58 = arith.constant 0 : i32
      %dma_wait3A_59 = tpu.memref_slice %arg13[%add3A_33, %dma_wait3A_58] : memref<10240x128xf32, #tpu.memory_space<vmem_shared>> -> memref<128x128xf32, #tpu.memory_space<vmem_shared>>
      tpu.wait_dma2 semaphore(%run_scoped3A : memref<!tpu.dma_semaphore, #tpu.memory_space<semaphore_mem>>) src(%arg9 : memref<128x128xf32, #tpu.memory_space<vmem>>) dst(%dma_wait3A_59 : memref<128x128xf32, #tpu.memory_space<vmem_shared>>)
      tpu.yield
    }) : () -> ()
    "tpu.region"() ({
      %run_scoped3A = tpu.sem_alloc : memref<!tpu.dma_semaphore, #tpu.memory_space<semaphore_mem>>
      %dma_start3A_53 = arith.constant 0 : i32
      %dma_start3A_54 = tpu.memref_slice %arg6[%dma_start3A_53] : memref<128xi32, #tpu.memory_space<vmem>> -> memref<40xi32, #tpu.memory_space<vmem>>
      %dma_start3A_55 = arith.constant 0 : i32
      %dma_start3A_56 = arith.constant 0 : i32
      %dma_start3A_57 = tpu.memref_slice %arg3[%dma_start3A_55, %dma_start3A_56] : memref<2560x128xi32, #tpu.memory_space<hbm>> -> memref<2560x128xi32, #tpu.memory_space<hbm>>
      tpu.enqueue_indirect_dma source(%dma_start3A_57 : memref<2560x128xi32, #tpu.memory_space<hbm>>) target(%arg7 : memref<40x128xi32, #tpu.memory_space<vmem>>) offsets(%dma_start3A_54 : memref<40xi32, #tpu.memory_space<vmem>>) semaphore(%run_scoped3A : memref<!tpu.dma_semaphore, #tpu.memory_space<semaphore_mem>>)
      %dma_wait3A = arith.constant 0 : i32
      %dma_wait3A_58 = tpu.memref_slice %arg6[%dma_wait3A] : memref<128xi32, #tpu.memory_space<vmem>> -> memref<40xi32, #tpu.memory_space<vmem>>
      %dma_wait3A_59 = arith.constant 0 : i32
      %dma_wait3A_60 = arith.constant 0 : i32
      %dma_wait3A_61 = tpu.memref_slice %arg3[%dma_wait3A_59, %dma_wait3A_60] : memref<2560x128xi32, #tpu.memory_space<hbm>> -> memref<2560x128xi32, #tpu.memory_space<hbm>>
      tpu.wait_indirect_dma semaphore(%run_scoped3A : memref<!tpu.dma_semaphore, #tpu.memory_space<semaphore_mem>>) src(%dma_wait3A_61 : memref<2560x128xi32, #tpu.memory_space<hbm>>) dst(%arg7 : memref<40x128xi32, #tpu.memory_space<vmem>>)
      tpu.yield
    }) : () -> ()
    "tpu.region"() ({
      %run_scoped3A = tpu.sem_alloc : memref<!tpu.dma_semaphore, #tpu.memory_space<semaphore_mem>>
      %dma_start3A_53 = arith.constant 0 : i32
      %dma_start3A_54 = tpu.memref_slice %arg6[%dma_start3A_53] : memref<128xi32, #tpu.memory_space<vmem>> -> memref<40xi32, #tpu.memory_space<vmem>>
      %dma_start3A_55 = arith.constant 0 : i32
      %dma_start3A_56 = arith.constant 0 : i32
      %dma_start3A_57 = tpu.memref_slice %arg4[%dma_start3A_55, %dma_start3A_56] : memref<2560x128xi32, #tpu.memory_space<hbm>> -> memref<2560x128xi32, #tpu.memory_space<hbm>>
      tpu.enqueue_indirect_dma source(%dma_start3A_57 : memref<2560x128xi32, #tpu.memory_space<hbm>>) target(%arg8 : memref<40x128xi32, #tpu.memory_space<vmem>>) offsets(%dma_start3A_54 : memref<40xi32, #tpu.memory_space<vmem>>) semaphore(%run_scoped3A : memref<!tpu.dma_semaphore, #tpu.memory_space<semaphore_mem>>)
      %dma_wait3A = arith.constant 0 : i32
      %dma_wait3A_58 = tpu.memref_slice %arg6[%dma_wait3A] : memref<128xi32, #tpu.memory_space<vmem>> -> memref<40xi32, #tpu.memory_space<vmem>>
      %dma_wait3A_59 = arith.constant 0 : i32
      %dma_wait3A_60 = arith.constant 0 : i32
      %dma_wait3A_61 = tpu.memref_slice %arg4[%dma_wait3A_59, %dma_wait3A_60] : memref<2560x128xi32, #tpu.memory_space<hbm>> -> memref<2560x128xi32, #tpu.memory_space<hbm>>
      tpu.wait_indirect_dma semaphore(%run_scoped3A : memref<!tpu.dma_semaphore, #tpu.memory_space<semaphore_mem>>) src(%dma_wait3A_61 : memref<2560x128xi32, #tpu.memory_space<hbm>>) dst(%arg8 : memref<40x128xi32, #tpu.memory_space<vmem>>)
      tpu.yield
    }) : () -> ()
    %barrier3A = arith.constant 0 : index
    tpu.barrier barrier_id(%barrier3A)
    %dma_start3A = arith.constant 0 : i32
    %dma_start3A_34 = arith.constant 0 : i32
    %dma_start3A_35 = tpu.memref_slice %arg7[%dma_start3A, %dma_start3A_34] : memref<40x128xi32, #tpu.memory_space<vmem>> -> memref<1x128xi32, #tpu.memory_space<vmem>>
    %dma_start3A_36 = tpu.memref_squeeze %dma_start3A_35 : memref<1x128xi32, #tpu.memory_space<vmem>> -> memref<128xi32, #tpu.memory_space<vmem>>
    %dma_start3A_37 = arith.constant 0 : i32
    %dma_start3A_38 = arith.constant 0 : i32
    %dma_start3A_39 = tpu.memref_slice %arg2[%dma_start3A_37, %dma_start3A_38] : memref<10240x128xf32, #tpu.memory_space<hbm>> -> memref<10240x128xf32, #tpu.memory_space<hbm>>
    tpu.enqueue_indirect_dma source(%dma_start3A_39 : memref<10240x128xf32, #tpu.memory_space<hbm>>) target(%arg9 : memref<128x128xf32, #tpu.memory_space<vmem>>) offsets(%dma_start3A_36 : memref<128xi32, #tpu.memory_space<vmem>>) semaphore(%arg11 : memref<!tpu.dma_semaphore, #tpu.memory_space<semaphore_mem>>)
    %scan3A_40 = arith.constant 0 : i32
    %scan3A_41 = arith.constant 20 : i32
    %scan3A_42 = arith.addi %scan3A_40, %scan3A_41 : i32
    %scan3A_43 = arith.constant 1 : i32
    scf.for %scan3A_53 = %scan3A_40 to %scan3A_42 step %scan3A_43  : i32 {
      %mul3A_54 = arith.constant 1 : i32
      %mul3A_55 = arith.muli %scan3A_53, %mul3A_54 : i32
      %add3A_56 = arith.constant 0 : i32
      %add3A_57 = arith.addi %add3A_56, %mul3A_55 : i32
      %mul3A_58 = arith.constant 2 : i32
      %mul3A_59 = arith.muli %mul3A_58, %add3A_57 : i32
      %add3A_60 = arith.constant 1 : i32
      %add3A_61 = arith.addi %mul3A_59, %add3A_60 : i32
      %dma_wait3A = arith.constant 0 : i32
      %dma_wait3A_62 = tpu.memref_slice %arg7[%mul3A_59, %dma_wait3A] : memref<40x128xi32, #tpu.memory_space<vmem>> -> memref<1x128xi32, #tpu.memory_space<vmem>>
      %dma_wait3A_63 = tpu.memref_squeeze %dma_wait3A_62 : memref<1x128xi32, #tpu.memory_space<vmem>> -> memref<128xi32, #tpu.memory_space<vmem>>
      %dma_wait3A_64 = arith.constant 0 : i32
      %dma_wait3A_65 = arith.constant 0 : i32
      %dma_wait3A_66 = tpu.memref_slice %arg2[%dma_wait3A_64, %dma_wait3A_65] : memref<10240x128xf32, #tpu.memory_space<hbm>> -> memref<10240x128xf32, #tpu.memory_space<hbm>>
      tpu.wait_indirect_dma semaphore(%arg11 : memref<!tpu.dma_semaphore, #tpu.memory_space<semaphore_mem>>) src(%dma_wait3A_66 : memref<10240x128xf32, #tpu.memory_space<hbm>>) dst(%arg9 : memref<128x128xf32, #tpu.memory_space<vmem>>)
      %dma_start3A_67 = arith.constant 0 : i32
      %dma_start3A_68 = tpu.memref_slice %arg7[%add3A_61, %dma_start3A_67] : memref<40x128xi32, #tpu.memory_space<vmem>> -> memref<1x128xi32, #tpu.memory_space<vmem>>
      %dma_start3A_69 = tpu.memref_squeeze %dma_start3A_68 : memref<1x128xi32, #tpu.memory_space<vmem>> -> memref<128xi32, #tpu.memory_space<vmem>>
      %dma_start3A_70 = arith.constant 0 : i32
      %dma_start3A_71 = arith.constant 0 : i32
      %dma_start3A_72 = tpu.memref_slice %arg2[%dma_start3A_70, %dma_start3A_71] : memref<10240x128xf32, #tpu.memory_space<hbm>> -> memref<10240x128xf32, #tpu.memory_space<hbm>>
      tpu.enqueue_indirect_dma source(%dma_start3A_72 : memref<10240x128xf32, #tpu.memory_space<hbm>>) target(%arg10 : memref<128x128xf32, #tpu.memory_space<vmem>>) offsets(%dma_start3A_69 : memref<128xi32, #tpu.memory_space<vmem>>) semaphore(%arg12 : memref<!tpu.dma_semaphore, #tpu.memory_space<semaphore_mem>>)
      "tpu.region"() ({
        %run_scoped3A = tpu.sem_alloc : memref<!tpu.dma_semaphore, #tpu.memory_space<semaphore_mem>>
        %dma_start3A_83 = arith.constant 0 : i32
        %dma_start3A_84 = tpu.memref_slice %arg8[%mul3A_59, %dma_start3A_83] : memref<40x128xi32, #tpu.memory_space<vmem>> -> memref<1x128xi32, #tpu.memory_space<vmem>>
        %dma_start3A_85 = tpu.memref_squeeze %dma_start3A_84 : memref<1x128xi32, #tpu.memory_space<vmem>> -> memref<128xi32, #tpu.memory_space<vmem>>
        %dma_start3A_86 = arith.constant 0 : i32
        %dma_start3A_87 = arith.constant 0 : i32
        %dma_start3A_88 = tpu.memref_slice %arg13[%dma_start3A_86, %dma_start3A_87] : memref<10240x128xf32, #tpu.memory_space<vmem_shared>> -> memref<10240x128xf32, #tpu.memory_space<vmem_shared>>
        tpu.enqueue_indirect_dma source(%arg9 : memref<128x128xf32, #tpu.memory_space<vmem>>) target(%dma_start3A_88 : memref<10240x128xf32, #tpu.memory_space<vmem_shared>>) offsets(%dma_start3A_85 : memref<128xi32, #tpu.memory_space<vmem>>) semaphore(%run_scoped3A : memref<!tpu.dma_semaphore, #tpu.memory_space<semaphore_mem>>) {add = true}
        %dma_wait3A_89 = arith.constant 0 : i32
        %dma_wait3A_90 = tpu.memref_slice %arg8[%mul3A_59, %dma_wait3A_89] : memref<40x128xi32, #tpu.memory_space<vmem>> -> memref<1x128xi32, #tpu.memory_space<vmem>>
        %dma_wait3A_91 = tpu.memref_squeeze %dma_wait3A_90 : memref<1x128xi32, #tpu.memory_space<vmem>> -> memref<128xi32, #tpu.memory_space<vmem>>
        %dma_wait3A_92 = arith.constant 0 : i32
        %dma_wait3A_93 = arith.constant 0 : i32
        %dma_wait3A_94 = tpu.memref_slice %arg13[%dma_wait3A_92, %dma_wait3A_93] : memref<10240x128xf32, #tpu.memory_space<vmem_shared>> -> memref<10240x128xf32, #tpu.memory_space<vmem_shared>>
        tpu.wait_indirect_dma semaphore(%run_scoped3A : memref<!tpu.dma_semaphore, #tpu.memory_space<semaphore_mem>>) src(%arg9 : memref<128x128xf32, #tpu.memory_space<vmem>>) dst(%dma_wait3A_94 : memref<10240x128xf32, #tpu.memory_space<vmem_shared>>)
        tpu.yield
      }) : () -> ()
      %dma_wait3A_73 = arith.constant 0 : i32
      %dma_wait3A_74 = tpu.memref_slice %arg7[%add3A_61, %dma_wait3A_73] : memref<40x128xi32, #tpu.memory_space<vmem>> -> memref<1x128xi32, #tpu.memory_space<vmem>>
      %dma_wait3A_75 = tpu.memref_squeeze %dma_wait3A_74 : memref<1x128xi32, #tpu.memory_space<vmem>> -> memref<128xi32, #tpu.memory_space<vmem>>
      %dma_wait3A_76 = arith.constant 0 : i32
      %dma_wait3A_77 = arith.constant 0 : i32
      %dma_wait3A_78 = tpu.memref_slice %arg2[%dma_wait3A_76, %dma_wait3A_77] : memref<10240x128xf32, #tpu.memory_space<hbm>> -> memref<10240x128xf32, #tpu.memory_space<hbm>>
      tpu.wait_indirect_dma semaphore(%arg12 : memref<!tpu.dma_semaphore, #tpu.memory_space<semaphore_mem>>) src(%dma_wait3A_78 : memref<10240x128xf32, #tpu.memory_space<hbm>>) dst(%arg10 : memref<128x128xf32, #tpu.memory_space<vmem>>)
      %lt3A = arith.constant 19 : i32
      %lt3A_79 = arith.cmpi slt, %add3A_57, %lt3A : i32
      %convert_element_type3A_80 = arith.extui %lt3A_79 : i1 to i32
      %cond3A_81 = arith.constant 0 : i32
      %cond3A_82 = arith.cmpi ne, %convert_element_type3A_80, %cond3A_81 : i32
      scf.if %cond3A_82 {
        %add3A_83 = arith.constant 2 : i32
        %add3A_84 = arith.addi %mul3A_59, %add3A_83 : i32
        %dma_start3A_85 = arith.constant 0 : i32
        %dma_start3A_86 = tpu.memref_slice %arg7[%add3A_84, %dma_start3A_85] : memref<40x128xi32, #tpu.memory_space<vmem>> -> memref<1x128xi32, #tpu.memory_space<vmem>>
        %dma_start3A_87 = tpu.memref_squeeze %dma_start3A_86 : memref<1x128xi32, #tpu.memory_space<vmem>> -> memref<128xi32, #tpu.memory_space<vmem>>
        %dma_start3A_88 = arith.constant 0 : i32
        %dma_start3A_89 = arith.constant 0 : i32
        %dma_start3A_90 = tpu.memref_slice %arg2[%dma_start3A_88, %dma_start3A_89] : memref<10240x128xf32, #tpu.memory_space<hbm>> -> memref<10240x128xf32, #tpu.memory_space<hbm>>
        tpu.enqueue_indirect_dma source(%dma_start3A_90 : memref<10240x128xf32, #tpu.memory_space<hbm>>) target(%arg9 : memref<128x128xf32, #tpu.memory_space<vmem>>) offsets(%dma_start3A_87 : memref<128xi32, #tpu.memory_space<vmem>>) semaphore(%arg11 : memref<!tpu.dma_semaphore, #tpu.memory_space<semaphore_mem>>)
      } else {
      }
      "tpu.region"() ({
        %run_scoped3A = tpu.sem_alloc : memref<!tpu.dma_semaphore, #tpu.memory_space<semaphore_mem>>
        %dma_start3A_83 = arith.constant 0 : i32
        %dma_start3A_84 = tpu.memref_slice %arg8[%add3A_61, %dma_start3A_83] : memref<40x128xi32, #tpu.memory_space<vmem>> -> memref<1x128xi32, #tpu.memory_space<vmem>>
        %dma_start3A_85 = tpu.memref_squeeze %dma_start3A_84 : memref<1x128xi32, #tpu.memory_space<vmem>> -> memref<128xi32, #tpu.memory_space<vmem>>
        %dma_start3A_86 = arith.constant 0 : i32
        %dma_start3A_87 = arith.constant 0 : i32
        %dma_start3A_88 = tpu.memref_slice %arg13[%dma_start3A_86, %dma_start3A_87] : memref<10240x128xf32, #tpu.memory_space<vmem_shared>> -> memref<10240x128xf32, #tpu.memory_space<vmem_shared>>
        tpu.enqueue_indirect_dma source(%arg10 : memref<128x128xf32, #tpu.memory_space<vmem>>) target(%dma_start3A_88 : memref<10240x128xf32, #tpu.memory_space<vmem_shared>>) offsets(%dma_start3A_85 : memref<128xi32, #tpu.memory_space<vmem>>) semaphore(%run_scoped3A : memref<!tpu.dma_semaphore, #tpu.memory_space<semaphore_mem>>) {add = true}
        %dma_wait3A_89 = arith.constant 0 : i32
        %dma_wait3A_90 = tpu.memref_slice %arg8[%add3A_61, %dma_wait3A_89] : memref<40x128xi32, #tpu.memory_space<vmem>> -> memref<1x128xi32, #tpu.memory_space<vmem>>
        %dma_wait3A_91 = tpu.memref_squeeze %dma_wait3A_90 : memref<1x128xi32, #tpu.memory_space<vmem>> -> memref<128xi32, #tpu.memory_space<vmem>>
        %dma_wait3A_92 = arith.constant 0 : i32
        %dma_wait3A_93 = arith.constant 0 : i32
        %dma_wait3A_94 = tpu.memref_slice %arg13[%dma_wait3A_92, %dma_wait3A_93] : memref<10240x128xf32, #tpu.memory_space<vmem_shared>> -> memref<10240x128xf32, #tpu.memory_space<vmem_shared>>
        tpu.wait_indirect_dma semaphore(%run_scoped3A : memref<!tpu.dma_semaphore, #tpu.memory_space<semaphore_mem>>) src(%arg10 : memref<128x128xf32, #tpu.memory_space<vmem>>) dst(%dma_wait3A_94 : memref<10240x128xf32, #tpu.memory_space<vmem_shared>>)
        tpu.yield
      }) : () -> ()
    }
    %scan3A_44 = arith.constant 20 : i32
    %eq3A_45 = arith.constant 0 : i32
    %eq3A_46 = arith.cmpi eq, %arg0, %eq3A_45 : i32
    %convert_element_type3A = arith.extui %eq3A_46 : i1 to i32
    %cond3A = arith.constant 0 : i32
    %cond3A_47 = arith.cmpi ne, %convert_element_type3A, %cond3A : i32
    scf.if %cond3A_47 {
      "tpu.region"() ({
        %run_scoped3A = tpu.sem_alloc : memref<!tpu.dma_semaphore, #tpu.memory_space<semaphore_mem>>
        %dma_start3A_77 = arith.constant 40 : i32
        %dma_start3A_78 = tpu.memref_slice %arg6[%dma_start3A_77] : memref<128xi32, #tpu.memory_space<vmem>> -> memref<40xi32, #tpu.memory_space<vmem>>
        %dma_start3A_79 = arith.constant 0 : i32
        %dma_start3A_80 = arith.constant 0 : i32
        %dma_start3A_81 = tpu.memref_slice %arg3[%dma_start3A_79, %dma_start3A_80] : memref<2560x128xi32, #tpu.memory_space<hbm>> -> memref<2560x128xi32, #tpu.memory_space<hbm>>
        tpu.enqueue_indirect_dma source(%dma_start3A_81 : memref<2560x128xi32, #tpu.memory_space<hbm>>) target(%arg7 : memref<40x128xi32, #tpu.memory_space<vmem>>) offsets(%dma_start3A_78 : memref<40xi32, #tpu.memory_space<vmem>>) semaphore(%run_scoped3A : memref<!tpu.dma_semaphore, #tpu.memory_space<semaphore_mem>>)
        %dma_wait3A = arith.constant 40 : i32
        %dma_wait3A_82 = tpu.memref_slice %arg6[%dma_wait3A] : memref<128xi32, #tpu.memory_space<vmem>> -> memref<40xi32, #tpu.memory_space<vmem>>
        %dma_wait3A_83 = arith.constant 0 : i32
        %dma_wait3A_84 = arith.constant 0 : i32
        %dma_wait3A_85 = tpu.memref_slice %arg3[%dma_wait3A_83, %dma_wait3A_84] : memref<2560x128xi32, #tpu.memory_space<hbm>> -> memref<2560x128xi32, #tpu.memory_space<hbm>>
        tpu.wait_indirect_dma semaphore(%run_scoped3A : memref<!tpu.dma_semaphore, #tpu.memory_space<semaphore_mem>>) src(%dma_wait3A_85 : memref<2560x128xi32, #tpu.memory_space<hbm>>) dst(%arg7 : memref<40x128xi32, #tpu.memory_space<vmem>>)
        tpu.yield
      }) : () -> ()
      "tpu.region"() ({
        %run_scoped3A = tpu.sem_alloc : memref<!tpu.dma_semaphore, #tpu.memory_space<semaphore_mem>>
        %dma_start3A_77 = arith.constant 40 : i32
        %dma_start3A_78 = tpu.memref_slice %arg6[%dma_start3A_77] : memref<128xi32, #tpu.memory_space<vmem>> -> memref<40xi32, #tpu.memory_space<vmem>>
        %dma_start3A_79 = arith.constant 0 : i32
        %dma_start3A_80 = arith.constant 0 : i32
        %dma_start3A_81 = tpu.memref_slice %arg4[%dma_start3A_79, %dma_start3A_80] : memref<2560x128xi32, #tpu.memory_space<hbm>> -> memref<2560x128xi32, #tpu.memory_space<hbm>>
        tpu.enqueue_indirect_dma source(%dma_start3A_81 : memref<2560x128xi32, #tpu.memory_space<hbm>>) target(%arg8 : memref<40x128xi32, #tpu.memory_space<vmem>>) offsets(%dma_start3A_78 : memref<40xi32, #tpu.memory_space<vmem>>) semaphore(%run_scoped3A : memref<!tpu.dma_semaphore, #tpu.memory_space<semaphore_mem>>)
        %dma_wait3A = arith.constant 40 : i32
        %dma_wait3A_82 = tpu.memref_slice %arg6[%dma_wait3A] : memref<128xi32, #tpu.memory_space<vmem>> -> memref<40xi32, #tpu.memory_space<vmem>>
        %dma_wait3A_83 = arith.constant 0 : i32
        %dma_wait3A_84 = arith.constant 0 : i32
        %dma_wait3A_85 = tpu.memref_slice %arg4[%dma_wait3A_83, %dma_wait3A_84] : memref<2560x128xi32, #tpu.memory_space<hbm>> -> memref<2560x128xi32, #tpu.memory_space<hbm>>
        tpu.wait_indirect_dma semaphore(%run_scoped3A : memref<!tpu.dma_semaphore, #tpu.memory_space<semaphore_mem>>) src(%dma_wait3A_85 : memref<2560x128xi32, #tpu.memory_space<hbm>>) dst(%arg8 : memref<40x128xi32, #tpu.memory_space<vmem>>)
        tpu.yield
      }) : () -> ()
      %dma_start3A_53 = arith.constant 0 : i32
      %dma_start3A_54 = arith.constant 0 : i32
      %dma_start3A_55 = tpu.memref_slice %arg7[%dma_start3A_53, %dma_start3A_54] : memref<40x128xi32, #tpu.memory_space<vmem>> -> memref<1x128xi32, #tpu.memory_space<vmem>>
      %dma_start3A_56 = tpu.memref_squeeze %dma_start3A_55 : memref<1x128xi32, #tpu.memory_space<vmem>> -> memref<128xi32, #tpu.memory_space<vmem>>
      %dma_start3A_57 = arith.constant 0 : i32
      %dma_start3A_58 = arith.constant 0 : i32
      %dma_start3A_59 = tpu.memref_slice %arg2[%dma_start3A_57, %dma_start3A_58] : memref<10240x128xf32, #tpu.memory_space<hbm>> -> memref<10240x128xf32, #tpu.memory_space<hbm>>
      tpu.enqueue_indirect_dma source(%dma_start3A_59 : memref<10240x128xf32, #tpu.memory_space<hbm>>) target(%arg9 : memref<128x128xf32, #tpu.memory_space<vmem>>) offsets(%dma_start3A_56 : memref<128xi32, #tpu.memory_space<vmem>>) semaphore(%arg11 : memref<!tpu.dma_semaphore, #tpu.memory_space<semaphore_mem>>)
      %scan3A_60 = arith.constant 0 : i32
      %scan3A_61 = arith.constant 20 : i32
      %scan3A_62 = arith.addi %scan3A_60, %scan3A_61 : i32
      %scan3A_63 = arith.constant 1 : i32
      scf.for %scan3A_77 = %scan3A_60 to %scan3A_62 step %scan3A_63  : i32 {
        %mul3A_78 = arith.constant 1 : i32
        %mul3A_79 = arith.muli %scan3A_77, %mul3A_78 : i32
        %add3A_80 = arith.constant 0 : i32
        %add3A_81 = arith.addi %add3A_80, %mul3A_79 : i32
        %mul3A_82 = arith.constant 2 : i32
        %mul3A_83 = arith.muli %mul3A_82, %add3A_81 : i32
        %add3A_84 = arith.constant 1 : i32
        %add3A_85 = arith.addi %mul3A_83, %add3A_84 : i32
        %dma_wait3A = arith.constant 0 : i32
        %dma_wait3A_86 = tpu.memref_slice %arg7[%mul3A_83, %dma_wait3A] : memref<40x128xi32, #tpu.memory_space<vmem>> -> memref<1x128xi32, #tpu.memory_space<vmem>>
        %dma_wait3A_87 = tpu.memref_squeeze %dma_wait3A_86 : memref<1x128xi32, #tpu.memory_space<vmem>> -> memref<128xi32, #tpu.memory_space<vmem>>
        %dma_wait3A_88 = arith.constant 0 : i32
        %dma_wait3A_89 = arith.constant 0 : i32
        %dma_wait3A_90 = tpu.memref_slice %arg2[%dma_wait3A_88, %dma_wait3A_89] : memref<10240x128xf32, #tpu.memory_space<hbm>> -> memref<10240x128xf32, #tpu.memory_space<hbm>>
        tpu.wait_indirect_dma semaphore(%arg11 : memref<!tpu.dma_semaphore, #tpu.memory_space<semaphore_mem>>) src(%dma_wait3A_90 : memref<10240x128xf32, #tpu.memory_space<hbm>>) dst(%arg9 : memref<128x128xf32, #tpu.memory_space<vmem>>)
        %dma_start3A_91 = arith.constant 0 : i32
        %dma_start3A_92 = tpu.memref_slice %arg7[%add3A_85, %dma_start3A_91] : memref<40x128xi32, #tpu.memory_space<vmem>> -> memref<1x128xi32, #tpu.memory_space<vmem>>
        %dma_start3A_93 = tpu.memref_squeeze %dma_start3A_92 : memref<1x128xi32, #tpu.memory_space<vmem>> -> memref<128xi32, #tpu.memory_space<vmem>>
        %dma_start3A_94 = arith.constant 0 : i32
        %dma_start3A_95 = arith.constant 0 : i32
        %dma_start3A_96 = tpu.memref_slice %arg2[%dma_start3A_94, %dma_start3A_95] : memref<10240x128xf32, #tpu.memory_space<hbm>> -> memref<10240x128xf32, #tpu.memory_space<hbm>>
        tpu.enqueue_indirect_dma source(%dma_start3A_96 : memref<10240x128xf32, #tpu.memory_space<hbm>>) target(%arg10 : memref<128x128xf32, #tpu.memory_space<vmem>>) offsets(%dma_start3A_93 : memref<128xi32, #tpu.memory_space<vmem>>) semaphore(%arg12 : memref<!tpu.dma_semaphore, #tpu.memory_space<semaphore_mem>>)
        "tpu.region"() ({
          %run_scoped3A = tpu.sem_alloc : memref<!tpu.dma_semaphore, #tpu.memory_space<semaphore_mem>>
          %dma_start3A_107 = arith.constant 0 : i32
          %dma_start3A_108 = tpu.memref_slice %arg8[%mul3A_83, %dma_start3A_107] : memref<40x128xi32, #tpu.memory_space<vmem>> -> memref<1x128xi32, #tpu.memory_space<vmem>>
          %dma_start3A_109 = tpu.memref_squeeze %dma_start3A_108 : memref<1x128xi32, #tpu.memory_space<vmem>> -> memref<128xi32, #tpu.memory_space<vmem>>
          %dma_start3A_110 = arith.constant 0 : i32
          %dma_start3A_111 = arith.constant 0 : i32
          %dma_start3A_112 = tpu.memref_slice %arg13[%dma_start3A_110, %dma_start3A_111] : memref<10240x128xf32, #tpu.memory_space<vmem_shared>> -> memref<10240x128xf32, #tpu.memory_space<vmem_shared>>
          tpu.enqueue_indirect_dma source(%arg9 : memref<128x128xf32, #tpu.memory_space<vmem>>) target(%dma_start3A_112 : memref<10240x128xf32, #tpu.memory_space<vmem_shared>>) offsets(%dma_start3A_109 : memref<128xi32, #tpu.memory_space<vmem>>) semaphore(%run_scoped3A : memref<!tpu.dma_semaphore, #tpu.memory_space<semaphore_mem>>) {add = true}
          %dma_wait3A_113 = arith.constant 0 : i32
          %dma_wait3A_114 = tpu.memref_slice %arg8[%mul3A_83, %dma_wait3A_113] : memref<40x128xi32, #tpu.memory_space<vmem>> -> memref<1x128xi32, #tpu.memory_space<vmem>>
          %dma_wait3A_115 = tpu.memref_squeeze %dma_wait3A_114 : memref<1x128xi32, #tpu.memory_space<vmem>> -> memref<128xi32, #tpu.memory_space<vmem>>
          %dma_wait3A_116 = arith.constant 0 : i32
          %dma_wait3A_117 = arith.constant 0 : i32
          %dma_wait3A_118 = tpu.memref_slice %arg13[%dma_wait3A_116, %dma_wait3A_117] : memref<10240x128xf32, #tpu.memory_space<vmem_shared>> -> memref<10240x128xf32, #tpu.memory_space<vmem_shared>>
          tpu.wait_indirect_dma semaphore(%run_scoped3A : memref<!tpu.dma_semaphore, #tpu.memory_space<semaphore_mem>>) src(%arg9 : memref<128x128xf32, #tpu.memory_space<vmem>>) dst(%dma_wait3A_118 : memref<10240x128xf32, #tpu.memory_space<vmem_shared>>)
          tpu.yield
        }) : () -> ()
        %dma_wait3A_97 = arith.constant 0 : i32
        %dma_wait3A_98 = tpu.memref_slice %arg7[%add3A_85, %dma_wait3A_97] : memref<40x128xi32, #tpu.memory_space<vmem>> -> memref<1x128xi32, #tpu.memory_space<vmem>>
        %dma_wait3A_99 = tpu.memref_squeeze %dma_wait3A_98 : memref<1x128xi32, #tpu.memory_space<vmem>> -> memref<128xi32, #tpu.memory_space<vmem>>
        %dma_wait3A_100 = arith.constant 0 : i32
        %dma_wait3A_101 = arith.constant 0 : i32
        %dma_wait3A_102 = tpu.memref_slice %arg2[%dma_wait3A_100, %dma_wait3A_101] : memref<10240x128xf32, #tpu.memory_space<hbm>> -> memref<10240x128xf32, #tpu.memory_space<hbm>>
        tpu.wait_indirect_dma semaphore(%arg12 : memref<!tpu.dma_semaphore, #tpu.memory_space<semaphore_mem>>) src(%dma_wait3A_102 : memref<10240x128xf32, #tpu.memory_space<hbm>>) dst(%arg10 : memref<128x128xf32, #tpu.memory_space<vmem>>)
        %lt3A = arith.constant 19 : i32
        %lt3A_103 = arith.cmpi slt, %add3A_81, %lt3A : i32
        %convert_element_type3A_104 = arith.extui %lt3A_103 : i1 to i32
        %cond3A_105 = arith.constant 0 : i32
        %cond3A_106 = arith.cmpi ne, %convert_element_type3A_104, %cond3A_105 : i32
        scf.if %cond3A_106 {
          %add3A_107 = arith.constant 2 : i32
          %add3A_108 = arith.addi %mul3A_83, %add3A_107 : i32
          %dma_start3A_109 = arith.constant 0 : i32
          %dma_start3A_110 = tpu.memref_slice %arg7[%add3A_108, %dma_start3A_109] : memref<40x128xi32, #tpu.memory_space<vmem>> -> memref<1x128xi32, #tpu.memory_space<vmem>>
          %dma_start3A_111 = tpu.memref_squeeze %dma_start3A_110 : memref<1x128xi32, #tpu.memory_space<vmem>> -> memref<128xi32, #tpu.memory_space<vmem>>
          %dma_start3A_112 = arith.constant 0 : i32
          %dma_start3A_113 = arith.constant 0 : i32
          %dma_start3A_114 = tpu.memref_slice %arg2[%dma_start3A_112, %dma_start3A_113] : memref<10240x128xf32, #tpu.memory_space<hbm>> -> memref<10240x128xf32, #tpu.memory_space<hbm>>
          tpu.enqueue_indirect_dma source(%dma_start3A_114 : memref<10240x128xf32, #tpu.memory_space<hbm>>) target(%arg9 : memref<128x128xf32, #tpu.memory_space<vmem>>) offsets(%dma_start3A_111 : memref<128xi32, #tpu.memory_space<vmem>>) semaphore(%arg11 : memref<!tpu.dma_semaphore, #tpu.memory_space<semaphore_mem>>)
        } else {
        }
        "tpu.region"() ({
          %run_scoped3A = tpu.sem_alloc : memref<!tpu.dma_semaphore, #tpu.memory_space<semaphore_mem>>
          %dma_start3A_107 = arith.constant 0 : i32
          %dma_start3A_108 = tpu.memref_slice %arg8[%add3A_85, %dma_start3A_107] : memref<40x128xi32, #tpu.memory_space<vmem>> -> memref<1x128xi32, #tpu.memory_space<vmem>>
          %dma_start3A_109 = tpu.memref_squeeze %dma_start3A_108 : memref<1x128xi32, #tpu.memory_space<vmem>> -> memref<128xi32, #tpu.memory_space<vmem>>
          %dma_start3A_110 = arith.constant 0 : i32
          %dma_start3A_111 = arith.constant 0 : i32
          %dma_start3A_112 = tpu.memref_slice %arg13[%dma_start3A_110, %dma_start3A_111] : memref<10240x128xf32, #tpu.memory_space<vmem_shared>> -> memref<10240x128xf32, #tpu.memory_space<vmem_shared>>
          tpu.enqueue_indirect_dma source(%arg10 : memref<128x128xf32, #tpu.memory_space<vmem>>) target(%dma_start3A_112 : memref<10240x128xf32, #tpu.memory_space<vmem_shared>>) offsets(%dma_start3A_109 : memref<128xi32, #tpu.memory_space<vmem>>) semaphore(%run_scoped3A : memref<!tpu.dma_semaphore, #tpu.memory_space<semaphore_mem>>) {add = true}
          %dma_wait3A_113 = arith.constant 0 : i32
          %dma_wait3A_114 = tpu.memref_slice %arg8[%add3A_85, %dma_wait3A_113] : memref<40x128xi32, #tpu.memory_space<vmem>> -> memref<1x128xi32, #tpu.memory_space<vmem>>
          %dma_wait3A_115 = tpu.memref_squeeze %dma_wait3A_114 : memref<1x128xi32, #tpu.memory_space<vmem>> -> memref<128xi32, #tpu.memory_space<vmem>>
          %dma_wait3A_116 = arith.constant 0 : i32
          %dma_wait3A_117 = arith.constant 0 : i32
          %dma_wait3A_118 = tpu.memref_slice %arg13[%dma_wait3A_116, %dma_wait3A_117] : memref<10240x128xf32, #tpu.memory_space<vmem_shared>> -> memref<10240x128xf32, #tpu.memory_space<vmem_shared>>
          tpu.wait_indirect_dma semaphore(%run_scoped3A : memref<!tpu.dma_semaphore, #tpu.memory_space<semaphore_mem>>) src(%arg10 : memref<128x128xf32, #tpu.memory_space<vmem>>) dst(%dma_wait3A_118 : memref<10240x128xf32, #tpu.memory_space<vmem_shared>>)
          tpu.yield
        }) : () -> ()
      }
      %scan3A_64 = arith.constant 20 : i32
      "tpu.region"() ({
        %run_scoped3A = tpu.sem_alloc : memref<!tpu.dma_semaphore, #tpu.memory_space<semaphore_mem>>
        %dma_start3A_77 = arith.constant 80 : i32
        %dma_start3A_78 = tpu.memref_slice %arg6[%dma_start3A_77] : memref<128xi32, #tpu.memory_space<vmem>> -> memref<40xi32, #tpu.memory_space<vmem>>
        %dma_start3A_79 = arith.constant 0 : i32
        %dma_start3A_80 = arith.constant 0 : i32
        %dma_start3A_81 = tpu.memref_slice %arg3[%dma_start3A_79, %dma_start3A_80] : memref<2560x128xi32, #tpu.memory_space<hbm>> -> memref<2560x128xi32, #tpu.memory_space<hbm>>
        tpu.enqueue_indirect_dma source(%dma_start3A_81 : memref<2560x128xi32, #tpu.memory_space<hbm>>) target(%arg7 : memref<40x128xi32, #tpu.memory_space<vmem>>) offsets(%dma_start3A_78 : memref<40xi32, #tpu.memory_space<vmem>>) semaphore(%run_scoped3A : memref<!tpu.dma_semaphore, #tpu.memory_space<semaphore_mem>>)
        %dma_wait3A = arith.constant 80 : i32
        %dma_wait3A_82 = tpu.memref_slice %arg6[%dma_wait3A] : memref<128xi32, #tpu.memory_space<vmem>> -> memref<40xi32, #tpu.memory_space<vmem>>
        %dma_wait3A_83 = arith.constant 0 : i32
        %dma_wait3A_84 = arith.constant 0 : i32
        %dma_wait3A_85 = tpu.memref_slice %arg3[%dma_wait3A_83, %dma_wait3A_84] : memref<2560x128xi32, #tpu.memory_space<hbm>> -> memref<2560x128xi32, #tpu.memory_space<hbm>>
        tpu.wait_indirect_dma semaphore(%run_scoped3A : memref<!tpu.dma_semaphore, #tpu.memory_space<semaphore_mem>>) src(%dma_wait3A_85 : memref<2560x128xi32, #tpu.memory_space<hbm>>) dst(%arg7 : memref<40x128xi32, #tpu.memory_space<vmem>>)
        tpu.yield
      }) : () -> ()
      "tpu.region"() ({
        %run_scoped3A = tpu.sem_alloc : memref<!tpu.dma_semaphore, #tpu.memory_space<semaphore_mem>>
        %dma_start3A_77 = arith.constant 80 : i32
        %dma_start3A_78 = tpu.memref_slice %arg6[%dma_start3A_77] : memref<128xi32, #tpu.memory_space<vmem>> -> memref<40xi32, #tpu.memory_space<vmem>>
        %dma_start3A_79 = arith.constant 0 : i32
        %dma_start3A_80 = arith.constant 0 : i32
        %dma_start3A_81 = tpu.memref_slice %arg4[%dma_start3A_79, %dma_start3A_80] : memref<2560x128xi32, #tpu.memory_space<hbm>> -> memref<2560x128xi32, #tpu.memory_space<hbm>>
        tpu.enqueue_indirect_dma source(%dma_start3A_81 : memref<2560x128xi32, #tpu.memory_space<hbm>>) target(%arg8 : memref<40x128xi32, #tpu.memory_space<vmem>>) offsets(%dma_start3A_78 : memref<40xi32, #tpu.memory_space<vmem>>) semaphore(%run_scoped3A : memref<!tpu.dma_semaphore, #tpu.memory_space<semaphore_mem>>)
        %dma_wait3A = arith.constant 80 : i32
        %dma_wait3A_82 = tpu.memref_slice %arg6[%dma_wait3A] : memref<128xi32, #tpu.memory_space<vmem>> -> memref<40xi32, #tpu.memory_space<vmem>>
        %dma_wait3A_83 = arith.constant 0 : i32
        %dma_wait3A_84 = arith.constant 0 : i32
        %dma_wait3A_85 = tpu.memref_slice %arg4[%dma_wait3A_83, %dma_wait3A_84] : memref<2560x128xi32, #tpu.memory_space<hbm>> -> memref<2560x128xi32, #tpu.memory_space<hbm>>
        tpu.wait_indirect_dma semaphore(%run_scoped3A : memref<!tpu.dma_semaphore, #tpu.memory_space<semaphore_mem>>) src(%dma_wait3A_85 : memref<2560x128xi32, #tpu.memory_space<hbm>>) dst(%arg8 : memref<40x128xi32, #tpu.memory_space<vmem>>)
        tpu.yield
      }) : () -> ()
      %dma_start3A_65 = arith.constant 0 : i32
      %dma_start3A_66 = arith.constant 0 : i32
      %dma_start3A_67 = tpu.memref_slice %arg7[%dma_start3A_65, %dma_start3A_66] : memref<40x128xi32, #tpu.memory_space<vmem>> -> memref<1x128xi32, #tpu.memory_space<vmem>>
      %dma_start3A_68 = tpu.memref_squeeze %dma_start3A_67 : memref<1x128xi32, #tpu.memory_space<vmem>> -> memref<128xi32, #tpu.memory_space<vmem>>
      %dma_start3A_69 = arith.constant 0 : i32
      %dma_start3A_70 = arith.constant 0 : i32
      %dma_start3A_71 = tpu.memref_slice %arg2[%dma_start3A_69, %dma_start3A_70] : memref<10240x128xf32, #tpu.memory_space<hbm>> -> memref<10240x128xf32, #tpu.memory_space<hbm>>
      tpu.enqueue_indirect_dma source(%dma_start3A_71 : memref<10240x128xf32, #tpu.memory_space<hbm>>) target(%arg9 : memref<128x128xf32, #tpu.memory_space<vmem>>) offsets(%dma_start3A_68 : memref<128xi32, #tpu.memory_space<vmem>>) semaphore(%arg11 : memref<!tpu.dma_semaphore, #tpu.memory_space<semaphore_mem>>)
      %scan3A_72 = arith.constant 0 : i32
      %scan3A_73 = arith.constant 20 : i32
      %scan3A_74 = arith.addi %scan3A_72, %scan3A_73 : i32
      %scan3A_75 = arith.constant 1 : i32
      scf.for %scan3A_77 = %scan3A_72 to %scan3A_74 step %scan3A_75  : i32 {
        %mul3A_78 = arith.constant 1 : i32
        %mul3A_79 = arith.muli %scan3A_77, %mul3A_78 : i32
        %add3A_80 = arith.constant 0 : i32
        %add3A_81 = arith.addi %add3A_80, %mul3A_79 : i32
        %mul3A_82 = arith.constant 2 : i32
        %mul3A_83 = arith.muli %mul3A_82, %add3A_81 : i32
        %add3A_84 = arith.constant 1 : i32
        %add3A_85 = arith.addi %mul3A_83, %add3A_84 : i32
        %dma_wait3A = arith.constant 0 : i32
        %dma_wait3A_86 = tpu.memref_slice %arg7[%mul3A_83, %dma_wait3A] : memref<40x128xi32, #tpu.memory_space<vmem>> -> memref<1x128xi32, #tpu.memory_space<vmem>>
        %dma_wait3A_87 = tpu.memref_squeeze %dma_wait3A_86 : memref<1x128xi32, #tpu.memory_space<vmem>> -> memref<128xi32, #tpu.memory_space<vmem>>
        %dma_wait3A_88 = arith.constant 0 : i32
        %dma_wait3A_89 = arith.constant 0 : i32
        %dma_wait3A_90 = tpu.memref_slice %arg2[%dma_wait3A_88, %dma_wait3A_89] : memref<10240x128xf32, #tpu.memory_space<hbm>> -> memref<10240x128xf32, #tpu.memory_space<hbm>>
        tpu.wait_indirect_dma semaphore(%arg11 : memref<!tpu.dma_semaphore, #tpu.memory_space<semaphore_mem>>) src(%dma_wait3A_90 : memref<10240x128xf32, #tpu.memory_space<hbm>>) dst(%arg9 : memref<128x128xf32, #tpu.memory_space<vmem>>)
        %dma_start3A_91 = arith.constant 0 : i32
        %dma_start3A_92 = tpu.memref_slice %arg7[%add3A_85, %dma_start3A_91] : memref<40x128xi32, #tpu.memory_space<vmem>> -> memref<1x128xi32, #tpu.memory_space<vmem>>
        %dma_start3A_93 = tpu.memref_squeeze %dma_start3A_92 : memref<1x128xi32, #tpu.memory_space<vmem>> -> memref<128xi32, #tpu.memory_space<vmem>>
        %dma_start3A_94 = arith.constant 0 : i32
        %dma_start3A_95 = arith.constant 0 : i32
        %dma_start3A_96 = tpu.memref_slice %arg2[%dma_start3A_94, %dma_start3A_95] : memref<10240x128xf32, #tpu.memory_space<hbm>> -> memref<10240x128xf32, #tpu.memory_space<hbm>>
        tpu.enqueue_indirect_dma source(%dma_start3A_96 : memref<10240x128xf32, #tpu.memory_space<hbm>>) target(%arg10 : memref<128x128xf32, #tpu.memory_space<vmem>>) offsets(%dma_start3A_93 : memref<128xi32, #tpu.memory_space<vmem>>) semaphore(%arg12 : memref<!tpu.dma_semaphore, #tpu.memory_space<semaphore_mem>>)
        "tpu.region"() ({
          %run_scoped3A = tpu.sem_alloc : memref<!tpu.dma_semaphore, #tpu.memory_space<semaphore_mem>>
          %dma_start3A_107 = arith.constant 0 : i32
          %dma_start3A_108 = tpu.memref_slice %arg8[%mul3A_83, %dma_start3A_107] : memref<40x128xi32, #tpu.memory_space<vmem>> -> memref<1x128xi32, #tpu.memory_space<vmem>>
          %dma_start3A_109 = tpu.memref_squeeze %dma_start3A_108 : memref<1x128xi32, #tpu.memory_space<vmem>> -> memref<128xi32, #tpu.memory_space<vmem>>
          %dma_start3A_110 = arith.constant 0 : i32
          %dma_start3A_111 = arith.constant 0 : i32
          %dma_start3A_112 = tpu.memref_slice %arg13[%dma_start3A_110, %dma_start3A_111] : memref<10240x128xf32, #tpu.memory_space<vmem_shared>> -> memref<10240x128xf32, #tpu.memory_space<vmem_shared>>
          tpu.enqueue_indirect_dma source(%arg9 : memref<128x128xf32, #tpu.memory_space<vmem>>) target(%dma_start3A_112 : memref<10240x128xf32, #tpu.memory_space<vmem_shared>>) offsets(%dma_start3A_109 : memref<128xi32, #tpu.memory_space<vmem>>) semaphore(%run_scoped3A : memref<!tpu.dma_semaphore, #tpu.memory_space<semaphore_mem>>) {add = true}
          %dma_wait3A_113 = arith.constant 0 : i32
          %dma_wait3A_114 = tpu.memref_slice %arg8[%mul3A_83, %dma_wait3A_113] : memref<40x128xi32, #tpu.memory_space<vmem>> -> memref<1x128xi32, #tpu.memory_space<vmem>>
          %dma_wait3A_115 = tpu.memref_squeeze %dma_wait3A_114 : memref<1x128xi32, #tpu.memory_space<vmem>> -> memref<128xi32, #tpu.memory_space<vmem>>
          %dma_wait3A_116 = arith.constant 0 : i32
          %dma_wait3A_117 = arith.constant 0 : i32
          %dma_wait3A_118 = tpu.memref_slice %arg13[%dma_wait3A_116, %dma_wait3A_117] : memref<10240x128xf32, #tpu.memory_space<vmem_shared>> -> memref<10240x128xf32, #tpu.memory_space<vmem_shared>>
          tpu.wait_indirect_dma semaphore(%run_scoped3A : memref<!tpu.dma_semaphore, #tpu.memory_space<semaphore_mem>>) src(%arg9 : memref<128x128xf32, #tpu.memory_space<vmem>>) dst(%dma_wait3A_118 : memref<10240x128xf32, #tpu.memory_space<vmem_shared>>)
          tpu.yield
        }) : () -> ()
        %dma_wait3A_97 = arith.constant 0 : i32
        %dma_wait3A_98 = tpu.memref_slice %arg7[%add3A_85, %dma_wait3A_97] : memref<40x128xi32, #tpu.memory_space<vmem>> -> memref<1x128xi32, #tpu.memory_space<vmem>>
        %dma_wait3A_99 = tpu.memref_squeeze %dma_wait3A_98 : memref<1x128xi32, #tpu.memory_space<vmem>> -> memref<128xi32, #tpu.memory_space<vmem>>
        %dma_wait3A_100 = arith.constant 0 : i32
        %dma_wait3A_101 = arith.constant 0 : i32
        %dma_wait3A_102 = tpu.memref_slice %arg2[%dma_wait3A_100, %dma_wait3A_101] : memref<10240x128xf32, #tpu.memory_space<hbm>> -> memref<10240x128xf32, #tpu.memory_space<hbm>>
        tpu.wait_indirect_dma semaphore(%arg12 : memref<!tpu.dma_semaphore, #tpu.memory_space<semaphore_mem>>) src(%dma_wait3A_102 : memref<10240x128xf32, #tpu.memory_space<hbm>>) dst(%arg10 : memref<128x128xf32, #tpu.memory_space<vmem>>)
        %lt3A = arith.constant 19 : i32
        %lt3A_103 = arith.cmpi slt, %add3A_81, %lt3A : i32
        %convert_element_type3A_104 = arith.extui %lt3A_103 : i1 to i32
        %cond3A_105 = arith.constant 0 : i32
        %cond3A_106 = arith.cmpi ne, %convert_element_type3A_104, %cond3A_105 : i32
        scf.if %cond3A_106 {
          %add3A_107 = arith.constant 2 : i32
          %add3A_108 = arith.addi %mul3A_83, %add3A_107 : i32
          %dma_start3A_109 = arith.constant 0 : i32
          %dma_start3A_110 = tpu.memref_slice %arg7[%add3A_108, %dma_start3A_109] : memref<40x128xi32, #tpu.memory_space<vmem>> -> memref<1x128xi32, #tpu.memory_space<vmem>>
          %dma_start3A_111 = tpu.memref_squeeze %dma_start3A_110 : memref<1x128xi32, #tpu.memory_space<vmem>> -> memref<128xi32, #tpu.memory_space<vmem>>
          %dma_start3A_112 = arith.constant 0 : i32
          %dma_start3A_113 = arith.constant 0 : i32
          %dma_start3A_114 = tpu.memref_slice %arg2[%dma_start3A_112, %dma_start3A_113] : memref<10240x128xf32, #tpu.memory_space<hbm>> -> memref<10240x128xf32, #tpu.memory_space<hbm>>
          tpu.enqueue_indirect_dma source(%dma_start3A_114 : memref<10240x128xf32, #tpu.memory_space<hbm>>) target(%arg9 : memref<128x128xf32, #tpu.memory_space<vmem>>) offsets(%dma_start3A_111 : memref<128xi32, #tpu.memory_space<vmem>>) semaphore(%arg11 : memref<!tpu.dma_semaphore, #tpu.memory_space<semaphore_mem>>)
        } else {
        }
        "tpu.region"() ({
          %run_scoped3A = tpu.sem_alloc : memref<!tpu.dma_semaphore, #tpu.memory_space<semaphore_mem>>
          %dma_start3A_107 = arith.constant 0 : i32
          %dma_start3A_108 = tpu.memref_slice %arg8[%add3A_85, %dma_start3A_107] : memref<40x128xi32, #tpu.memory_space<vmem>> -> memref<1x128xi32, #tpu.memory_space<vmem>>
          %dma_start3A_109 = tpu.memref_squeeze %dma_start3A_108 : memref<1x128xi32, #tpu.memory_space<vmem>> -> memref<128xi32, #tpu.memory_space<vmem>>
          %dma_start3A_110 = arith.constant 0 : i32
          %dma_start3A_111 = arith.constant 0 : i32
          %dma_start3A_112 = tpu.memref_slice %arg13[%dma_start3A_110, %dma_start3A_111] : memref<10240x128xf32, #tpu.memory_space<vmem_shared>> -> memref<10240x128xf32, #tpu.memory_space<vmem_shared>>
          tpu.enqueue_indirect_dma source(%arg10 : memref<128x128xf32, #tpu.memory_space<vmem>>) target(%dma_start3A_112 : memref<10240x128xf32, #tpu.memory_space<vmem_shared>>) offsets(%dma_start3A_109 : memref<128xi32, #tpu.memory_space<vmem>>) semaphore(%run_scoped3A : memref<!tpu.dma_semaphore, #tpu.memory_space<semaphore_mem>>) {add = true}
          %dma_wait3A_113 = arith.constant 0 : i32
          %dma_wait3A_114 = tpu.memref_slice %arg8[%add3A_85, %dma_wait3A_113] : memref<40x128xi32, #tpu.memory_space<vmem>> -> memref<1x128xi32, #tpu.memory_space<vmem>>
          %dma_wait3A_115 = tpu.memref_squeeze %dma_wait3A_114 : memref<1x128xi32, #tpu.memory_space<vmem>> -> memref<128xi32, #tpu.memory_space<vmem>>
          %dma_wait3A_116 = arith.constant 0 : i32
          %dma_wait3A_117 = arith.constant 0 : i32
          %dma_wait3A_118 = tpu.memref_slice %arg13[%dma_wait3A_116, %dma_wait3A_117] : memref<10240x128xf32, #tpu.memory_space<vmem_shared>> -> memref<10240x128xf32, #tpu.memory_space<vmem_shared>>
          tpu.wait_indirect_dma semaphore(%run_scoped3A : memref<!tpu.dma_semaphore, #tpu.memory_space<semaphore_mem>>) src(%arg10 : memref<128x128xf32, #tpu.memory_space<vmem>>) dst(%dma_wait3A_118 : memref<10240x128xf32, #tpu.memory_space<vmem_shared>>)
          tpu.yield
        }) : () -> ()
      }
      %scan3A_76 = arith.constant 20 : i32
    } else {
    }
    %barrier3A_48 = arith.constant 0 : index
    tpu.barrier barrier_id(%barrier3A_48)
    %mul3A_49 = arith.constant 640 : i32
    %mul3A_50 = arith.muli %arg1, %mul3A_49 : i32
    %mul3A_51 = arith.constant 640 : i32
    %mul3A_52 = arith.muli %arg1, %mul3A_51 : i32
    "tpu.region"() ({
      %run_scoped3A = tpu.sem_alloc : memref<!tpu.dma_semaphore, #tpu.memory_space<semaphore_mem>>
      %dma_start3A_53 = arith.constant 0 : i32
      %dma_start3A_54 = tpu.memref_slice %arg5[%arg0, %mul3A_52, %dma_start3A_53] : memref<2x10240x128xf32, #tpu.memory_space<hbm>> -> memref<1x640x128xf32, #tpu.memory_space<hbm>>
      %dma_start3A_55 = tpu.memref_squeeze %dma_start3A_54 : memref<1x640x128xf32, #tpu.memory_space<hbm>> -> memref<640x128xf32, #tpu.memory_space<hbm>>
      %dma_start3A_56 = arith.constant 0 : i32
      %dma_start3A_57 = tpu.memref_slice %arg13[%mul3A_50, %dma_start3A_56] : memref<10240x128xf32, #tpu.memory_space<vmem_shared>> -> memref<640x128xf32, #tpu.memory_space<vmem_shared>>
      tpu.enqueue_dma source(%dma_start3A_57 : memref<640x128xf32, #tpu.memory_space<vmem_shared>>) target(%dma_start3A_55 : memref<640x128xf32, #tpu.memory_space<hbm>>) target_semaphore(%run_scoped3A : memref<!tpu.dma_semaphore, #tpu.memory_space<semaphore_mem>>)
      %dma_wait3A = arith.constant 0 : i32
      %dma_wait3A_58 = tpu.memref_slice %arg5[%arg0, %mul3A_52, %dma_wait3A] : memref<2x10240x128xf32, #tpu.memory_space<hbm>> -> memref<1x640x128xf32, #tpu.memory_space<hbm>>
      %dma_wait3A_59 = tpu.memref_squeeze %dma_wait3A_58 : memref<1x640x128xf32, #tpu.memory_space<hbm>> -> memref<640x128xf32, #tpu.memory_space<hbm>>
      %dma_wait3A_60 = arith.constant 0 : i32
      %dma_wait3A_61 = tpu.memref_slice %arg13[%mul3A_50, %dma_wait3A_60] : memref<10240x128xf32, #tpu.memory_space<vmem_shared>> -> memref<640x128xf32, #tpu.memory_space<vmem_shared>>
      tpu.wait_dma2 semaphore(%run_scoped3A : memref<!tpu.dma_semaphore, #tpu.memory_space<semaphore_mem>>) src(%dma_wait3A_61 : memref<640x128xf32, #tpu.memory_space<vmem_shared>>) dst(%dma_wait3A_59 : memref<640x128xf32, #tpu.memory_space<hbm>>)
      tpu.yield
    }) : () -> ()
    return
  }
}

module attributes {stable_mosaic.version = 14 : i64} {
  func.func @_pre_body(%arg0: memref<10240x128xf32, #tpu.memory_space<vmem>>, %arg1: memref<128x128xf32, #tpu.memory_space<vmem>>, %arg2: memref<2x10240x128xf32, #tpu.memory_space<vmem>>, %arg3: memref<10240x1xf32, #tpu.memory_space<vmem>>, %arg4: memref<10240x128xf32, #tpu.memory_space<vmem>>) attributes {dimension_semantics = [], scalar_prefetch = 0 : i64, scratch_operands = 0 : i64, tpu.core_type = #tpu.core_type<tc>} {
    %get3A = arith.constant 0 : index
    %get3A_0 = arith.constant 0 : index
    %get3A_1 = arith.constant 0 : index
    %get3A_2 = vector.load %arg2[%get3A, %get3A_0, %get3A_1] : memref<2x10240x128xf32, #tpu.memory_space<vmem>>, vector<1x10240x1xf32>
    %get3A_3 = vector.shape_cast %get3A_2 : vector<1x10240x1xf32> to vector<10240x1xf32>
    %get3A_4 = arith.constant 1 : index
    %get3A_5 = arith.constant 0 : index
    %get3A_6 = arith.constant 0 : index
    %get3A_7 = vector.load %arg2[%get3A_4, %get3A_5, %get3A_6] : memref<2x10240x128xf32, #tpu.memory_space<vmem>>, vector<1x10240x1xf32>
    %get3A_8 = vector.shape_cast %get3A_7 : vector<1x10240x1xf32> to vector<10240x1xf32>
    %add3A = arith.addf %get3A_3, %get3A_8 : vector<10240x1xf32>
    %add3A_9 = arith.constant 1.000000e+00 : f32
    %add3A_10 = vector.broadcast %add3A_9 : f32 to vector<10240x1xf32>
    %add3A_11 = arith.addf %add3A, %add3A_10 : vector<10240x1xf32>
    %rsqrt3A = math.rsqrt %add3A_11 : vector<10240x1xf32>
    %iota3A = tpu.iota {dimensions = array<i32: 0>} : vector<10240x1xi32>
    %lt3A = arith.constant 10000 : i32
    %lt3A_12 = vector.broadcast %lt3A : i32 to vector<10240x1xi32>
    %lt3A_13 = arith.cmpi slt, %iota3A, %lt3A_12 : vector<10240x1xi32>
    %jit3A = arith.constant 0.000000e+00 : f32
    %broadcast_in_dim3A = vector.broadcast %jit3A : f32 to vector<10240x1xf32>
    %select_n3A = arith.select %lt3A_13, %rsqrt3A, %broadcast_in_dim3A : vector<10240x1xi1>, vector<10240x1xf32>
    %get3A_14 = arith.constant 0 : index
    %get3A_15 = arith.constant 0 : index
    %get3A_16 = vector.load %arg0[%get3A_14, %get3A_15] : memref<10240x128xf32, #tpu.memory_space<vmem>>, vector<10240x128xf32>
    %get3A_17 = arith.constant 0 : index
    %get3A_18 = arith.constant 0 : index
    %get3A_19 = vector.load %arg1[%get3A_17, %get3A_18] : memref<128x128xf32, #tpu.memory_space<vmem>>, vector<128x128xf32>
    %dot_general3A = arith.constant dense<0.000000e+00> : vector<10240x128xf32>
    %dot_general3A_20 = tpu.matmul %get3A_16, %get3A_19, %dot_general3A {dimension_numbers = #tpu.dot_dimension_numbers<[1], [1], [0], [0], [0, 0, 1, 0], [], []>, transpose_lhs_hint = false} : vector<10240x128xf32>, vector<128x128xf32>, vector<10240x128xf32> -> vector<10240x128xf32>
    %swap3A = arith.constant 0 : index
    %swap3A_21 = arith.constant 0 : index
    %swap3A_22 = vector.load %arg3[%swap3A, %swap3A_21] : memref<10240x1xf32, #tpu.memory_space<vmem>>, vector<10240x1xf32>
    tpu.vector_store %arg3[%swap3A, %swap3A_21], %select_n3A {strides = array<i32>} : memref<10240x1xf32, #tpu.memory_space<vmem>>, vector<10240x1xf32>,
    %mul3A = vector.broadcast %select_n3A : vector<10240x1xf32> to vector<10240x128xf32>
    %mul3A_23 = arith.mulf %dot_general3A_20, %mul3A : vector<10240x128xf32>
    %swap3A_24 = arith.constant 0 : index
    %swap3A_25 = arith.constant 0 : index
    %swap3A_26 = vector.load %arg4[%swap3A_24, %swap3A_25] : memref<10240x128xf32, #tpu.memory_space<vmem>>, vector<10240x128xf32>
    tpu.vector_store %arg4[%swap3A_24, %swap3A_25], %mul3A_23 {strides = array<i32>} : memref<10240x128xf32, #tpu.memory_space<vmem>>, vector<10240x128xf32>,
    return
  }
}

module attributes {stable_mosaic.version = 14 : i64} {
  func.func @_mid_body(%arg0: memref<2x10240x128xf32, #tpu.memory_space<vmem>>, %arg1: memref<10240x128xf32, #tpu.memory_space<vmem>>, %arg2: memref<10240x1xf32, #tpu.memory_space<vmem>>, %arg3: memref<1x128xf32, #tpu.memory_space<vmem>>, %arg4: memref<128x128xf32, #tpu.memory_space<vmem>>, %arg5: memref<10240x128xf32, #tpu.memory_space<vmem>>) attributes {dimension_semantics = [], scalar_prefetch = 0 : i64, scratch_operands = 0 : i64, tpu.core_type = #tpu.core_type<tc>} {
    %get3A = arith.constant 0 : index
    %get3A_0 = arith.constant 0 : index
    %get3A_1 = arith.constant 0 : index
    %get3A_2 = vector.load %arg0[%get3A, %get3A_0, %get3A_1] : memref<2x10240x128xf32, #tpu.memory_space<vmem>>, vector<1x10240x128xf32>
    %get3A_3 = vector.shape_cast %get3A_2 : vector<1x10240x128xf32> to vector<10240x128xf32>
    %get3A_4 = arith.constant 1 : index
    %get3A_5 = arith.constant 0 : index
    %get3A_6 = arith.constant 0 : index
    %get3A_7 = vector.load %arg0[%get3A_4, %get3A_5, %get3A_6] : memref<2x10240x128xf32, #tpu.memory_space<vmem>>, vector<1x10240x128xf32>
    %get3A_8 = vector.shape_cast %get3A_7 : vector<1x10240x128xf32> to vector<10240x128xf32>
    %add3A = arith.addf %get3A_3, %get3A_8 : vector<10240x128xf32>
    %get3A_9 = arith.constant 0 : index
    %get3A_10 = arith.constant 0 : index
    %get3A_11 = vector.load %arg1[%get3A_9, %get3A_10] : memref<10240x128xf32, #tpu.memory_space<vmem>>, vector<10240x128xf32>
    %add3A_12 = arith.addf %add3A, %get3A_11 : vector<10240x128xf32>
    %get3A_13 = arith.constant 0 : index
    %get3A_14 = arith.constant 0 : index
    %get3A_15 = vector.load %arg2[%get3A_13, %get3A_14] : memref<10240x1xf32, #tpu.memory_space<vmem>>, vector<10240x1xf32>
    %mul3A = vector.broadcast %get3A_15 : vector<10240x1xf32> to vector<10240x128xf32>
    %mul3A_16 = arith.mulf %mul3A, %add3A_12 : vector<10240x128xf32>
    %get3A_17 = arith.constant 0 : index
    %get3A_18 = arith.constant 0 : index
    %get3A_19 = vector.load %arg3[%get3A_17, %get3A_18] : memref<1x128xf32, #tpu.memory_space<vmem>>, vector<1x128xf32>
    %add3A_20 = vector.broadcast %get3A_19 : vector<1x128xf32> to vector<10240x128xf32>
    %add3A_21 = arith.addf %mul3A_16, %add3A_20 : vector<10240x128xf32>
    %max3A = arith.constant 0.000000e+00 : f32
    %max3A_22 = vector.broadcast %max3A : f32 to vector<10240x128xf32>
    %max3A_23 = arith.maximumf %add3A_21, %max3A_22 : vector<10240x128xf32>
    %mul3A_24 = arith.mulf %max3A_23, %max3A_23 : vector<10240x128xf32>
    %reduce_sum3A = arith.constant dense<0.000000e+00> : vector<10240xf32>
    %reduce_sum3A_25 = vector.multi_reduction <add>, %mul3A_24, %reduce_sum3A [1] : vector<10240x128xf32> to vector<10240xf32>
    %broadcast_in_dim3A = vector.shape_cast %reduce_sum3A_25 : vector<10240xf32> to vector<10240x1xf32>
    %sqrt3A = math.sqrt %broadcast_in_dim3A : vector<10240x1xf32>
    %max3A_26 = arith.constant 9.99999996E-13 : f32
    %max3A_27 = vector.broadcast %max3A_26 : f32 to vector<10240x1xf32>
    %max3A_28 = arith.maximumf %sqrt3A, %max3A_27 : vector<10240x1xf32>
    %div3A = vector.broadcast %max3A_28 : vector<10240x1xf32> to vector<10240x128xf32>
    %div3A_29 = arith.divf %max3A_23, %div3A : vector<10240x128xf32>
    %get3A_30 = arith.constant 0 : index
    %get3A_31 = arith.constant 0 : index
    %get3A_32 = vector.load %arg4[%get3A_30, %get3A_31] : memref<128x128xf32, #tpu.memory_space<vmem>>, vector<128x128xf32>
    %dot_general3A = arith.constant dense<0.000000e+00> : vector<10240x128xf32>
    %dot_general3A_33 = tpu.matmul %div3A_29, %get3A_32, %dot_general3A {dimension_numbers = #tpu.dot_dimension_numbers<[1], [1], [0], [0], [0, 0, 1, 0], [], []>, transpose_lhs_hint = false} : vector<10240x128xf32>, vector<128x128xf32>, vector<10240x128xf32> -> vector<10240x128xf32>
    %get3A_34 = arith.constant 0 : index
    %get3A_35 = arith.constant 0 : index
    %get3A_36 = vector.load %arg2[%get3A_34, %get3A_35] : memref<10240x1xf32, #tpu.memory_space<vmem>>, vector<10240x1xf32>
    %mul3A_37 = vector.broadcast %get3A_36 : vector<10240x1xf32> to vector<10240x128xf32>
    %mul3A_38 = arith.mulf %dot_general3A_33, %mul3A_37 : vector<10240x128xf32>
    %swap3A = arith.constant 0 : index
    %swap3A_39 = arith.constant 0 : index
    %swap3A_40 = vector.load %arg5[%swap3A, %swap3A_39] : memref<10240x128xf32, #tpu.memory_space<vmem>>, vector<10240x128xf32>
    tpu.vector_store %arg5[%swap3A, %swap3A_39], %mul3A_38 {strides = array<i32>} : memref<10240x128xf32, #tpu.memory_space<vmem>>, vector<10240x128xf32>,
    return
  }
}

module attributes {stable_mosaic.version = 14 : i64} {
  func.func @_fin_body(%arg0: memref<2x10240x128xf32, #tpu.memory_space<vmem>>, %arg1: memref<10240x128xf32, #tpu.memory_space<vmem>>, %arg2: memref<10240x1xf32, #tpu.memory_space<vmem>>, %arg3: memref<1x128xf32, #tpu.memory_space<vmem>>, %arg4: memref<128x128xf32, #tpu.memory_space<vmem>>, %arg5: memref<1x128xf32, #tpu.memory_space<vmem>>, %arg6: memref<128x128xf32, #tpu.memory_space<vmem>>, %arg7: memref<1x128xf32, #tpu.memory_space<vmem>>, %arg8: memref<10000x128xf32, #tpu.memory_space<vmem>>) attributes {dimension_semantics = [], scalar_prefetch = 0 : i64, scratch_operands = 0 : i64, tpu.core_type = #tpu.core_type<tc>} {
    %get3A = arith.constant 0 : index
    %get3A_0 = arith.constant 0 : index
    %get3A_1 = arith.constant 0 : index
    %get3A_2 = vector.load %arg0[%get3A, %get3A_0, %get3A_1] : memref<2x10240x128xf32, #tpu.memory_space<vmem>>, vector<1x10240x128xf32>
    %get3A_3 = vector.shape_cast %get3A_2 : vector<1x10240x128xf32> to vector<10240x128xf32>
    %get3A_4 = arith.constant 1 : index
    %get3A_5 = arith.constant 0 : index
    %get3A_6 = arith.constant 0 : index
    %get3A_7 = vector.load %arg0[%get3A_4, %get3A_5, %get3A_6] : memref<2x10240x128xf32, #tpu.memory_space<vmem>>, vector<1x10240x128xf32>
    %get3A_8 = vector.shape_cast %get3A_7 : vector<1x10240x128xf32> to vector<10240x128xf32>
    %add3A = arith.addf %get3A_3, %get3A_8 : vector<10240x128xf32>
    %get3A_9 = arith.constant 0 : index
    %get3A_10 = arith.constant 0 : index
    %get3A_11 = vector.load %arg1[%get3A_9, %get3A_10] : memref<10240x128xf32, #tpu.memory_space<vmem>>, vector<10240x128xf32>
    %add3A_12 = arith.addf %add3A, %get3A_11 : vector<10240x128xf32>
    %get3A_13 = arith.constant 0 : index
    %get3A_14 = arith.constant 0 : index
    %get3A_15 = vector.load %arg2[%get3A_13, %get3A_14] : memref<10240x1xf32, #tpu.memory_space<vmem>>, vector<10240x1xf32>
    %mul3A = vector.broadcast %get3A_15 : vector<10240x1xf32> to vector<10240x128xf32>
    %mul3A_16 = arith.mulf %mul3A, %add3A_12 : vector<10240x128xf32>
    %get3A_17 = arith.constant 0 : index
    %get3A_18 = arith.constant 0 : index
    %get3A_19 = vector.load %arg3[%get3A_17, %get3A_18] : memref<1x128xf32, #tpu.memory_space<vmem>>, vector<1x128xf32>
    %add3A_20 = vector.broadcast %get3A_19 : vector<1x128xf32> to vector<10240x128xf32>
    %add3A_21 = arith.addf %mul3A_16, %add3A_20 : vector<10240x128xf32>
    %max3A = arith.constant 0.000000e+00 : f32
    %max3A_22 = vector.broadcast %max3A : f32 to vector<10240x128xf32>
    %max3A_23 = arith.maximumf %add3A_21, %max3A_22 : vector<10240x128xf32>
    %mul3A_24 = arith.mulf %max3A_23, %max3A_23 : vector<10240x128xf32>
    %reduce_sum3A = arith.constant dense<0.000000e+00> : vector<10240xf32>
    %reduce_sum3A_25 = vector.multi_reduction <add>, %mul3A_24, %reduce_sum3A [1] : vector<10240x128xf32> to vector<10240xf32>
    %broadcast_in_dim3A = vector.shape_cast %reduce_sum3A_25 : vector<10240xf32> to vector<10240x1xf32>
    %sqrt3A = math.sqrt %broadcast_in_dim3A : vector<10240x1xf32>
    %max3A_26 = arith.constant 9.99999996E-13 : f32
    %max3A_27 = vector.broadcast %max3A_26 : f32 to vector<10240x1xf32>
    %max3A_28 = arith.maximumf %sqrt3A, %max3A_27 : vector<10240x1xf32>
    %div3A = vector.broadcast %max3A_28 : vector<10240x1xf32> to vector<10240x128xf32>
    %div3A_29 = arith.divf %max3A_23, %div3A : vector<10240x128xf32>
    %get3A_30 = arith.constant 0 : index
    %get3A_31 = arith.constant 0 : index
    %get3A_32 = vector.load %arg4[%get3A_30, %get3A_31] : memref<128x128xf32, #tpu.memory_space<vmem>>, vector<128x128xf32>
    %dot_general3A = arith.constant dense<0.000000e+00> : vector<10240x128xf32>
    %dot_general3A_33 = tpu.matmul %div3A_29, %get3A_32, %dot_general3A {dimension_numbers = #tpu.dot_dimension_numbers<[1], [1], [0], [0], [0, 0, 1, 0], [], []>, transpose_lhs_hint = false} : vector<10240x128xf32>, vector<128x128xf32>, vector<10240x128xf32> -> vector<10240x128xf32>
    %get3A_34 = arith.constant 0 : index
    %get3A_35 = arith.constant 0 : index
    %get3A_36 = vector.load %arg5[%get3A_34, %get3A_35] : memref<1x128xf32, #tpu.memory_space<vmem>>, vector<1x128xf32>
    %add3A_37 = vector.broadcast %get3A_36 : vector<1x128xf32> to vector<10240x128xf32>
    %add3A_38 = arith.addf %dot_general3A_33, %add3A_37 : vector<10240x128xf32>
    %gt3A = arith.constant 0.000000e+00 : f32
    %gt3A_39 = vector.broadcast %gt3A : f32 to vector<10240x128xf32>
    %gt3A_40 = arith.cmpf ogt, %add3A_38, %gt3A_39 : vector<10240x128xf32>
    %min3A = arith.constant 0.000000e+00 : f32
    %min3A_41 = vector.broadcast %min3A : f32 to vector<10240x128xf32>
    %min3A_42 = arith.minimumf %add3A_38, %min3A_41 : vector<10240x128xf32>
    %exp3A = math.exp %min3A_42 : vector<10240x128xf32>
    %sub3A = arith.constant 1.000000e+00 : f32
    %sub3A_43 = vector.broadcast %sub3A : f32 to vector<10240x128xf32>
    %sub3A_44 = arith.subf %exp3A, %sub3A_43 : vector<10240x128xf32>
    %select_n3A = arith.select %gt3A_40, %add3A_38, %sub3A_44 : vector<10240x128xi1>, vector<10240x128xf32>
    %get3A_45 = arith.constant 0 : index
    %get3A_46 = arith.constant 0 : index
    %get3A_47 = vector.load %arg6[%get3A_45, %get3A_46] : memref<128x128xf32, #tpu.memory_space<vmem>>, vector<128x128xf32>
    %dot_general3A_48 = arith.constant dense<0.000000e+00> : vector<10240x128xf32>
    %dot_general3A_49 = tpu.matmul %select_n3A, %get3A_47, %dot_general3A_48 {dimension_numbers = #tpu.dot_dimension_numbers<[1], [1], [0], [0], [0, 0, 1, 0], [], []>, transpose_lhs_hint = false} : vector<10240x128xf32>, vector<128x128xf32>, vector<10240x128xf32> -> vector<10240x128xf32>
    %get3A_50 = arith.constant 0 : index
    %get3A_51 = arith.constant 0 : index
    %get3A_52 = vector.load %arg7[%get3A_50, %get3A_51] : memref<1x128xf32, #tpu.memory_space<vmem>>, vector<1x128xf32>
    %add3A_53 = vector.broadcast %get3A_52 : vector<1x128xf32> to vector<10240x128xf32>
    %add3A_54 = arith.addf %dot_general3A_49, %add3A_53 : vector<10240x128xf32>
    %slice3A = vector.extract_strided_slice %add3A_54 {offsets = [0, 0], sizes = [10000, 128], strides = [1, 1]} : vector<10240x128xf32> to vector<10000x128xf32>
    %swap3A = arith.constant 0 : index
    %swap3A_55 = arith.constant 0 : index
    %swap3A_56 = vector.load %arg8[%swap3A, %swap3A_55] : memref<10000x128xf32, #tpu.memory_space<vmem>>, vector<10000x128xf32>
    tpu.vector_store %arg8[%swap3A, %swap3A_55], %slice3A {strides = array<i32>} : memref<10000x128xf32, #tpu.memory_space<vmem>>, vector<10000x128xf32>,
    return
  }
}

</mosaic_0001>

<sc_bundles>
// kernel: kernel.11.cloned.1.call-start
scs
__scs_entry_jumppad:
0x0: {  	(pc) =	sbr.rel $0x88, $3  }
0x1: {  	(tag) =	ssettag $0x0;
	lr =	simm.s32 $0x1  }
0x2: {  	[smem:$0x3F97] =	sst lr;
	_ =	strace $0xD0000000  }
0x3: {  	_ = 	snop  }
0x4: {  	_ = 	snop  }
0x5: {  	_ = 	snop  }
0x6: {  	_ = 	snop  }
0x7: {  	_ = 	snop  }
__scs_overlays_trampoline_lowered:
0x8: {  	[smem:$0x3FA6] =	sst s0  }
0x9: {  	[smem:$0x3FA7] =	sst s1  }
0xa: {  	[smem:$0x3FA8] =	sst s2  }
0xb: {  	[smem:$0x3FA9] =	sst s3  }
0xc: {  	[smem:$0x3FAA] =	sst s4  }
0xd: {  	[smem:$0x3FAB] =	sst s5  }
0xe: {  	[smem:$0x3FAC] =	sst s6  }
0xf: {  	[smem:$0x3FAD] =	sst s7  }
0x10: {  	[smem:$0x3FAE] =	sst s8  }
0x11: {  	[smem:$0x3FAF] =	sst s9;
	s0 =	simm.s32 @!p0 $0x0  }
0x12: {  	s1 =	sld [smem:$0x3F95];
	s0 =	simm.s32 @p0 $0x1  }
0x13: {  	[smem:$0x3FB0] =	sst s0;
	s0 =	simm.s32 @!p1 $0x0  }
0x14: {  	s2 =	sld [smem:$0x3F94];
	s0 =	simm.s32 @p1 $0x1  }
0x15: {  	[smem:$0x3FB1] =	sst s0;
	s0 =	simm.s32 @!p2 $0x0  }
0x16: {  	s3 =	sld [smem:$0x3FDB];
	s0 =	simm.s32 @p2 $0x1  }
0x17: {  	s4 =	simm.s32 $0x1BF5;
	[smem:$0x3FB3] =	sst s0  }
0x18: {  	s0 =	sld [smem:$0x3F96];
	_ =	swait.ge [sflag:s4], $0x0  }
0x19: {  	s7 =	sld [smem:$0x3F97]  }
0x1a: {  	s8 =	sadd.s32 $0xFFFFE003, lr  }
0x1b: {  	s9 =	sadd.s32 $0xFFFFFEF7, lr;
	s5 =	simm.s32 $0xFFFFFFFF;
	p2 =	slt.u32 s8, $0xFFFFF086  }
0x1c: {  	p1 =	slt.u32 s9, $0xF7A;
	s5 =	simm.s32 @!p2 $0x0  }
0x1d: {  	s5 =	simm.s32 @p1 $0x1;
	p0 =	seq.s32 s7, s2  }
0x1e: {  	s7 =	smul.u32 @!p0 $0xF7A, s2;
	p2 =	seq.s32 @!p0 s5, $0x0  }
0x1f: {  	s9 =	smul.u32 $0xF7A, s1;
	s8 =	simm.s32 @!p0 $0x1BF5;
	p2 =	por !p2, p0  }
0x20: {  	[sflag:s8] =	ssyncset.s32 @!p0 $0xFFFFF086;
	s6 =	sadd.s32 @!p0 s3, s7;
	s7 =	simm.s32 @!p0 $0x108  }
0x21: {  	s3 =	sadd.s32 s3, s9;
	s6 =	sadd.s32 @!p0 $0x88, s6;
	s7 =	simm.s32 @p2 $0x1082  }
0x22: {  	[simem:s7], [sflag:s8] =	dma.local @!p0 [hbm:s6], $0xF7A  }
0x23: {  	s9 =	sor.u32 $0xD0000000, s2;
	s6 =	simm.s32 $0x108;
	_ =	swait.ge @!p0 [sflag:s8], $0x0  }
0x24: {  	s3 =	sadd.s32 $0x88, s3;
	s6 =	simm.s32 @!p1 $0x1082;
	[sflag:s4] =	ssyncset.s32 $0xFFFFF086  }
0x25: {  	[simem:s6], [sflag:s4] =	dma.local [hbm:s3], $0xF7A  }
0x26: {  	[smem:$0x3F97] =	sst s1;
	(tag) =	ssettag s2;
	_ =	strace s9  }
0x27: {  	s1 =	sld [smem:$0x3FA7]  }
0x28: {  	s2 =	sld [smem:$0x3FA8]  }
0x29: {  	s4 =	sld [smem:$0x3FAA]  }
0x2a: {  	p0 =	seq.s32 s5, $0x0;
	s5 =	sld [smem:$0x3FAB]  }
0x2b: {  	s6 =	sld [smem:$0x3FAC]  }
0x2c: {  	s7 =	sld [smem:$0x3FAD]  }
0x2d: {  	s3 =	simm.s32 $0x108;
	s8 =	sld [smem:$0x3FAE]  }
0x2e: {  	s3 =	simm.s32 @!p0 $0x1082;
	s9 =	sld [smem:$0x3FAF]  }
0x2f: {  	lr =	sadd.s32 s0, s3;
	s0 =	sld [smem:$0x3FA6]  }
0x30: {  	s3 =	sld [smem:$0x3FA9]  }
0x31: {  	[smem:$0x3FB2] =	sst s10  }
0x32: {  	s10 =	sld [smem:$0x3FB0];
	_ =	sdelay $0x3  }
0x33: {  	p0 =	seq.s32 s10, $0x1;
	s10 =	sld [smem:$0x3FB2];
	_ =	sdelay $0x3  }
0x34: {  	[smem:$0x3FB2] =	sst s10  }
0x35: {  	s10 =	sld [smem:$0x3FB1];
	_ =	sdelay $0x3  }
0x36: {  	p1 =	seq.s32 s10, $0x1;
	s10 =	sld [smem:$0x3FB2];
	_ =	sdelay $0x3  }
0x37: {  	[smem:$0x3FB2] =	sst s10  }
0x38: {  	s10 =	sld [smem:$0x3FB3]  }
0x39: {  	_ = 	snop;
	(pc) =	sbr.ind lr, $3  }
0x3a: {  	_ = 	snop  }
0x3b: {  	_ = 	snop  }
0x3c: {  	p2 =	seq.s32 s10, $0x1;
	s10 =	sld [smem:$0x3FB2]  }
0x3d: {  	_ =	shalt  }
0x3e: {  	_ =	shalt  }
0x3f: {  	_ =	shalt  }
0x40: {  	_ =	shalt  }
0x41: {  	_ =	shalt  }
0x42: {  	_ =	shalt  }
0x43: {  	_ =	shalt  }
0x44: {  	_ =	shalt  }
0x45: {  	_ =	shalt  }
0x46: {  	_ =	shalt  }
0x47: {  	_ =	shalt  }
0x48: {  	_ =	shalt  }
0x49: {  	_ =	shalt  }
0x4a: {  	_ =	shalt  }
0x4b: {  	_ =	shalt  }
0x4c: {  	_ =	shalt  }
0x4d: {  	_ =	shalt  }
0x4e: {  	_ =	shalt  }
0x4f: {  	_ =	shalt  }
0x50: {  	_ =	shalt  }
0x51: {  	_ =	shalt  }
0x52: {  	_ =	shalt  }
0x53: {  	_ =	shalt  }
0x54: {  	_ =	shalt  }
0x55: {  	_ =	shalt  }
0x56: {  	_ =	shalt  }
0x57: {  	_ =	shalt  }
0x58: {  	_ =	shalt  }
0x59: {  	_ =	shalt  }
0x5a: {  	_ =	shalt  }
0x5b: {  	_ =	shalt  }
0x5c: {  	_ =	shalt  }
0x5d: {  	_ =	shalt  }
0x5e: {  	_ =	shalt  }
0x5f: {  	_ =	shalt  }
0x60: {  	_ =	shalt  }
0x61: {  	_ =	shalt  }
0x62: {  	_ =	shalt  }
0x63: {  	_ =	shalt  }
0x64: {  	_ =	shalt  }
0x65: {  	_ =	shalt  }
0x66: {  	_ =	shalt  }
0x67: {  	_ =	shalt  }
0x68: {  	_ =	shalt  }
0x69: {  	_ =	shalt  }
0x6a: {  	_ =	shalt  }
0x6b: {  	_ =	shalt  }
0x6c: {  	_ =	shalt  }
0x6d: {  	_ =	shalt  }
0x6e: {  	_ =	shalt  }
0x6f: {  	_ =	shalt  }
0x70: {  	_ =	shalt  }
0x71: {  	_ =	shalt  }
0x72: {  	_ =	shalt  }
0x73: {  	_ =	shalt  }
0x74: {  	_ =	shalt  }
0x75: {  	_ =	shalt  }
0x76: {  	_ =	shalt  }
0x77: {  	_ =	shalt  }
0x78: {  	_ =	shalt  }
0x79: {  	_ =	shalt  }
0x7a: {  	_ =	shalt  }
0x7b: {  	_ =	shalt  }
0x7c: {  	_ =	shalt  }
0x7d: {  	_ =	shalt  }
0x7e: {  	_ =	shalt  }
0x7f: {  	_ =	shalt  }
0x80: {  	_ =	shalt  }
0x81: {  	_ =	shalt  }
0x82: {  	_ =	shalt  }
0x83: {  	_ =	shalt  }
0x84: {  	_ =	shalt  }
0x85: {  	_ =	shalt  }
0x86: {  	_ =	shalt  }
0x87: {  	_ =	shalt  }
.Lfunc_end0:
.L_simem_size_0:
called_computation.1_lowered:
.L_overlay_start_0:
0x88: {  	s2 =	sld [smem:$0x3FD9]  }
0x89: {  	s3 =	sld [smem:$0x3FFE];
	_ =	sdelay $0x1  }
0x8a: {  	s1 =	srdreg.scid  }
0x8b: {  	s0 =	sand.u32 $0x1, s1  }
0x8c: {  	s17 =	sshll.u32 s0, $0xA;
	s2 =	sadd.s32 s3, s2  }
0x8d: {  	s2 =	sadd.s32 s2, s17  }
0x8e: {  	[smem:$0x3FBE] =	sst s2  }
0x8f: {  	_ = 	snop  }
0x90: {  	s2 =	sld [smem:$0x3FD0];
	(tm) =	ssettm $0x1  }
0x91: {  	s18 =	sld [smem:$0x3FFB];
	_ =	sdelay $0x3  }
0x92: {  	_ =	strace s18  }
0x93: {  	s3 =	sld [smem:$0x3FFC];
	_ =	sdelay $0x3  }
0x94: {  	_ =	strace s3  }
0x95: {  	s3 =	sld [smem:$0x3FFD];
	_ =	sdelay $0x3  }
0x96: {  	_ =	strace s3  }
0x97: {  	_ =	strace $0x8FFFFFFF  }
0x98: {  	s19 =	sld [smem:$0x3FDB];
	_ =	sdelay $0x1  }
0x99: {  	s4 =	simm.s32 $_scs_section_size  }
0x9a: {  	s5 =	simm.s32 $_size__tile_overlayer_lowered;
	s6 =	simm.s32 $_tile_overlayer_lowered  }
0x9b: {  	s22 =	simm.s32 $0x1BFF;
	s21 =	sshll.u32 s6, $0x1;
	s3 =	sadd.s32 s4, s19  }
0x9c: {  	s7 =	simm.s32 $0x0;
	s20 =	sshll.u32 s5, $0x1;
	s5 =	sadd.s32 s21, s3  }
0x9d: {  	[timem:s7], [sflag:s22] =	dma.local [hbm:s5], s20  }
0x9e: {  	_ =	swait.ge [sflag:s22], s20  }
0x9f: {  	s4 =	ssub.s32 $0x0, s20;
	[sflag:s22] =	ssyncset.done $0x0  }
0xa0: {  	[sflag:s22] =	ssyncadd.s32 s4;
	_ =	sdelay $0x1  }
0xa1: {  	s23 =	simm.s32 $0x1B8B  }
0xa2: {  	_ =	swait.ge [sflag:s23], $0x1  }
0xa3: {  	[sflag:s23] =	ssyncset.done $0x0  }
0xa4: {  	s25 =	simm.s32 $0x1B8E;
	s24 =	sld [smem:$0x3FFE];
	[sflag:s23] =	ssyncadd.s32 $0xFFFFFFFF  }
0xa5: {  	s26 =	simm.s32 $execute0_lowered;
	[smem:$0x3FD2] =	sst s25  }
0xa6: {  	s5 =	sshll.u32 s26, $0x1;
	_ =	strace $0x80000049;
	[dreg:$0x1] =	wrdreg $0xFFFFFFFF  }
0xa7: {  	s28 =	simm.s32 $_size_execute0_lowered;
	s3 =	sadd.s32 s3, s5;
	[dreg:$0x0] =	wrdreg $0x0  }
0xa8: {  	s5 =	sshll.u32 s28, $0x1;
	[dreg:$0x2] =	wrdreg s3  }
0xa9: {  	[dreg:$0x3] =	wrdreg s5  }
0xaa: {  	[dreg:$0x4] =	wrdreg $0xC0  }
0xab: {  	_ =	task [dreg:s7], $0x5FFFF  }
0xac: {  	[dreg:$0x1] =	wrdreg $0xFFFFFFFF  }
0xad: {  	[dreg:$0x0] =	wrdreg $0x60  }
0xae: {  	[dreg:$0x2] =	wrdreg s24  }
0xaf: {  	[dreg:$0x3] =	wrdreg s2  }
0xb0: {  	[dreg:$0x4] =	wrdreg $0xA8800  }
0xb1: {  	[dreg:$0x5] =	wrdreg $0x9  }
0xb2: {  	_ =	task.clear_ibuf [dreg:s7], $0x6FFFF;
	_ =	strace $0x90000049  }
0xb3: {  	s29 =	simm.s32 $0x9;
	_ =	strace $0x8000004B  }
0xb4: {  	_ =	swait.ge [sflag:s29], $0x1  }
0xb5: {  	[sflag:s29] =	ssyncadd.s32 $0xFFFFFFFF  }
0xb6: {  	_ =	strace $0x9000004B  }
0xb7: {  	_ =	sfence  }
0xb8: {  	s30 =	sld [smem:$0x0];
	_ =	sdelay $0x2  }
0xb9: {  	s31 =	sshll.u32 s1, $0xD;
	s1 =	sshrl.u32 s1, $0x2  }
0xba: {  	s3 =	sand.u32 $0x4000, s31;
	s1 =	sadd.s32 s1, s30  }
0xbb: {  	s0 =	sor.u32 s3, s0;
	s1 =	sshll.u32 s1, $0x11  }
0xbc: {  	s0 =	sor.u32 s1, s0  }
0xbd: {  	s0 =	sadd.s32 $0x8F2B, s0  }
0xbe: {  	[sflag:s0] =	ssyncadd.remote.s32 $0x1  }
0xbf: {  	_ =	sfence.sel $0xFFFF  }
0xc0: {  	[dreg:$0x0] =	wrdreg $0xFFFFFFFF;
	(pc) =	sbr.abs _section_cstart, $3  }
0xc1: {  	[dreg:$0x1] =	wrdreg $0xFFFFFFFF  }
0xc2: {  	_ =	task.clear_ibuf [dreg:s7], $0x2FFFF;
	_ =	strace $0x9FFFFFFF  }
0xc3: {  	(tm) =	ssettm $0x7FFFFFFF  }
tec
execute0_lowered:
.L_overlay_start_1:
0x0: {  	(tag) =	ssettag $0x1  }
0x1: {  	s7 =	rddreg [dreg:$0x0]  }
0x2: {  	s1 =	rddreg [dreg:$0x1]  }
0x3: {  	s2 =	rddreg [dreg:$0x2];
	s3 =	srdreg.scid  }
0x4: {  	s0 =	rddreg [dreg:$0x3];
	s4 =	simm.s32 $0x0;
	s14 =	simm.s32 $0x2880  }
0x5: {  	s15 =	simm.s32 $0x3;
	s16 =	simm.s32 $0x28;
	s22 =	sand.u32 $0x1, s3  }
0x6: {  	s17 =	simm.s32 $0x80;
	s3 =	stileid.u32;
	s8 =	smul.u32 $0x140000, s22  }
0x7: {  	[smem:$0x7FF] =	sst s4;
	s5 =	sadd.s32 $0xD000, s7;
	s9 =	smul.u32 $0x14000, s3  }
0x8: {  	s6 =	sadd.s32 $0x3000, s7;
	s28 =	ssub.s32 $0x2, s22;
	s10 =	smul.u32 $0x50000, s3  }
0x9: {  	_ =	strace $0x8000004A;
	s30 =	smul.u32 $0x28, s3;
	s29 =	sshrl.u32 s28, $0x1  }
0xa: {  	p0 =	seq.s32 s22, $0x0;
	s8 =	sadd.s32 s9, s8;
	s13 =	ssub.s32 s28, s29  }
0xb: {  	s9 =	smul.u32 $0x78, s3;
	s31 =	sshrl.u32 s10, $0x2;
	s8 =	sshrl.u32 s8, $0x3  }
0xc: {  	s18 =	sadd.s32 $0x780, s30;
	s13 =	smax.u32 s13, $0x1;
	s12 =	sadd.s32 s8, s7  }
0xd: {  	s7 =	sadd.s32 s31, s2;
	s18 =	smov.u32 @p0 s9;
	p0 =	sne.s32 s22, $0x0  }
0xe: {  	s22 =	simm.s32 $0x1400;
	s8 =	sadd.s32 $0x4000, s7;
	s9 =	sadd.s32 $0x8000, s7  }
0xf: {  	s10 =	sadd.s32 $0xC000, s7;
	s11 =	sadd.s32 $0x10000, s7;
	s12 =	sadd.s32 $0x35000, s12  }
.Ltmp0:
0x10: {  	s19 =	sadd.s32 $0x10, s18;
	s20 =	sadd.s32 $0x20, s18;
	(pc) =	sbr.rel .LBB2_1-.Ltmp0, $4  }
0x11: {  	v7 =	vlaneseq.u32;
	s21 =	sadd.s32 $0x30, s18;
	s23 =	sadd.s32 $0x40, s18;
	s24 =	sadd.s32 $0x50, s18  }
0x12: {  	v8 =	vimm.f32 $0.0e+00;
	s25 =	sadd.s32 $0x60, s18;
	s26 =	sadd.s32 $0x70, s18;
	v0 =	vadd.s32 s18, v7;
	s18 =	simm.s32 $0x1480;
	v1 =	vadd.s32 s19, v7  }
0x13: {  	v2 =	vadd.s32 s20, v7;
	s19 =	simm.s32 $0x1;
	s20 =	simm.s32 $0x6880;
	v3 =	vadd.s32 s21, v7;
	v4 =	vadd.s32 s23, v7;
	s21 =	simm.s32 $0x2  }
0x14: {  	v5 =	vadd.s32 s24, v7;
	v6 =	vadd.s32 s25, v7;
	v7 =	vadd.s32 s26, v7;
	s23 =	simm.s32 $0x2780;
	s24 =	simm.s32 $0x2800;
	s25 =	simm.s32 $0x50  }
.LBB2_10:
0x15: {  	[sflag:s15] =	ssyncadd.s32 $0xFFFFC000  }
0x16: {  	_ =	swait.ge [sflag:s19], $0x4000  }
0x17: {  	[sflag:s19] =	ssyncset.done $0x0  }
0x18: {  	[sflag:s19] =	ssyncadd.s32 $0xFFFFC000  }
0x19: {  	[tilespmem:s20], [sflag:$0x2] =	stream.indirect.gather [hbm4b:s5+s17], $0x80, s22, s17, $0xb8;
	[tilespmem:$0x1E880] =	vst v63  }
0x1a: {  	_ = 	snop  }
0x1b: {  	[spmem:s2] =	stream.indirect.scatter.add.f32 [tilespmem:s14], [sflag:$0x3], $0x80, s23, s17, $0xb8;
	[tilespmem:$0x1E880] =	vst v63  }
0x1c: {  	_ =	swait.ge [sflag:s15], $0x4000  }
0x1d: {  	[sflag:s15] =	ssyncset.done $0x0  }
0x1e: {  	[sflag:s15] =	ssyncadd.s32 $0xFFFFC000  }
0x1f: {  	_ =	swait.ge [sflag:s21], $0x4000  }
0x20: {  	[sflag:s21] =	ssyncset.done $0x0  }
0x21: {  	[sflag:s21] =	ssyncadd.s32 $0xFFFFC000  }
0x22: {  	[spmem:s2] =	stream.indirect.scatter.add.f32 [tilespmem:s20], [sflag:$0x3], $0x80, s24, s17, $0xb8;
	[tilespmem:$0x1E880] =	vst v63  }
0x23: {  	_ =	swait.ge [sflag:s15], $0x4000  }
0x24: {  	[sflag:s15] =	ssyncset.done $0x0  }
0x25: {  	[sflag:s15] =	ssyncadd.s32 $0xFFFFC000  }
.LBB2_11:
0x26: {  	s4 =	sadd.s32 $0x1, s4  }
0x27: {  	s26 =	sshll.u32 s3, $0x6;
	[bflag:$0x0] =	sbarrier.arrive $0xFFFF;
	p1 =	sne.s32 s4, s13  }
.Ltmp1:
0x28: {  	s28 =	sshrl.u32 s7, $0x3;
	s26 =	sor.u32 $0x1C03, s26;
	(pc) =	sbr.rel @!p1 .LBB2_12-.Ltmp1, $4  }
0x29: {  	[hbm:s12], [sflag:s26] =	dma.local [spmem:s28], $0x2800  }
0x2a: {  	_ =	swait.ge [sflag:s15], $0x2800  }
0x2b: {  	[sflag:s15] =	ssyncset.done $0x0  }
0x2c: {  	[sflag:s15] =	ssyncadd.s32 $0xFFFFD800  }
.LBB2_1:
0x2d: {  	[tilespmem:$0x0] =	vst v0  }
0x2e: {  	[tilespmem:$0x10] =	vst v1  }
0x2f: {  	[tilespmem:$0x20] =	vst v2  }
0x30: {  	[tilespmem:$0x30] =	vst v3  }
0x31: {  	[tilespmem:$0x40] =	vst v4  }
0x32: {  	[tilespmem:$0x50] =	vst v5  }
0x33: {  	[tilespmem:$0x60] =	vst v6  }
0x34: {  	[tilespmem:$0x70] =	vst v7;
	s26 =	simm.s32 $0x0;
	s28 =	simm.s32 $0x200  }
.LBB2_2:
0x35: {  	p1 =	sne.s32 s28, $0xFE00;
	[tilespmem:s26+$0x28F0] =	vst v8  }
0x36: {  	[tilespmem:s26+$0x2880] =	vst v8  }
0x37: {  	[tilespmem:s26+$0x2890] =	vst v8  }
.Ltmp2:
0x38: {  	[tilespmem:s26+$0x28A0] =	vst v8;
	(pc) =	sbr.rel @p1 .LBB2_2-.Ltmp2, $4  }
0x39: {  	[tilespmem:s26+$0x28B0] =	vst v8  }
0x3a: {  	[tilespmem:s26+$0x28C0] =	vst v8  }
0x3b: {  	[tilespmem:s26+$0x28D0] =	vst v8  }
0x3c: {  	[tilespmem:s26+$0x28E0] =	vst v8;
	s26 =	sshra.s32 s28, $0x2;
	s28 =	sadd.s32 $0x200, s28  }
0x3d: {  	[tilespmem:s26+$0x28F0] =	vst v8  }
0x3e: {  	[tilespmem:s26+$0x2880] =	vst v8  }
0x3f: {  	[tilespmem:s26+$0x2890] =	vst v8  }
0x40: {  	[tilespmem:s26+$0x28A0] =	vst v8  }
0x41: {  	[tilespmem:s26+$0x28B0] =	vst v8  }
0x42: {  	[tilespmem:s26+$0x28C0] =	vst v8  }
0x43: {  	[tilespmem:s26+$0x28D0] =	vst v8  }
0x44: {  	[tilespmem:s26+$0x28E0] =	vst v8  }
0x45: {  	[spmem:s7] =	stream.linear.scatter [tilespmem:s14], [sflag:$0x3], $0x4000, $0x38;
	[tilespmem:$0x1E880] =	vst v63  }
0x46: {  	_ =	swait.ge [sflag:s15], $0x4000  }
0x47: {  	[sflag:s15] =	ssyncset.done $0x0  }
0x48: {  	[sflag:s15] =	ssyncadd.s32 $0xFFFFC000  }
0x49: {  	[spmem:s8] =	stream.linear.scatter [tilespmem:s14], [sflag:$0x3], $0x4000, $0x38;
	[tilespmem:$0x1E880] =	vst v63  }
0x4a: {  	_ =	swait.ge [sflag:s15], $0x4000  }
0x4b: {  	[sflag:s15] =	ssyncset.done $0x0  }
0x4c: {  	[sflag:s15] =	ssyncadd.s32 $0xFFFFC000  }
0x4d: {  	[spmem:s9] =	stream.linear.scatter [tilespmem:s14], [sflag:$0x3], $0x4000, $0x38;
	[tilespmem:$0x1E880] =	vst v63  }
0x4e: {  	_ =	swait.ge [sflag:s15], $0x4000  }
0x4f: {  	[sflag:s15] =	ssyncset.done $0x0  }
0x50: {  	[sflag:s15] =	ssyncadd.s32 $0xFFFFC000  }
0x51: {  	[spmem:s10] =	stream.linear.scatter [tilespmem:s14], [sflag:$0x3], $0x4000, $0x38;
	[tilespmem:$0x1E880] =	vst v63  }
0x52: {  	_ =	swait.ge [sflag:s15], $0x4000  }
0x53: {  	[sflag:s15] =	ssyncset.done $0x0  }
0x54: {  	[sflag:s15] =	ssyncadd.s32 $0xFFFFC000  }
0x55: {  	[spmem:s11] =	stream.linear.scatter [tilespmem:s14], [sflag:$0x3], $0x4000, $0x38;
	[tilespmem:$0x1E880] =	vst v63  }
0x56: {  	_ =	swait.ge [sflag:s15], $0x4000  }
0x57: {  	[sflag:s15] =	ssyncset.done $0x0  }
0x58: {  	s31 =	simm.s32 $0x0;
	[sflag:s15] =	ssyncadd.s32 $0xFFFFC000  }
0x59: {  	[tilespmem:s17], [sflag:$0x3] =	stream.indirect.gather [hbm4b:s1+s16], $0x80, s31, s16, $0xb8;
	[tilespmem:$0x1E880] =	vst v63  }
0x5a: {  	_ =	swait.ge [sflag:s15], $0x1400  }
0x5b: {  	[sflag:s15] =	ssyncset.done $0x0  }
0x5c: {  	[sflag:s15] =	ssyncadd.s32 $0xFFFFEC00  }
0x5d: {  	[tilespmem:s18], [sflag:$0x3] =	stream.indirect.gather [hbm4b:s6+s16], $0x80, s31, s16, $0xb8;
	[tilespmem:$0x1E880] =	vst v63  }
0x5e: {  	_ =	swait.ge [sflag:s15], $0x1400  }
0x5f: {  	[sflag:s15] =	ssyncset.done $0x0  }
0x60: {  	[sflag:s15] =	ssyncadd.s32 $0xFFFFEC00  }
0x61: {  	[bflag:$0x0] =	sbarrier.arrive $0xFFFF  }
0x62: {  	[tilespmem:s14], [sflag:$0x1] =	stream.indirect.gather [hbm4b:s5+s17], $0x80, s17, s17, $0xb8;
	[tilespmem:$0x1E880] =	vst v63  }
0x63: {  	_ =	swait.ge [sflag:s19], $0x4000  }
0x64: {  	[sflag:s19] =	ssyncset.done $0x0  }
0x65: {  	s28 =	simm.s32 $0x100;
	[sflag:s19] =	ssyncadd.s32 $0xFFFFC000  }
0x66: {  	[tilespmem:s20], [sflag:$0x2] =	stream.indirect.gather [hbm4b:s5+s17], $0x80, s28, s17, $0xb8;
	[tilespmem:$0x1E880] =	vst v63  }
0x67: {  	s29 =	simm.s32 $0x1480  }
0x68: {  	[spmem:s2] =	stream.indirect.scatter.add.f32 [tilespmem:s14], [sflag:$0x3], $0x80, s29, s17, $0xb8;
	[tilespmem:$0x1E880] =	vst v63  }
0x69: {  	_ =	swait.ge [sflag:s15], $0x4000  }
0x6a: {  	[sflag:s15] =	ssyncset.done $0x0  }
0x6b: {  	[sflag:s15] =	ssyncadd.s32 $0xFFFFC000  }
0x6c: {  	_ =	swait.ge [sflag:s21], $0x4000  }
0x6d: {  	[sflag:s21] =	ssyncset.done $0x0  }
0x6e: {  	s30 =	simm.s32 $0x180;
	[sflag:s21] =	ssyncadd.s32 $0xFFFFC000  }
0x6f: {  	[tilespmem:s14], [sflag:$0x1] =	stream.indirect.gather [hbm4b:s5+s17], $0x80, s30, s17, $0xb8;
	[tilespmem:$0x1E880] =	vst v63  }
0x70: {  	s31 =	simm.s32 $0x1500  }
0x71: {  	[spmem:s2] =	stream.indirect.scatter.add.f32 [tilespmem:s20], [sflag:$0x3], $0x80, s31, s17, $0xb8;
	[tilespmem:$0x1E880] =	vst v63  }
0x72: {  	_ =	swait.ge [sflag:s15], $0x4000  }
0x73: {  	s26 =	simm.s32 $0x400;
	[sflag:s15] =	ssyncset.done $0x0  }
.LBB2_4:
0x74: {  	p1 =	sne.s32 s26, $0x4800  }
0x75: {  	[sflag:s15] =	ssyncadd.s32 $0xFFFFC000;
	s28 =	smov.u32 s26;
	s26 =	sadd.s32 $0x400, s26  }
0x76: {  	_ = 	snop  }
0x77: {  	_ =	swait.ge [sflag:s19], $0x4000  }
0x78: {  	s28 =	sshra.s32 s28, $0x2;
	[sflag:s19] =	ssyncset.done $0x0  }
0x79: {  	s29 =	sadd.s32 $0x100, s28;
	[sflag:s19] =	ssyncadd.s32 $0xFFFFC000  }
0x7a: {  	[tilespmem:s20], [sflag:$0x2] =	stream.indirect.gather [hbm4b:s5+s17], $0x80, s29, s17, $0xb8;
	[tilespmem:$0x1E880] =	vst v63  }
0x7b: {  	s29 =	sadd.s32 $0x1480, s28  }
0x7c: {  	[spmem:s2] =	stream.indirect.scatter.add.f32 [tilespmem:s14], [sflag:$0x3], $0x80, s29, s17, $0xb8;
	[tilespmem:$0x1E880] =	vst v63  }
0x7d: {  	_ =	swait.ge [sflag:s15], $0x4000  }
0x7e: {  	[sflag:s15] =	ssyncset.done $0x0  }
0x7f: {  	[sflag:s15] =	ssyncadd.s32 $0xFFFFC000  }
0x80: {  	_ =	swait.ge [sflag:s21], $0x4000  }
0x81: {  	[sflag:s21] =	ssyncset.done $0x0  }
0x82: {  	s29 =	sadd.s32 $0x180, s28;
	[sflag:s21] =	ssyncadd.s32 $0xFFFFC000  }
0x83: {  	[tilespmem:s14], [sflag:$0x1] =	stream.indirect.gather [hbm4b:s5+s17], $0x80, s29, s17, $0xb8;
	[tilespmem:$0x1E880] =	vst v63  }
.Ltmp3:
0x84: {  	_ = 	snop;
	(pc) =	sbr.rel @p1 .LBB2_4-.Ltmp3, $4  }
0x85: {  	s28 =	sadd.s32 $0x1500, s28  }
0x86: {  	[spmem:s2] =	stream.indirect.scatter.add.f32 [tilespmem:s20], [sflag:$0x3], $0x80, s28, s17, $0xb8;
	[tilespmem:$0x1E880] =	vst v63  }
0x87: {  	_ =	swait.ge [sflag:s15], $0x4000  }
0x88: {  	[sflag:s15] =	ssyncset.done $0x0  }
0x89: {  	[sflag:s15] =	ssyncadd.s32 $0xFFFFC000  }
0x8a: {  	_ =	swait.ge [sflag:s19], $0x4000  }
0x8b: {  	[sflag:s19] =	ssyncset.done $0x0  }
0x8c: {  	[sflag:s19] =	ssyncadd.s32 $0xFFFFC000  }
0x8d: {  	[tilespmem:s20], [sflag:$0x2] =	stream.indirect.gather [hbm4b:s5+s17], $0x80, s22, s17, $0xb8;
	[tilespmem:$0x1E880] =	vst v63  }
0x8e: {  	_ = 	snop  }
0x8f: {  	[spmem:s2] =	stream.indirect.scatter.add.f32 [tilespmem:s14], [sflag:$0x3], $0x80, s23, s17, $0xb8;
	[tilespmem:$0x1E880] =	vst v63  }
0x90: {  	_ =	swait.ge [sflag:s15], $0x4000  }
0x91: {  	[sflag:s15] =	ssyncset.done $0x0  }
0x92: {  	[sflag:s15] =	ssyncadd.s32 $0xFFFFC000  }
0x93: {  	_ =	swait.ge [sflag:s21], $0x4000  }
0x94: {  	[sflag:s21] =	ssyncset.done $0x0  }
.Ltmp4:
0x95: {  	[sflag:s21] =	ssyncadd.s32 $0xFFFFC000;
	(pc) =	sbr.rel @p0 .LBB2_11-.Ltmp4, $4  }
0x96: {  	[spmem:s2] =	stream.indirect.scatter.add.f32 [tilespmem:s20], [sflag:$0x3], $0x80, s24, s17, $0xb8;
	[tilespmem:$0x1E880] =	vst v63  }
0x97: {  	_ =	swait.ge [sflag:s15], $0x4000  }
0x98: {  	[sflag:s15] =	ssyncset.done $0x0  }
0x99: {  	[sflag:s15] =	ssyncadd.s32 $0xFFFFC000  }
0x9a: {  	[tilespmem:s17], [sflag:$0x3] =	stream.indirect.gather [hbm4b:s1+s16], $0x80, s16, s16, $0xb8;
	[tilespmem:$0x1E880] =	vst v63  }
0x9b: {  	_ =	swait.ge [sflag:s15], $0x1400  }
0x9c: {  	[sflag:s15] =	ssyncset.done $0x0  }
0x9d: {  	[sflag:s15] =	ssyncadd.s32 $0xFFFFEC00  }
0x9e: {  	[tilespmem:s18], [sflag:$0x3] =	stream.indirect.gather [hbm4b:s6+s16], $0x80, s16, s16, $0xb8;
	[tilespmem:$0x1E880] =	vst v63  }
0x9f: {  	_ =	swait.ge [sflag:s15], $0x1400  }
0xa0: {  	[sflag:s15] =	ssyncset.done $0x0  }
0xa1: {  	[sflag:s15] =	ssyncadd.s32 $0xFFFFEC00  }
0xa2: {  	[tilespmem:s14], [sflag:$0x1] =	stream.indirect.gather [hbm4b:s5+s17], $0x80, s17, s17, $0xb8;
	[tilespmem:$0x1E880] =	vst v63  }
0xa3: {  	_ =	swait.ge [sflag:s19], $0x4000  }
0xa4: {  	[sflag:s19] =	ssyncset.done $0x0  }
0xa5: {  	s26 =	simm.s32 $0x100;
	[sflag:s19] =	ssyncadd.s32 $0xFFFFC000  }
0xa6: {  	[tilespmem:s20], [sflag:$0x2] =	stream.indirect.gather [hbm4b:s5+s17], $0x80, s26, s17, $0xb8;
	[tilespmem:$0x1E880] =	vst v63  }
0xa7: {  	s29 =	simm.s32 $0x1480  }
0xa8: {  	[spmem:s2] =	stream.indirect.scatter.add.f32 [tilespmem:s14], [sflag:$0x3], $0x80, s29, s17, $0xb8;
	[tilespmem:$0x1E880] =	vst v63  }
0xa9: {  	_ =	swait.ge [sflag:s15], $0x4000  }
0xaa: {  	[sflag:s15] =	ssyncset.done $0x0  }
0xab: {  	[sflag:s15] =	ssyncadd.s32 $0xFFFFC000  }
0xac: {  	_ =	swait.ge [sflag:s21], $0x4000  }
0xad: {  	[sflag:s21] =	ssyncset.done $0x0  }
0xae: {  	s30 =	simm.s32 $0x180;
	[sflag:s21] =	ssyncadd.s32 $0xFFFFC000  }
0xaf: {  	[tilespmem:s14], [sflag:$0x1] =	stream.indirect.gather [hbm4b:s5+s17], $0x80, s30, s17, $0xb8;
	[tilespmem:$0x1E880] =	vst v63  }
0xb0: {  	s31 =	simm.s32 $0x1500  }
0xb1: {  	[spmem:s2] =	stream.indirect.scatter.add.f32 [tilespmem:s20], [sflag:$0x3], $0x80, s31, s17, $0xb8;
	[tilespmem:$0x1E880] =	vst v63  }
0xb2: {  	_ =	swait.ge [sflag:s15], $0x4000  }
0xb3: {  	s26 =	simm.s32 $0x400;
	[sflag:s15] =	ssyncset.done $0x0  }
.LBB2_7:
0xb4: {  	p1 =	sne.s32 s26, $0x4800  }
0xb5: {  	[sflag:s15] =	ssyncadd.s32 $0xFFFFC000;
	s28 =	smov.u32 s26;
	s26 =	sadd.s32 $0x400, s26  }
0xb6: {  	_ = 	snop  }
0xb7: {  	_ =	swait.ge [sflag:s19], $0x4000  }
0xb8: {  	s28 =	sshra.s32 s28, $0x2;
	[sflag:s19] =	ssyncset.done $0x0  }
0xb9: {  	s29 =	sadd.s32 $0x100, s28;
	[sflag:s19] =	ssyncadd.s32 $0xFFFFC000  }
0xba: {  	[tilespmem:s20], [sflag:$0x2] =	stream.indirect.gather [hbm4b:s5+s17], $0x80, s29, s17, $0xb8;
	[tilespmem:$0x1E880] =	vst v63  }
0xbb: {  	s29 =	sadd.s32 $0x1480, s28  }
0xbc: {  	[spmem:s2] =	stream.indirect.scatter.add.f32 [tilespmem:s14], [sflag:$0x3], $0x80, s29, s17, $0xb8;
	[tilespmem:$0x1E880] =	vst v63  }
0xbd: {  	_ =	swait.ge [sflag:s15], $0x4000  }
0xbe: {  	[sflag:s15] =	ssyncset.done $0x0  }
0xbf: {  	[sflag:s15] =	ssyncadd.s32 $0xFFFFC000  }
0xc0: {  	_ =	swait.ge [sflag:s21], $0x4000  }
0xc1: {  	[sflag:s21] =	ssyncset.done $0x0  }
0xc2: {  	s29 =	sadd.s32 $0x180, s28;
	[sflag:s21] =	ssyncadd.s32 $0xFFFFC000  }
0xc3: {  	[tilespmem:s14], [sflag:$0x1] =	stream.indirect.gather [hbm4b:s5+s17], $0x80, s29, s17, $0xb8;
	[tilespmem:$0x1E880] =	vst v63  }
.Ltmp5:
0xc4: {  	_ = 	snop;
	(pc) =	sbr.rel @p1 .LBB2_7-.Ltmp5, $4  }
0xc5: {  	s28 =	sadd.s32 $0x1500, s28  }
0xc6: {  	[spmem:s2] =	stream.indirect.scatter.add.f32 [tilespmem:s20], [sflag:$0x3], $0x80, s28, s17, $0xb8;
	[tilespmem:$0x1E880] =	vst v63  }
0xc7: {  	_ =	swait.ge [sflag:s15], $0x4000  }
0xc8: {  	[sflag:s15] =	ssyncset.done $0x0  }
0xc9: {  	[sflag:s15] =	ssyncadd.s32 $0xFFFFC000  }
0xca: {  	_ =	swait.ge [sflag:s19], $0x4000  }
0xcb: {  	[sflag:s19] =	ssyncset.done $0x0  }
0xcc: {  	[sflag:s19] =	ssyncadd.s32 $0xFFFFC000  }
0xcd: {  	[tilespmem:s20], [sflag:$0x2] =	stream.indirect.gather [hbm4b:s5+s17], $0x80, s22, s17, $0xb8;
	[tilespmem:$0x1E880] =	vst v63  }
0xce: {  	_ = 	snop  }
0xcf: {  	[spmem:s2] =	stream.indirect.scatter.add.f32 [tilespmem:s14], [sflag:$0x3], $0x80, s23, s17, $0xb8;
	[tilespmem:$0x1E880] =	vst v63  }
0xd0: {  	_ =	swait.ge [sflag:s15], $0x4000  }
0xd1: {  	[sflag:s15] =	ssyncset.done $0x0  }
0xd2: {  	[sflag:s15] =	ssyncadd.s32 $0xFFFFC000  }
0xd3: {  	_ =	swait.ge [sflag:s21], $0x4000  }
0xd4: {  	[sflag:s21] =	ssyncset.done $0x0  }
0xd5: {  	[sflag:s21] =	ssyncadd.s32 $0xFFFFC000  }
0xd6: {  	[spmem:s2] =	stream.indirect.scatter.add.f32 [tilespmem:s20], [sflag:$0x3], $0x80, s24, s17, $0xb8;
	[tilespmem:$0x1E880] =	vst v63  }
0xd7: {  	_ =	swait.ge [sflag:s15], $0x4000  }
0xd8: {  	[sflag:s15] =	ssyncset.done $0x0  }
0xd9: {  	[sflag:s15] =	ssyncadd.s32 $0xFFFFC000  }
0xda: {  	[tilespmem:s17], [sflag:$0x3] =	stream.indirect.gather [hbm4b:s1+s16], $0x80, s25, s16, $0xb8;
	[tilespmem:$0x1E880] =	vst v63  }
0xdb: {  	_ =	swait.ge [sflag:s15], $0x1400  }
0xdc: {  	[sflag:s15] =	ssyncset.done $0x0  }
0xdd: {  	[sflag:s15] =	ssyncadd.s32 $0xFFFFEC00  }
0xde: {  	[tilespmem:s18], [sflag:$0x3] =	stream.indirect.gather [hbm4b:s6+s16], $0x80, s25, s16, $0xb8;
	[tilespmem:$0x1E880] =	vst v63  }
0xdf: {  	_ =	swait.ge [sflag:s15], $0x1400  }
0xe0: {  	[sflag:s15] =	ssyncset.done $0x0  }
0xe1: {  	[sflag:s15] =	ssyncadd.s32 $0xFFFFEC00  }
0xe2: {  	[tilespmem:s14], [sflag:$0x1] =	stream.indirect.gather [hbm4b:s5+s17], $0x80, s17, s17, $0xb8;
	[tilespmem:$0x1E880] =	vst v63  }
0xe3: {  	_ =	swait.ge [sflag:s19], $0x4000  }
0xe4: {  	[sflag:s19] =	ssyncset.done $0x0  }
0xe5: {  	s26 =	simm.s32 $0x100;
	[sflag:s19] =	ssyncadd.s32 $0xFFFFC000  }
0xe6: {  	[tilespmem:s20], [sflag:$0x2] =	stream.indirect.gather [hbm4b:s5+s17], $0x80, s26, s17, $0xb8;
	[tilespmem:$0x1E880] =	vst v63  }
0xe7: {  	s29 =	simm.s32 $0x1480  }
0xe8: {  	[spmem:s2] =	stream.indirect.scatter.add.f32 [tilespmem:s14], [sflag:$0x3], $0x80, s29, s17, $0xb8;
	[tilespmem:$0x1E880] =	vst v63  }
0xe9: {  	_ =	swait.ge [sflag:s15], $0x4000  }
0xea: {  	[sflag:s15] =	ssyncset.done $0x0  }
0xeb: {  	[sflag:s15] =	ssyncadd.s32 $0xFFFFC000  }
0xec: {  	_ =	swait.ge [sflag:s21], $0x4000  }
0xed: {  	[sflag:s21] =	ssyncset.done $0x0  }
0xee: {  	s30 =	simm.s32 $0x180;
	[sflag:s21] =	ssyncadd.s32 $0xFFFFC000  }
0xef: {  	[tilespmem:s14], [sflag:$0x1] =	stream.indirect.gather [hbm4b:s5+s17], $0x80, s30, s17, $0xb8;
	[tilespmem:$0x1E880] =	vst v63  }
0xf0: {  	s31 =	simm.s32 $0x1500  }
0xf1: {  	[spmem:s2] =	stream.indirect.scatter.add.f32 [tilespmem:s20], [sflag:$0x3], $0x80, s31, s17, $0xb8;
	[tilespmem:$0x1E880] =	vst v63  }
0xf2: {  	_ =	swait.ge [sflag:s15], $0x4000  }
0xf3: {  	s26 =	simm.s32 $0x400;
	[sflag:s15] =	ssyncset.done $0x0  }
.LBB2_9:
0xf4: {  	p1 =	sne.s32 s26, $0x4800  }
0xf5: {  	[sflag:s15] =	ssyncadd.s32 $0xFFFFC000;
	s28 =	smov.u32 s26;
	s26 =	sadd.s32 $0x400, s26  }
0xf6: {  	_ = 	snop  }
0xf7: {  	_ =	swait.ge [sflag:s19], $0x4000  }
0xf8: {  	s28 =	sshra.s32 s28, $0x2;
	[sflag:s19] =	ssyncset.done $0x0  }
0xf9: {  	s29 =	sadd.s32 $0x100, s28;
	[sflag:s19] =	ssyncadd.s32 $0xFFFFC000  }
0xfa: {  	[tilespmem:s20], [sflag:$0x2] =	stream.indirect.gather [hbm4b:s5+s17], $0x80, s29, s17, $0xb8;
	[tilespmem:$0x1E880] =	vst v63  }
0xfb: {  	s29 =	sadd.s32 $0x1480, s28  }
0xfc: {  	[spmem:s2] =	stream.indirect.scatter.add.f32 [tilespmem:s14], [sflag:$0x3], $0x80, s29, s17, $0xb8;
	[tilespmem:$0x1E880] =	vst v63  }
0xfd: {  	_ =	swait.ge [sflag:s15], $0x4000  }
0xfe: {  	[sflag:s15] =	ssyncset.done $0x0  }
0xff: {  	[sflag:s15] =	ssyncadd.s32 $0xFFFFC000  }
0x100: {  	_ =	swait.ge [sflag:s21], $0x4000  }
0x101: {  	[sflag:s21] =	ssyncset.done $0x0  }
0x102: {  	s29 =	sadd.s32 $0x180, s28;
	[sflag:s21] =	ssyncadd.s32 $0xFFFFC000  }
0x103: {  	[tilespmem:s14], [sflag:$0x1] =	stream.indirect.gather [hbm4b:s5+s17], $0x80, s29, s17, $0xb8;
	[tilespmem:$0x1E880] =	vst v63  }
.Ltmp6:
0x104: {  	_ = 	snop;
	(pc) =	sbr.rel @p1 .LBB2_9-.Ltmp6, $4  }
0x105: {  	s28 =	sadd.s32 $0x1500, s28  }
0x106: {  	[spmem:s2] =	stream.indirect.scatter.add.f32 [tilespmem:s20], [sflag:$0x3], $0x80, s28, s17, $0xb8;
	[tilespmem:$0x1E880] =	vst v63  }
0x107: {  	_ =	swait.ge [sflag:s15], $0x4000  }
0x108: {  	[sflag:s15] =	ssyncset.done $0x0  }
.Ltmp7:
0x109: {  	_ = 	snop;
	(pc) =	sbr.rel .LBB2_10-.Ltmp7, $1  }
0x10a: {  	_ =	sdelay $0x3  }
.LBB2_12:
0x10b: {  	_ =	sfence.sel $0x180000  }
0x10c: {  	[bflag:$0x0] =	sbarrier.arrive $0xFFFF  }
0x10d: {  	p0 =	sne.s32 s3, $0x0;
	_ =	strace $0x9000004A  }
0x10e: {  	s0 =	sadd.s32 @!p0 $0x100000, s0;
	[bflag:$0x2] =	sbarrier.arrive $0xFFFF  }
0x10f: {  	[sflag:s0] =	ssyncadd.tile.s32 @!p0 $0x1;
	_ =	shalt  }
.Lfunc_end2:
_tile_overlayer_lowered:
.L_overlay_start_2:
0x110: {  	(tag) =	ssettag $0x2  }
0x111: {  	s0 =	rddreg [dreg:$0x0];
	s2 =	stileid.u32  }
0x112: {  	s1 =	rddreg [dreg:$0x1];
	p0 =	sne.s32 s2, $0x0  }
0x113: {  	s3 =	rddreg [dreg:$0x2];
	[bflag:$0x3] =	sbarrier.arrive $0xFFFF;
	s2 =	simm.s32 @!p0 $0x1C03  }
0x114: {  	[timem:s3], [sflag:s2] =	dma.local @!p0 [hbm:s0], s1  }
0x115: {  	s0 =	simm.s32 @!p0 $0x3  }
0x116: {  	_ =	swait.ge @!p0 [sflag:s0], s1  }
0x117: {  	s1 =	ssub.s32 @!p0 $0x0, s1;
	[sflag:s0] =	ssyncset.done @!p0 $0x0  }
0x118: {  	[sflag:s0] =	ssyncadd.s32 @!p0 s1  }
0x119: {  	[bflag:$0x3] =	sbarrier.arrive $0xFFFF  }
0x11a: {  	_ =	shalt  }

// kernel: kernel.14.cloned.1.call-start
scs
__scs_entry_jumppad:
0x0: {  	(pc) =	sbr.rel $0x88, $3  }
0x1: {  	(tag) =	ssettag $0x0;
	lr =	simm.s32 $0x1  }
0x2: {  	[smem:$0x3F97] =	sst lr;
	_ =	strace $0xD0000000  }
0x3: {  	_ = 	snop  }
0x4: {  	_ = 	snop  }
0x5: {  	_ = 	snop  }
0x6: {  	_ = 	snop  }
0x7: {  	_ = 	snop  }
__scs_overlays_trampoline_lowered:
0x8: {  	[smem:$0x3FA6] =	sst s0  }
0x9: {  	[smem:$0x3FA7] =	sst s1  }
0xa: {  	[smem:$0x3FA8] =	sst s2  }
0xb: {  	[smem:$0x3FA9] =	sst s3  }
0xc: {  	[smem:$0x3FAA] =	sst s4  }
0xd: {  	[smem:$0x3FAB] =	sst s5  }
0xe: {  	[smem:$0x3FAC] =	sst s6  }
0xf: {  	[smem:$0x3FAD] =	sst s7  }
0x10: {  	[smem:$0x3FAE] =	sst s8  }
0x11: {  	[smem:$0x3FAF] =	sst s9;
	s0 =	simm.s32 @!p0 $0x0  }
0x12: {  	s1 =	sld [smem:$0x3F95];
	s0 =	simm.s32 @p0 $0x1  }
0x13: {  	[smem:$0x3FB0] =	sst s0;
	s0 =	simm.s32 @!p1 $0x0  }
0x14: {  	s2 =	sld [smem:$0x3F94];
	s0 =	simm.s32 @p1 $0x1  }
0x15: {  	[smem:$0x3FB1] =	sst s0;
	s0 =	simm.s32 @!p2 $0x0  }
0x16: {  	s3 =	sld [smem:$0x3FDB];
	s0 =	simm.s32 @p2 $0x1  }
0x17: {  	s4 =	simm.s32 $0x1BF5;
	[smem:$0x3FB3] =	sst s0  }
0x18: {  	s0 =	sld [smem:$0x3F96];
	_ =	swait.ge [sflag:s4], $0x0  }
0x19: {  	s7 =	sld [smem:$0x3F97]  }
0x1a: {  	s8 =	sadd.s32 $0xFFFFE003, lr  }
0x1b: {  	s9 =	sadd.s32 $0xFFFFFEF7, lr;
	s5 =	simm.s32 $0xFFFFFFFF;
	p2 =	slt.u32 s8, $0xFFFFF086  }
0x1c: {  	p1 =	slt.u32 s9, $0xF7A;
	s5 =	simm.s32 @!p2 $0x0  }
0x1d: {  	s5 =	simm.s32 @p1 $0x1;
	p0 =	seq.s32 s7, s2  }
0x1e: {  	s7 =	smul.u32 @!p0 $0xF7A, s2;
	p2 =	seq.s32 @!p0 s5, $0x0  }
0x1f: {  	s9 =	smul.u32 $0xF7A, s1;
	s8 =	simm.s32 @!p0 $0x1BF5;
	p2 =	por !p2, p0  }
0x20: {  	[sflag:s8] =	ssyncset.s32 @!p0 $0xFFFFF086;
	s6 =	sadd.s32 @!p0 s3, s7;
	s7 =	simm.s32 @!p0 $0x108  }
0x21: {  	s3 =	sadd.s32 s3, s9;
	s6 =	sadd.s32 @!p0 $0x88, s6;
	s7 =	simm.s32 @p2 $0x1082  }
0x22: {  	[simem:s7], [sflag:s8] =	dma.local @!p0 [hbm:s6], $0xF7A  }
0x23: {  	s9 =	sor.u32 $0xD0000000, s2;
	s6 =	simm.s32 $0x108;
	_ =	swait.ge @!p0 [sflag:s8], $0x0  }
0x24: {  	s3 =	sadd.s32 $0x88, s3;
	s6 =	simm.s32 @!p1 $0x1082;
	[sflag:s4] =	ssyncset.s32 $0xFFFFF086  }
0x25: {  	[simem:s6], [sflag:s4] =	dma.local [hbm:s3], $0xF7A  }
0x26: {  	[smem:$0x3F97] =	sst s1;
	(tag) =	ssettag s2;
	_ =	strace s9  }
0x27: {  	s1 =	sld [smem:$0x3FA7]  }
0x28: {  	s2 =	sld [smem:$0x3FA8]  }
0x29: {  	s4 =	sld [smem:$0x3FAA]  }
0x2a: {  	p0 =	seq.s32 s5, $0x0;
	s5 =	sld [smem:$0x3FAB]  }
0x2b: {  	s6 =	sld [smem:$0x3FAC]  }
0x2c: {  	s7 =	sld [smem:$0x3FAD]  }
0x2d: {  	s3 =	simm.s32 $0x108;
	s8 =	sld [smem:$0x3FAE]  }
0x2e: {  	s3 =	simm.s32 @!p0 $0x1082;
	s9 =	sld [smem:$0x3FAF]  }
0x2f: {  	lr =	sadd.s32 s0, s3;
	s0 =	sld [smem:$0x3FA6]  }
0x30: {  	s3 =	sld [smem:$0x3FA9]  }
0x31: {  	[smem:$0x3FB2] =	sst s10  }
0x32: {  	s10 =	sld [smem:$0x3FB0];
	_ =	sdelay $0x3  }
0x33: {  	p0 =	seq.s32 s10, $0x1;
	s10 =	sld [smem:$0x3FB2];
	_ =	sdelay $0x3  }
0x34: {  	[smem:$0x3FB2] =	sst s10  }
0x35: {  	s10 =	sld [smem:$0x3FB1];
	_ =	sdelay $0x3  }
0x36: {  	p1 =	seq.s32 s10, $0x1;
	s10 =	sld [smem:$0x3FB2];
	_ =	sdelay $0x3  }
0x37: {  	[smem:$0x3FB2] =	sst s10  }
0x38: {  	s10 =	sld [smem:$0x3FB3]  }
0x39: {  	_ = 	snop;
	(pc) =	sbr.ind lr, $3  }
0x3a: {  	_ = 	snop  }
0x3b: {  	_ = 	snop  }
0x3c: {  	p2 =	seq.s32 s10, $0x1;
	s10 =	sld [smem:$0x3FB2]  }
0x3d: {  	_ =	shalt  }
0x3e: {  	_ =	shalt  }
0x3f: {  	_ =	shalt  }
0x40: {  	_ =	shalt  }
0x41: {  	_ =	shalt  }
0x42: {  	_ =	shalt  }
0x43: {  	_ =	shalt  }
0x44: {  	_ =	shalt  }
0x45: {  	_ =	shalt  }
0x46: {  	_ =	shalt  }
0x47: {  	_ =	shalt  }
0x48: {  	_ =	shalt  }
0x49: {  	_ =	shalt  }
0x4a: {  	_ =	shalt  }
0x4b: {  	_ =	shalt  }
0x4c: {  	_ =	shalt  }
0x4d: {  	_ =	shalt  }
0x4e: {  	_ =	shalt  }
0x4f: {  	_ =	shalt  }
0x50: {  	_ =	shalt  }
0x51: {  	_ =	shalt  }
0x52: {  	_ =	shalt  }
0x53: {  	_ =	shalt  }
0x54: {  	_ =	shalt  }
0x55: {  	_ =	shalt  }
0x56: {  	_ =	shalt  }
0x57: {  	_ =	shalt  }
0x58: {  	_ =	shalt  }
0x59: {  	_ =	shalt  }
0x5a: {  	_ =	shalt  }
0x5b: {  	_ =	shalt  }
0x5c: {  	_ =	shalt  }
0x5d: {  	_ =	shalt  }
0x5e: {  	_ =	shalt  }
0x5f: {  	_ =	shalt  }
0x60: {  	_ =	shalt  }
0x61: {  	_ =	shalt  }
0x62: {  	_ =	shalt  }
0x63: {  	_ =	shalt  }
0x64: {  	_ =	shalt  }
0x65: {  	_ =	shalt  }
0x66: {  	_ =	shalt  }
0x67: {  	_ =	shalt  }
0x68: {  	_ =	shalt  }
0x69: {  	_ =	shalt  }
0x6a: {  	_ =	shalt  }
0x6b: {  	_ =	shalt  }
0x6c: {  	_ =	shalt  }
0x6d: {  	_ =	shalt  }
0x6e: {  	_ =	shalt  }
0x6f: {  	_ =	shalt  }
0x70: {  	_ =	shalt  }
0x71: {  	_ =	shalt  }
0x72: {  	_ =	shalt  }
0x73: {  	_ =	shalt  }
0x74: {  	_ =	shalt  }
0x75: {  	_ =	shalt  }
0x76: {  	_ =	shalt  }
0x77: {  	_ =	shalt  }
0x78: {  	_ =	shalt  }
0x79: {  	_ =	shalt  }
0x7a: {  	_ =	shalt  }
0x7b: {  	_ =	shalt  }
0x7c: {  	_ =	shalt  }
0x7d: {  	_ =	shalt  }
0x7e: {  	_ =	shalt  }
0x7f: {  	_ =	shalt  }
0x80: {  	_ =	shalt  }
0x81: {  	_ =	shalt  }
0x82: {  	_ =	shalt  }
0x83: {  	_ =	shalt  }
0x84: {  	_ =	shalt  }
0x85: {  	_ =	shalt  }
0x86: {  	_ =	shalt  }
0x87: {  	_ =	shalt  }
.Lfunc_end0:
.L_simem_size_0:
called_computation.2_lowered:
.L_overlay_start_0:
0x88: {  	s2 =	sld [smem:$0x3FD9]  }
0x89: {  	s3 =	sld [smem:$0x3FFE];
	_ =	sdelay $0x1  }
0x8a: {  	s1 =	srdreg.scid  }
0x8b: {  	s0 =	sand.u32 $0x1, s1  }
0x8c: {  	s17 =	sshll.u32 s0, $0xA;
	s2 =	sadd.s32 s3, s2  }
0x8d: {  	s2 =	sadd.s32 s2, s17  }
0x8e: {  	[smem:$0x3FBE] =	sst s2  }
0x8f: {  	_ = 	snop  }
0x90: {  	s2 =	sld [smem:$0x3FD0];
	(tm) =	ssettm $0x1  }
0x91: {  	s18 =	sld [smem:$0x3FFB];
	_ =	sdelay $0x3  }
0x92: {  	_ =	strace s18  }
0x93: {  	s3 =	sld [smem:$0x3FFC];
	_ =	sdelay $0x3  }
0x94: {  	_ =	strace s3  }
0x95: {  	s3 =	sld [smem:$0x3FFD];
	_ =	sdelay $0x3  }
0x96: {  	_ =	strace s3  }
0x97: {  	_ =	strace $0x8FFFFFFF  }
0x98: {  	s19 =	sld [smem:$0x3FDB];
	_ =	sdelay $0x1  }
0x99: {  	s4 =	simm.s32 $_scs_section_size  }
0x9a: {  	s5 =	simm.s32 $_size__tile_overlayer_lowered;
	s6 =	simm.s32 $_tile_overlayer_lowered  }
0x9b: {  	s22 =	simm.s32 $0x1BFF;
	s21 =	sshll.u32 s6, $0x1;
	s3 =	sadd.s32 s4, s19  }
0x9c: {  	s7 =	simm.s32 $0x0;
	s20 =	sshll.u32 s5, $0x1;
	s5 =	sadd.s32 s21, s3  }
0x9d: {  	[timem:s7], [sflag:s22] =	dma.local [hbm:s5], s20  }
0x9e: {  	_ =	swait.ge [sflag:s22], s20  }
0x9f: {  	s4 =	ssub.s32 $0x0, s20;
	[sflag:s22] =	ssyncset.done $0x0  }
0xa0: {  	[sflag:s22] =	ssyncadd.s32 s4;
	_ =	sdelay $0x1  }
0xa1: {  	s23 =	simm.s32 $0x1B8B  }
0xa2: {  	_ =	swait.ge [sflag:s23], $0x1  }
0xa3: {  	[sflag:s23] =	ssyncset.done $0x0  }
0xa4: {  	s25 =	simm.s32 $0x1B8E;
	s24 =	sld [smem:$0x3FFE];
	[sflag:s23] =	ssyncadd.s32 $0xFFFFFFFF  }
0xa5: {  	s26 =	simm.s32 $execute0_lowered;
	[smem:$0x3FD2] =	sst s25  }
0xa6: {  	s5 =	sshll.u32 s26, $0x1;
	_ =	strace $0x8000004C;
	[dreg:$0x1] =	wrdreg $0xFFFFFFFF  }
0xa7: {  	s28 =	simm.s32 $_size_execute0_lowered;
	s3 =	sadd.s32 s3, s5;
	[dreg:$0x0] =	wrdreg $0x0  }
0xa8: {  	s5 =	sshll.u32 s28, $0x1;
	[dreg:$0x2] =	wrdreg s3  }
0xa9: {  	[dreg:$0x3] =	wrdreg s5  }
0xaa: {  	[dreg:$0x4] =	wrdreg $0xC0  }
0xab: {  	_ =	task [dreg:s7], $0x5FFFF  }
0xac: {  	[dreg:$0x1] =	wrdreg $0xFFFFFFFF  }
0xad: {  	[dreg:$0x0] =	wrdreg $0x60  }
0xae: {  	[dreg:$0x2] =	wrdreg s24  }
0xaf: {  	[dreg:$0x3] =	wrdreg s2  }
0xb0: {  	[dreg:$0x4] =	wrdreg $0xA8800  }
0xb1: {  	[dreg:$0x5] =	wrdreg $0x9  }
0xb2: {  	_ =	task.clear_ibuf [dreg:s7], $0x6FFFF;
	_ =	strace $0x9000004C  }
0xb3: {  	s29 =	simm.s32 $0x9;
	_ =	strace $0x8000004E  }
0xb4: {  	_ =	swait.ge [sflag:s29], $0x1  }
0xb5: {  	[sflag:s29] =	ssyncadd.s32 $0xFFFFFFFF  }
0xb6: {  	_ =	strace $0x9000004E  }
0xb7: {  	_ =	sfence  }
0xb8: {  	s30 =	sld [smem:$0x0];
	_ =	sdelay $0x2  }
0xb9: {  	s31 =	sshll.u32 s1, $0xD;
	s1 =	sshrl.u32 s1, $0x2  }
0xba: {  	s3 =	sand.u32 $0x4000, s31;
	s1 =	sadd.s32 s1, s30  }
0xbb: {  	s0 =	sor.u32 s3, s0;
	s1 =	sshll.u32 s1, $0x11  }
0xbc: {  	s0 =	sor.u32 s1, s0  }
0xbd: {  	s0 =	sadd.s32 $0x8F2B, s0  }
0xbe: {  	[sflag:s0] =	ssyncadd.remote.s32 $0x1  }
0xbf: {  	_ =	sfence.sel $0xFFFF  }
0xc0: {  	[dreg:$0x0] =	wrdreg $0xFFFFFFFF;
	(pc) =	sbr.abs _section_cstart, $3  }
0xc1: {  	[dreg:$0x1] =	wrdreg $0xFFFFFFFF  }
0xc2: {  	_ =	task.clear_ibuf [dreg:s7], $0x2FFFF;
	_ =	strace $0x9FFFFFFF  }
0xc3: {  	(tm) =	ssettm $0x7FFFFFFF  }
tec
execute0_lowered:
.L_overlay_start_1:
0x0: {  	(tag) =	ssettag $0x1  }
0x1: {  	s7 =	rddreg [dreg:$0x0]  }
0x2: {  	s1 =	rddreg [dreg:$0x1]  }
0x3: {  	s2 =	rddreg [dreg:$0x2];
	s3 =	srdreg.scid  }
0x4: {  	s0 =	rddreg [dreg:$0x3];
	s4 =	simm.s32 $0x0;
	s14 =	simm.s32 $0x2880  }
0x5: {  	s15 =	simm.s32 $0x3;
	s16 =	simm.s32 $0x28;
	s22 =	sand.u32 $0x1, s3  }
0x6: {  	s17 =	simm.s32 $0x80;
	s3 =	stileid.u32;
	s8 =	smul.u32 $0x140000, s22  }
0x7: {  	[smem:$0x7FF] =	sst s4;
	s5 =	sadd.s32 $0xD000, s7;
	s9 =	smul.u32 $0x14000, s3  }
0x8: {  	s6 =	sadd.s32 $0x3000, s7;
	s28 =	ssub.s32 $0x2, s22;
	s10 =	smul.u32 $0x50000, s3  }
0x9: {  	_ =	strace $0x8000004D;
	s30 =	smul.u32 $0x28, s3;
	s29 =	sshrl.u32 s28, $0x1  }
0xa: {  	p0 =	seq.s32 s22, $0x0;
	s8 =	sadd.s32 s9, s8;
	s13 =	ssub.s32 s28, s29  }
0xb: {  	s9 =	smul.u32 $0x78, s3;
	s31 =	sshrl.u32 s10, $0x2;
	s8 =	sshrl.u32 s8, $0x3  }
0xc: {  	s18 =	sadd.s32 $0x780, s30;
	s13 =	smax.u32 s13, $0x1;
	s12 =	sadd.s32 s8, s7  }
0xd: {  	s7 =	sadd.s32 s31, s2;
	s18 =	smov.u32 @p0 s9;
	p0 =	sne.s32 s22, $0x0  }
0xe: {  	s22 =	simm.s32 $0x1400;
	s8 =	sadd.s32 $0x4000, s7;
	s9 =	sadd.s32 $0x8000, s7  }
0xf: {  	s10 =	sadd.s32 $0xC000, s7;
	s11 =	sadd.s32 $0x10000, s7;
	s12 =	sadd.s32 $0x35000, s12  }
.Ltmp0:
0x10: {  	s19 =	sadd.s32 $0x10, s18;
	s20 =	sadd.s32 $0x20, s18;
	(pc) =	sbr.rel .LBB2_1-.Ltmp0, $4  }
0x11: {  	v7 =	vlaneseq.u32;
	s21 =	sadd.s32 $0x30, s18;
	s23 =	sadd.s32 $0x40, s18;
	s24 =	sadd.s32 $0x50, s18  }
0x12: {  	v8 =	vimm.f32 $0.0e+00;
	s25 =	sadd.s32 $0x60, s18;
	s26 =	sadd.s32 $0x70, s18;
	v0 =	vadd.s32 s18, v7;
	s18 =	simm.s32 $0x1480;
	v1 =	vadd.s32 s19, v7  }
0x13: {  	v2 =	vadd.s32 s20, v7;
	s19 =	simm.s32 $0x1;
	s20 =	simm.s32 $0x6880;
	v3 =	vadd.s32 s21, v7;
	v4 =	vadd.s32 s23, v7;
	s21 =	simm.s32 $0x2  }
0x14: {  	v5 =	vadd.s32 s24, v7;
	v6 =	vadd.s32 s25, v7;
	v7 =	vadd.s32 s26, v7;
	s23 =	simm.s32 $0x2780;
	s24 =	simm.s32 $0x2800;
	s25 =	simm.s32 $0x50  }
.LBB2_10:
0x15: {  	[sflag:s15] =	ssyncadd.s32 $0xFFFFC000  }
0x16: {  	_ =	swait.ge [sflag:s19], $0x4000  }
0x17: {  	[sflag:s19] =	ssyncset.done $0x0  }
0x18: {  	[sflag:s19] =	ssyncadd.s32 $0xFFFFC000  }
0x19: {  	[tilespmem:s20], [sflag:$0x2] =	stream.indirect.gather [hbm4b:s5+s17], $0x80, s22, s17, $0xb8;
	[tilespmem:$0x1E880] =	vst v63  }
0x1a: {  	_ = 	snop  }
0x1b: {  	[spmem:s2] =	stream.indirect.scatter.add.f32 [tilespmem:s14], [sflag:$0x3], $0x80, s23, s17, $0xb8;
	[tilespmem:$0x1E880] =	vst v63  }
0x1c: {  	_ =	swait.ge [sflag:s15], $0x4000  }
0x1d: {  	[sflag:s15] =	ssyncset.done $0x0  }
0x1e: {  	[sflag:s15] =	ssyncadd.s32 $0xFFFFC000  }
0x1f: {  	_ =	swait.ge [sflag:s21], $0x4000  }
0x20: {  	[sflag:s21] =	ssyncset.done $0x0  }
0x21: {  	[sflag:s21] =	ssyncadd.s32 $0xFFFFC000  }
0x22: {  	[spmem:s2] =	stream.indirect.scatter.add.f32 [tilespmem:s20], [sflag:$0x3], $0x80, s24, s17, $0xb8;
	[tilespmem:$0x1E880] =	vst v63  }
0x23: {  	_ =	swait.ge [sflag:s15], $0x4000  }
0x24: {  	[sflag:s15] =	ssyncset.done $0x0  }
0x25: {  	[sflag:s15] =	ssyncadd.s32 $0xFFFFC000  }
.LBB2_11:
0x26: {  	s4 =	sadd.s32 $0x1, s4  }
0x27: {  	s26 =	sshll.u32 s3, $0x6;
	[bflag:$0x0] =	sbarrier.arrive $0xFFFF;
	p1 =	sne.s32 s4, s13  }
.Ltmp1:
0x28: {  	s28 =	sshrl.u32 s7, $0x3;
	s26 =	sor.u32 $0x1C03, s26;
	(pc) =	sbr.rel @!p1 .LBB2_12-.Ltmp1, $4  }
0x29: {  	[hbm:s12], [sflag:s26] =	dma.local [spmem:s28], $0x2800  }
0x2a: {  	_ =	swait.ge [sflag:s15], $0x2800  }
0x2b: {  	[sflag:s15] =	ssyncset.done $0x0  }
0x2c: {  	[sflag:s15] =	ssyncadd.s32 $0xFFFFD800  }
.LBB2_1:
0x2d: {  	[tilespmem:$0x0] =	vst v0  }
0x2e: {  	[tilespmem:$0x10] =	vst v1  }
0x2f: {  	[tilespmem:$0x20] =	vst v2  }
0x30: {  	[tilespmem:$0x30] =	vst v3  }
0x31: {  	[tilespmem:$0x40] =	vst v4  }
0x32: {  	[tilespmem:$0x50] =	vst v5  }
0x33: {  	[tilespmem:$0x60] =	vst v6  }
0x34: {  	[tilespmem:$0x70] =	vst v7;
	s26 =	simm.s32 $0x0;
	s28 =	simm.s32 $0x200  }
.LBB2_2:
0x35: {  	p1 =	sne.s32 s28, $0xFE00;
	[tilespmem:s26+$0x28F0] =	vst v8  }
0x36: {  	[tilespmem:s26+$0x2880] =	vst v8  }
0x37: {  	[tilespmem:s26+$0x2890] =	vst v8  }
.Ltmp2:
0x38: {  	[tilespmem:s26+$0x28A0] =	vst v8;
	(pc) =	sbr.rel @p1 .LBB2_2-.Ltmp2, $4  }
0x39: {  	[tilespmem:s26+$0x28B0] =	vst v8  }
0x3a: {  	[tilespmem:s26+$0x28C0] =	vst v8  }
0x3b: {  	[tilespmem:s26+$0x28D0] =	vst v8  }
0x3c: {  	[tilespmem:s26+$0x28E0] =	vst v8;
	s26 =	sshra.s32 s28, $0x2;
	s28 =	sadd.s32 $0x200, s28  }
0x3d: {  	[tilespmem:s26+$0x28F0] =	vst v8  }
0x3e: {  	[tilespmem:s26+$0x2880] =	vst v8  }
0x3f: {  	[tilespmem:s26+$0x2890] =	vst v8  }
0x40: {  	[tilespmem:s26+$0x28A0] =	vst v8  }
0x41: {  	[tilespmem:s26+$0x28B0] =	vst v8  }
0x42: {  	[tilespmem:s26+$0x28C0] =	vst v8  }
0x43: {  	[tilespmem:s26+$0x28D0] =	vst v8  }
0x44: {  	[tilespmem:s26+$0x28E0] =	vst v8  }
0x45: {  	[spmem:s7] =	stream.linear.scatter [tilespmem:s14], [sflag:$0x3], $0x4000, $0x38;
	[tilespmem:$0x1E880] =	vst v63  }
0x46: {  	_ =	swait.ge [sflag:s15], $0x4000  }
0x47: {  	[sflag:s15] =	ssyncset.done $0x0  }
0x48: {  	[sflag:s15] =	ssyncadd.s32 $0xFFFFC000  }
0x49: {  	[spmem:s8] =	stream.linear.scatter [tilespmem:s14], [sflag:$0x3], $0x4000, $0x38;
	[tilespmem:$0x1E880] =	vst v63  }
0x4a: {  	_ =	swait.ge [sflag:s15], $0x4000  }
0x4b: {  	[sflag:s15] =	ssyncset.done $0x0  }
0x4c: {  	[sflag:s15] =	ssyncadd.s32 $0xFFFFC000  }
0x4d: {  	[spmem:s9] =	stream.linear.scatter [tilespmem:s14], [sflag:$0x3], $0x4000, $0x38;
	[tilespmem:$0x1E880] =	vst v63  }
0x4e: {  	_ =	swait.ge [sflag:s15], $0x4000  }
0x4f: {  	[sflag:s15] =	ssyncset.done $0x0  }
0x50: {  	[sflag:s15] =	ssyncadd.s32 $0xFFFFC000  }
0x51: {  	[spmem:s10] =	stream.linear.scatter [tilespmem:s14], [sflag:$0x3], $0x4000, $0x38;
	[tilespmem:$0x1E880] =	vst v63  }
0x52: {  	_ =	swait.ge [sflag:s15], $0x4000  }
0x53: {  	[sflag:s15] =	ssyncset.done $0x0  }
0x54: {  	[sflag:s15] =	ssyncadd.s32 $0xFFFFC000  }
0x55: {  	[spmem:s11] =	stream.linear.scatter [tilespmem:s14], [sflag:$0x3], $0x4000, $0x38;
	[tilespmem:$0x1E880] =	vst v63  }
0x56: {  	_ =	swait.ge [sflag:s15], $0x4000  }
0x57: {  	[sflag:s15] =	ssyncset.done $0x0  }
0x58: {  	s31 =	simm.s32 $0x0;
	[sflag:s15] =	ssyncadd.s32 $0xFFFFC000  }
0x59: {  	[tilespmem:s17], [sflag:$0x3] =	stream.indirect.gather [hbm4b:s1+s16], $0x80, s31, s16, $0xb8;
	[tilespmem:$0x1E880] =	vst v63  }
0x5a: {  	_ =	swait.ge [sflag:s15], $0x1400  }
0x5b: {  	[sflag:s15] =	ssyncset.done $0x0  }
0x5c: {  	[sflag:s15] =	ssyncadd.s32 $0xFFFFEC00  }
0x5d: {  	[tilespmem:s18], [sflag:$0x3] =	stream.indirect.gather [hbm4b:s6+s16], $0x80, s31, s16, $0xb8;
	[tilespmem:$0x1E880] =	vst v63  }
0x5e: {  	_ =	swait.ge [sflag:s15], $0x1400  }
0x5f: {  	[sflag:s15] =	ssyncset.done $0x0  }
0x60: {  	[sflag:s15] =	ssyncadd.s32 $0xFFFFEC00  }
0x61: {  	[bflag:$0x0] =	sbarrier.arrive $0xFFFF  }
0x62: {  	[tilespmem:s14], [sflag:$0x1] =	stream.indirect.gather [hbm4b:s5+s17], $0x80, s17, s17, $0xb8;
	[tilespmem:$0x1E880] =	vst v63  }
0x63: {  	_ =	swait.ge [sflag:s19], $0x4000  }
0x64: {  	[sflag:s19] =	ssyncset.done $0x0  }
0x65: {  	s28 =	simm.s32 $0x100;
	[sflag:s19] =	ssyncadd.s32 $0xFFFFC000  }
0x66: {  	[tilespmem:s20], [sflag:$0x2] =	stream.indirect.gather [hbm4b:s5+s17], $0x80, s28, s17, $0xb8;
	[tilespmem:$0x1E880] =	vst v63  }
0x67: {  	s29 =	simm.s32 $0x1480  }
0x68: {  	[spmem:s2] =	stream.indirect.scatter.add.f32 [tilespmem:s14], [sflag:$0x3], $0x80, s29, s17, $0xb8;
	[tilespmem:$0x1E880] =	vst v63  }
0x69: {  	_ =	swait.ge [sflag:s15], $0x4000  }
0x6a: {  	[sflag:s15] =	ssyncset.done $0x0  }
0x6b: {  	[sflag:s15] =	ssyncadd.s32 $0xFFFFC000  }
0x6c: {  	_ =	swait.ge [sflag:s21], $0x4000  }
0x6d: {  	[sflag:s21] =	ssyncset.done $0x0  }
0x6e: {  	s30 =	simm.s32 $0x180;
	[sflag:s21] =	ssyncadd.s32 $0xFFFFC000  }
0x6f: {  	[tilespmem:s14], [sflag:$0x1] =	stream.indirect.gather [hbm4b:s5+s17], $0x80, s30, s17, $0xb8;
	[tilespmem:$0x1E880] =	vst v63  }
0x70: {  	s31 =	simm.s32 $0x1500  }
0x71: {  	[spmem:s2] =	stream.indirect.scatter.add.f32 [tilespmem:s20], [sflag:$0x3], $0x80, s31, s17, $0xb8;
	[tilespmem:$0x1E880] =	vst v63  }
0x72: {  	_ =	swait.ge [sflag:s15], $0x4000  }
0x73: {  	s26 =	simm.s32 $0x400;
	[sflag:s15] =	ssyncset.done $0x0  }
.LBB2_4:
0x74: {  	p1 =	sne.s32 s26, $0x4800  }
0x75: {  	[sflag:s15] =	ssyncadd.s32 $0xFFFFC000;
	s28 =	smov.u32 s26;
	s26 =	sadd.s32 $0x400, s26  }
0x76: {  	_ = 	snop  }
0x77: {  	_ =	swait.ge [sflag:s19], $0x4000  }
0x78: {  	s28 =	sshra.s32 s28, $0x2;
	[sflag:s19] =	ssyncset.done $0x0  }
0x79: {  	s29 =	sadd.s32 $0x100, s28;
	[sflag:s19] =	ssyncadd.s32 $0xFFFFC000  }
0x7a: {  	[tilespmem:s20], [sflag:$0x2] =	stream.indirect.gather [hbm4b:s5+s17], $0x80, s29, s17, $0xb8;
	[tilespmem:$0x1E880] =	vst v63  }
0x7b: {  	s29 =	sadd.s32 $0x1480, s28  }
0x7c: {  	[spmem:s2] =	stream.indirect.scatter.add.f32 [tilespmem:s14], [sflag:$0x3], $0x80, s29, s17, $0xb8;
	[tilespmem:$0x1E880] =	vst v63  }
0x7d: {  	_ =	swait.ge [sflag:s15], $0x4000  }
0x7e: {  	[sflag:s15] =	ssyncset.done $0x0  }
0x7f: {  	[sflag:s15] =	ssyncadd.s32 $0xFFFFC000  }
0x80: {  	_ =	swait.ge [sflag:s21], $0x4000  }
0x81: {  	[sflag:s21] =	ssyncset.done $0x0  }
0x82: {  	s29 =	sadd.s32 $0x180, s28;
	[sflag:s21] =	ssyncadd.s32 $0xFFFFC000  }
0x83: {  	[tilespmem:s14], [sflag:$0x1] =	stream.indirect.gather [hbm4b:s5+s17], $0x80, s29, s17, $0xb8;
	[tilespmem:$0x1E880] =	vst v63  }
.Ltmp3:
0x84: {  	_ = 	snop;
	(pc) =	sbr.rel @p1 .LBB2_4-.Ltmp3, $4  }
0x85: {  	s28 =	sadd.s32 $0x1500, s28  }
0x86: {  	[spmem:s2] =	stream.indirect.scatter.add.f32 [tilespmem:s20], [sflag:$0x3], $0x80, s28, s17, $0xb8;
	[tilespmem:$0x1E880] =	vst v63  }
0x87: {  	_ =	swait.ge [sflag:s15], $0x4000  }
0x88: {  	[sflag:s15] =	ssyncset.done $0x0  }
0x89: {  	[sflag:s15] =	ssyncadd.s32 $0xFFFFC000  }
0x8a: {  	_ =	swait.ge [sflag:s19], $0x4000  }
0x8b: {  	[sflag:s19] =	ssyncset.done $0x0  }
0x8c: {  	[sflag:s19] =	ssyncadd.s32 $0xFFFFC000  }
0x8d: {  	[tilespmem:s20], [sflag:$0x2] =	stream.indirect.gather [hbm4b:s5+s17], $0x80, s22, s17, $0xb8;
	[tilespmem:$0x1E880] =	vst v63  }
0x8e: {  	_ = 	snop  }
0x8f: {  	[spmem:s2] =	stream.indirect.scatter.add.f32 [tilespmem:s14], [sflag:$0x3], $0x80, s23, s17, $0xb8;
	[tilespmem:$0x1E880] =	vst v63  }
0x90: {  	_ =	swait.ge [sflag:s15], $0x4000  }
0x91: {  	[sflag:s15] =	ssyncset.done $0x0  }
0x92: {  	[sflag:s15] =	ssyncadd.s32 $0xFFFFC000  }
0x93: {  	_ =	swait.ge [sflag:s21], $0x4000  }
0x94: {  	[sflag:s21] =	ssyncset.done $0x0  }
.Ltmp4:
0x95: {  	[sflag:s21] =	ssyncadd.s32 $0xFFFFC000;
	(pc) =	sbr.rel @p0 .LBB2_11-.Ltmp4, $4  }
0x96: {  	[spmem:s2] =	stream.indirect.scatter.add.f32 [tilespmem:s20], [sflag:$0x3], $0x80, s24, s17, $0xb8;
	[tilespmem:$0x1E880] =	vst v63  }
0x97: {  	_ =	swait.ge [sflag:s15], $0x4000  }
0x98: {  	[sflag:s15] =	ssyncset.done $0x0  }
0x99: {  	[sflag:s15] =	ssyncadd.s32 $0xFFFFC000  }
0x9a: {  	[tilespmem:s17], [sflag:$0x3] =	stream.indirect.gather [hbm4b:s1+s16], $0x80, s16, s16, $0xb8;
	[tilespmem:$0x1E880] =	vst v63  }
0x9b: {  	_ =	swait.ge [sflag:s15], $0x1400  }
0x9c: {  	[sflag:s15] =	ssyncset.done $0x0  }
0x9d: {  	[sflag:s15] =	ssyncadd.s32 $0xFFFFEC00  }
0x9e: {  	[tilespmem:s18], [sflag:$0x3] =	stream.indirect.gather [hbm4b:s6+s16], $0x80, s16, s16, $0xb8;
	[tilespmem:$0x1E880] =	vst v63  }
0x9f: {  	_ =	swait.ge [sflag:s15], $0x1400  }
0xa0: {  	[sflag:s15] =	ssyncset.done $0x0  }
0xa1: {  	[sflag:s15] =	ssyncadd.s32 $0xFFFFEC00  }
0xa2: {  	[tilespmem:s14], [sflag:$0x1] =	stream.indirect.gather [hbm4b:s5+s17], $0x80, s17, s17, $0xb8;
	[tilespmem:$0x1E880] =	vst v63  }
0xa3: {  	_ =	swait.ge [sflag:s19], $0x4000  }
0xa4: {  	[sflag:s19] =	ssyncset.done $0x0  }
0xa5: {  	s26 =	simm.s32 $0x100;
	[sflag:s19] =	ssyncadd.s32 $0xFFFFC000  }
0xa6: {  	[tilespmem:s20], [sflag:$0x2] =	stream.indirect.gather [hbm4b:s5+s17], $0x80, s26, s17, $0xb8;
	[tilespmem:$0x1E880] =	vst v63  }
0xa7: {  	s29 =	simm.s32 $0x1480  }
0xa8: {  	[spmem:s2] =	stream.indirect.scatter.add.f32 [tilespmem:s14], [sflag:$0x3], $0x80, s29, s17, $0xb8;
	[tilespmem:$0x1E880] =	vst v63  }
0xa9: {  	_ =	swait.ge [sflag:s15], $0x4000  }
0xaa: {  	[sflag:s15] =	ssyncset.done $0x0  }
0xab: {  	[sflag:s15] =	ssyncadd.s32 $0xFFFFC000  }
0xac: {  	_ =	swait.ge [sflag:s21], $0x4000  }
0xad: {  	[sflag:s21] =	ssyncset.done $0x0  }
0xae: {  	s30 =	simm.s32 $0x180;
	[sflag:s21] =	ssyncadd.s32 $0xFFFFC000  }
0xaf: {  	[tilespmem:s14], [sflag:$0x1] =	stream.indirect.gather [hbm4b:s5+s17], $0x80, s30, s17, $0xb8;
	[tilespmem:$0x1E880] =	vst v63  }
0xb0: {  	s31 =	simm.s32 $0x1500  }
0xb1: {  	[spmem:s2] =	stream.indirect.scatter.add.f32 [tilespmem:s20], [sflag:$0x3], $0x80, s31, s17, $0xb8;
	[tilespmem:$0x1E880] =	vst v63  }
0xb2: {  	_ =	swait.ge [sflag:s15], $0x4000  }
0xb3: {  	s26 =	simm.s32 $0x400;
	[sflag:s15] =	ssyncset.done $0x0  }
.LBB2_7:
0xb4: {  	p1 =	sne.s32 s26, $0x4800  }
0xb5: {  	[sflag:s15] =	ssyncadd.s32 $0xFFFFC000;
	s28 =	smov.u32 s26;
	s26 =	sadd.s32 $0x400, s26  }
0xb6: {  	_ = 	snop  }
0xb7: {  	_ =	swait.ge [sflag:s19], $0x4000  }
0xb8: {  	s28 =	sshra.s32 s28, $0x2;
	[sflag:s19] =	ssyncset.done $0x0  }
0xb9: {  	s29 =	sadd.s32 $0x100, s28;
	[sflag:s19] =	ssyncadd.s32 $0xFFFFC000  }
0xba: {  	[tilespmem:s20], [sflag:$0x2] =	stream.indirect.gather [hbm4b:s5+s17], $0x80, s29, s17, $0xb8;
	[tilespmem:$0x1E880] =	vst v63  }
0xbb: {  	s29 =	sadd.s32 $0x1480, s28  }
0xbc: {  	[spmem:s2] =	stream.indirect.scatter.add.f32 [tilespmem:s14], [sflag:$0x3], $0x80, s29, s17, $0xb8;
	[tilespmem:$0x1E880] =	vst v63  }
0xbd: {  	_ =	swait.ge [sflag:s15], $0x4000  }
0xbe: {  	[sflag:s15] =	ssyncset.done $0x0  }
0xbf: {  	[sflag:s15] =	ssyncadd.s32 $0xFFFFC000  }
0xc0: {  	_ =	swait.ge [sflag:s21], $0x4000  }
0xc1: {  	[sflag:s21] =	ssyncset.done $0x0  }
0xc2: {  	s29 =	sadd.s32 $0x180, s28;
	[sflag:s21] =	ssyncadd.s32 $0xFFFFC000  }
0xc3: {  	[tilespmem:s14], [sflag:$0x1] =	stream.indirect.gather [hbm4b:s5+s17], $0x80, s29, s17, $0xb8;
	[tilespmem:$0x1E880] =	vst v63  }
.Ltmp5:
0xc4: {  	_ = 	snop;
	(pc) =	sbr.rel @p1 .LBB2_7-.Ltmp5, $4  }
0xc5: {  	s28 =	sadd.s32 $0x1500, s28  }
0xc6: {  	[spmem:s2] =	stream.indirect.scatter.add.f32 [tilespmem:s20], [sflag:$0x3], $0x80, s28, s17, $0xb8;
	[tilespmem:$0x1E880] =	vst v63  }
0xc7: {  	_ =	swait.ge [sflag:s15], $0x4000  }
0xc8: {  	[sflag:s15] =	ssyncset.done $0x0  }
0xc9: {  	[sflag:s15] =	ssyncadd.s32 $0xFFFFC000  }
0xca: {  	_ =	swait.ge [sflag:s19], $0x4000  }
0xcb: {  	[sflag:s19] =	ssyncset.done $0x0  }
0xcc: {  	[sflag:s19] =	ssyncadd.s32 $0xFFFFC000  }
0xcd: {  	[tilespmem:s20], [sflag:$0x2] =	stream.indirect.gather [hbm4b:s5+s17], $0x80, s22, s17, $0xb8;
	[tilespmem:$0x1E880] =	vst v63  }
0xce: {  	_ = 	snop  }
0xcf: {  	[spmem:s2] =	stream.indirect.scatter.add.f32 [tilespmem:s14], [sflag:$0x3], $0x80, s23, s17, $0xb8;
	[tilespmem:$0x1E880] =	vst v63  }
0xd0: {  	_ =	swait.ge [sflag:s15], $0x4000  }
0xd1: {  	[sflag:s15] =	ssyncset.done $0x0  }
0xd2: {  	[sflag:s15] =	ssyncadd.s32 $0xFFFFC000  }
0xd3: {  	_ =	swait.ge [sflag:s21], $0x4000  }
0xd4: {  	[sflag:s21] =	ssyncset.done $0x0  }
0xd5: {  	[sflag:s21] =	ssyncadd.s32 $0xFFFFC000  }
0xd6: {  	[spmem:s2] =	stream.indirect.scatter.add.f32 [tilespmem:s20], [sflag:$0x3], $0x80, s24, s17, $0xb8;
	[tilespmem:$0x1E880] =	vst v63  }
0xd7: {  	_ =	swait.ge [sflag:s15], $0x4000  }
0xd8: {  	[sflag:s15] =	ssyncset.done $0x0  }
0xd9: {  	[sflag:s15] =	ssyncadd.s32 $0xFFFFC000  }
0xda: {  	[tilespmem:s17], [sflag:$0x3] =	stream.indirect.gather [hbm4b:s1+s16], $0x80, s25, s16, $0xb8;
	[tilespmem:$0x1E880] =	vst v63  }
0xdb: {  	_ =	swait.ge [sflag:s15], $0x1400  }
0xdc: {  	[sflag:s15] =	ssyncset.done $0x0  }
0xdd: {  	[sflag:s15] =	ssyncadd.s32 $0xFFFFEC00  }
0xde: {  	[tilespmem:s18], [sflag:$0x3] =	stream.indirect.gather [hbm4b:s6+s16], $0x80, s25, s16, $0xb8;
	[tilespmem:$0x1E880] =	vst v63  }
0xdf: {  	_ =	swait.ge [sflag:s15], $0x1400  }
0xe0: {  	[sflag:s15] =	ssyncset.done $0x0  }
0xe1: {  	[sflag:s15] =	ssyncadd.s32 $0xFFFFEC00  }
0xe2: {  	[tilespmem:s14], [sflag:$0x1] =	stream.indirect.gather [hbm4b:s5+s17], $0x80, s17, s17, $0xb8;
	[tilespmem:$0x1E880] =	vst v63  }
0xe3: {  	_ =	swait.ge [sflag:s19], $0x4000  }
0xe4: {  	[sflag:s19] =	ssyncset.done $0x0  }
0xe5: {  	s26 =	simm.s32 $0x100;
	[sflag:s19] =	ssyncadd.s32 $0xFFFFC000  }
0xe6: {  	[tilespmem:s20], [sflag:$0x2] =	stream.indirect.gather [hbm4b:s5+s17], $0x80, s26, s17, $0xb8;
	[tilespmem:$0x1E880] =	vst v63  }
0xe7: {  	s29 =	simm.s32 $0x1480  }
0xe8: {  	[spmem:s2] =	stream.indirect.scatter.add.f32 [tilespmem:s14], [sflag:$0x3], $0x80, s29, s17, $0xb8;
	[tilespmem:$0x1E880] =	vst v63  }
0xe9: {  	_ =	swait.ge [sflag:s15], $0x4000  }
0xea: {  	[sflag:s15] =	ssyncset.done $0x0  }
0xeb: {  	[sflag:s15] =	ssyncadd.s32 $0xFFFFC000  }
0xec: {  	_ =	swait.ge [sflag:s21], $0x4000  }
0xed: {  	[sflag:s21] =	ssyncset.done $0x0  }
0xee: {  	s30 =	simm.s32 $0x180;
	[sflag:s21] =	ssyncadd.s32 $0xFFFFC000  }
0xef: {  	[tilespmem:s14], [sflag:$0x1] =	stream.indirect.gather [hbm4b:s5+s17], $0x80, s30, s17, $0xb8;
	[tilespmem:$0x1E880] =	vst v63  }
0xf0: {  	s31 =	simm.s32 $0x1500  }
0xf1: {  	[spmem:s2] =	stream.indirect.scatter.add.f32 [tilespmem:s20], [sflag:$0x3], $0x80, s31, s17, $0xb8;
	[tilespmem:$0x1E880] =	vst v63  }
0xf2: {  	_ =	swait.ge [sflag:s15], $0x4000  }
0xf3: {  	s26 =	simm.s32 $0x400;
	[sflag:s15] =	ssyncset.done $0x0  }
.LBB2_9:
0xf4: {  	p1 =	sne.s32 s26, $0x4800  }
0xf5: {  	[sflag:s15] =	ssyncadd.s32 $0xFFFFC000;
	s28 =	smov.u32 s26;
	s26 =	sadd.s32 $0x400, s26  }
0xf6: {  	_ = 	snop  }
0xf7: {  	_ =	swait.ge [sflag:s19], $0x4000  }
0xf8: {  	s28 =	sshra.s32 s28, $0x2;
	[sflag:s19] =	ssyncset.done $0x0  }
0xf9: {  	s29 =	sadd.s32 $0x100, s28;
	[sflag:s19] =	ssyncadd.s32 $0xFFFFC000  }
0xfa: {  	[tilespmem:s20], [sflag:$0x2] =	stream.indirect.gather [hbm4b:s5+s17], $0x80, s29, s17, $0xb8;
	[tilespmem:$0x1E880] =	vst v63  }
0xfb: {  	s29 =	sadd.s32 $0x1480, s28  }
0xfc: {  	[spmem:s2] =	stream.indirect.scatter.add.f32 [tilespmem:s14], [sflag:$0x3], $0x80, s29, s17, $0xb8;
	[tilespmem:$0x1E880] =	vst v63  }
0xfd: {  	_ =	swait.ge [sflag:s15], $0x4000  }
0xfe: {  	[sflag:s15] =	ssyncset.done $0x0  }
0xff: {  	[sflag:s15] =	ssyncadd.s32 $0xFFFFC000  }
0x100: {  	_ =	swait.ge [sflag:s21], $0x4000  }
0x101: {  	[sflag:s21] =	ssyncset.done $0x0  }
0x102: {  	s29 =	sadd.s32 $0x180, s28;
	[sflag:s21] =	ssyncadd.s32 $0xFFFFC000  }
0x103: {  	[tilespmem:s14], [sflag:$0x1] =	stream.indirect.gather [hbm4b:s5+s17], $0x80, s29, s17, $0xb8;
	[tilespmem:$0x1E880] =	vst v63  }
.Ltmp6:
0x104: {  	_ = 	snop;
	(pc) =	sbr.rel @p1 .LBB2_9-.Ltmp6, $4  }
0x105: {  	s28 =	sadd.s32 $0x1500, s28  }
0x106: {  	[spmem:s2] =	stream.indirect.scatter.add.f32 [tilespmem:s20], [sflag:$0x3], $0x80, s28, s17, $0xb8;
	[tilespmem:$0x1E880] =	vst v63  }
0x107: {  	_ =	swait.ge [sflag:s15], $0x4000  }
0x108: {  	[sflag:s15] =	ssyncset.done $0x0  }
.Ltmp7:
0x109: {  	_ = 	snop;
	(pc) =	sbr.rel .LBB2_10-.Ltmp7, $1  }
0x10a: {  	_ =	sdelay $0x3  }
.LBB2_12:
0x10b: {  	_ =	sfence.sel $0x180000  }
0x10c: {  	[bflag:$0x0] =	sbarrier.arrive $0xFFFF  }
0x10d: {  	p0 =	sne.s32 s3, $0x0;
	_ =	strace $0x9000004D  }
0x10e: {  	s0 =	sadd.s32 @!p0 $0x100000, s0;
	[bflag:$0x2] =	sbarrier.arrive $0xFFFF  }
0x10f: {  	[sflag:s0] =	ssyncadd.tile.s32 @!p0 $0x1;
	_ =	shalt  }
.Lfunc_end2:
_tile_overlayer_lowered:
.L_overlay_start_2:
0x110: {  	(tag) =	ssettag $0x2  }
0x111: {  	s0 =	rddreg [dreg:$0x0];
	s2 =	stileid.u32  }
0x112: {  	s1 =	rddreg [dreg:$0x1];
	p0 =	sne.s32 s2, $0x0  }
0x113: {  	s3 =	rddreg [dreg:$0x2];
	[bflag:$0x3] =	sbarrier.arrive $0xFFFF;
	s2 =	simm.s32 @!p0 $0x1C03  }
0x114: {  	[timem:s3], [sflag:s2] =	dma.local @!p0 [hbm:s0], s1  }
0x115: {  	s0 =	simm.s32 @!p0 $0x3  }
0x116: {  	_ =	swait.ge @!p0 [sflag:s0], s1  }
0x117: {  	s1 =	ssub.s32 @!p0 $0x0, s1;
	[sflag:s0] =	ssyncset.done @!p0 $0x0  }
0x118: {  	[sflag:s0] =	ssyncadd.s32 @!p0 s1  }
0x119: {  	[bflag:$0x3] =	sbarrier.arrive $0xFFFF  }
0x11a: {  	_ =	shalt  }

// kernel: kernel.8.cloned.1.call-start
scs
__scs_entry_jumppad:
0x0: {  	(pc) =	sbr.rel $0x88, $3  }
0x1: {  	(tag) =	ssettag $0x0;
	lr =	simm.s32 $0x1  }
0x2: {  	[smem:$0x3F97] =	sst lr;
	_ =	strace $0xD0000000  }
0x3: {  	_ = 	snop  }
0x4: {  	_ = 	snop  }
0x5: {  	_ = 	snop  }
0x6: {  	_ = 	snop  }
0x7: {  	_ = 	snop  }
__scs_overlays_trampoline_lowered:
0x8: {  	[smem:$0x3FA6] =	sst s0  }
0x9: {  	[smem:$0x3FA7] =	sst s1  }
0xa: {  	[smem:$0x3FA8] =	sst s2  }
0xb: {  	[smem:$0x3FA9] =	sst s3  }
0xc: {  	[smem:$0x3FAA] =	sst s4  }
0xd: {  	[smem:$0x3FAB] =	sst s5  }
0xe: {  	[smem:$0x3FAC] =	sst s6  }
0xf: {  	[smem:$0x3FAD] =	sst s7  }
0x10: {  	[smem:$0x3FAE] =	sst s8  }
0x11: {  	[smem:$0x3FAF] =	sst s9;
	s0 =	simm.s32 @!p0 $0x0  }
0x12: {  	s1 =	sld [smem:$0x3F95];
	s0 =	simm.s32 @p0 $0x1  }
0x13: {  	[smem:$0x3FB0] =	sst s0;
	s0 =	simm.s32 @!p1 $0x0  }
0x14: {  	s2 =	sld [smem:$0x3F94];
	s0 =	simm.s32 @p1 $0x1  }
0x15: {  	[smem:$0x3FB1] =	sst s0;
	s0 =	simm.s32 @!p2 $0x0  }
0x16: {  	s3 =	sld [smem:$0x3FDB];
	s0 =	simm.s32 @p2 $0x1  }
0x17: {  	s4 =	simm.s32 $0x1BF5;
	[smem:$0x3FB3] =	sst s0  }
0x18: {  	s0 =	sld [smem:$0x3F96];
	_ =	swait.ge [sflag:s4], $0x0  }
0x19: {  	s7 =	sld [smem:$0x3F97]  }
0x1a: {  	s8 =	sadd.s32 $0xFFFFE003, lr  }
0x1b: {  	s9 =	sadd.s32 $0xFFFFFEF7, lr;
	s5 =	simm.s32 $0xFFFFFFFF;
	p2 =	slt.u32 s8, $0xFFFFF086  }
0x1c: {  	p1 =	slt.u32 s9, $0xF7A;
	s5 =	simm.s32 @!p2 $0x0  }
0x1d: {  	s5 =	simm.s32 @p1 $0x1;
	p0 =	seq.s32 s7, s2  }
0x1e: {  	s7 =	smul.u32 @!p0 $0xF7A, s2;
	p2 =	seq.s32 @!p0 s5, $0x0  }
0x1f: {  	s9 =	smul.u32 $0xF7A, s1;
	s8 =	simm.s32 @!p0 $0x1BF5;
	p2 =	por !p2, p0  }
0x20: {  	[sflag:s8] =	ssyncset.s32 @!p0 $0xFFFFF086;
	s6 =	sadd.s32 @!p0 s3, s7;
	s7 =	simm.s32 @!p0 $0x108  }
0x21: {  	s3 =	sadd.s32 s3, s9;
	s6 =	sadd.s32 @!p0 $0x88, s6;
	s7 =	simm.s32 @p2 $0x1082  }
0x22: {  	[simem:s7], [sflag:s8] =	dma.local @!p0 [hbm:s6], $0xF7A  }
0x23: {  	s9 =	sor.u32 $0xD0000000, s2;
	s6 =	simm.s32 $0x108;
	_ =	swait.ge @!p0 [sflag:s8], $0x0  }
0x24: {  	s3 =	sadd.s32 $0x88, s3;
	s6 =	simm.s32 @!p1 $0x1082;
	[sflag:s4] =	ssyncset.s32 $0xFFFFF086  }
0x25: {  	[simem:s6], [sflag:s4] =	dma.local [hbm:s3], $0xF7A  }
0x26: {  	[smem:$0x3F97] =	sst s1;
	(tag) =	ssettag s2;
	_ =	strace s9  }
0x27: {  	s1 =	sld [smem:$0x3FA7]  }
0x28: {  	s2 =	sld [smem:$0x3FA8]  }
0x29: {  	s4 =	sld [smem:$0x3FAA]  }
0x2a: {  	p0 =	seq.s32 s5, $0x0;
	s5 =	sld [smem:$0x3FAB]  }
0x2b: {  	s6 =	sld [smem:$0x3FAC]  }
0x2c: {  	s7 =	sld [smem:$0x3FAD]  }
0x2d: {  	s3 =	simm.s32 $0x108;
	s8 =	sld [smem:$0x3FAE]  }
0x2e: {  	s3 =	simm.s32 @!p0 $0x1082;
	s9 =	sld [smem:$0x3FAF]  }
0x2f: {  	lr =	sadd.s32 s0, s3;
	s0 =	sld [smem:$0x3FA6]  }
0x30: {  	s3 =	sld [smem:$0x3FA9]  }
0x31: {  	[smem:$0x3FB2] =	sst s10  }
0x32: {  	s10 =	sld [smem:$0x3FB0];
	_ =	sdelay $0x3  }
0x33: {  	p0 =	seq.s32 s10, $0x1;
	s10 =	sld [smem:$0x3FB2];
	_ =	sdelay $0x3  }
0x34: {  	[smem:$0x3FB2] =	sst s10  }
0x35: {  	s10 =	sld [smem:$0x3FB1];
	_ =	sdelay $0x3  }
0x36: {  	p1 =	seq.s32 s10, $0x1;
	s10 =	sld [smem:$0x3FB2];
	_ =	sdelay $0x3  }
0x37: {  	[smem:$0x3FB2] =	sst s10  }
0x38: {  	s10 =	sld [smem:$0x3FB3]  }
0x39: {  	_ = 	snop;
	(pc) =	sbr.ind lr, $3  }
0x3a: {  	_ = 	snop  }
0x3b: {  	_ = 	snop  }
0x3c: {  	p2 =	seq.s32 s10, $0x1;
	s10 =	sld [smem:$0x3FB2]  }
0x3d: {  	_ =	shalt  }
0x3e: {  	_ =	shalt  }
0x3f: {  	_ =	shalt  }
0x40: {  	_ =	shalt  }
0x41: {  	_ =	shalt  }
0x42: {  	_ =	shalt  }
0x43: {  	_ =	shalt  }
0x44: {  	_ =	shalt  }
0x45: {  	_ =	shalt  }
0x46: {  	_ =	shalt  }
0x47: {  	_ =	shalt  }
0x48: {  	_ =	shalt  }
0x49: {  	_ =	shalt  }
0x4a: {  	_ =	shalt  }
0x4b: {  	_ =	shalt  }
0x4c: {  	_ =	shalt  }
0x4d: {  	_ =	shalt  }
0x4e: {  	_ =	shalt  }
0x4f: {  	_ =	shalt  }
0x50: {  	_ =	shalt  }
0x51: {  	_ =	shalt  }
0x52: {  	_ =	shalt  }
0x53: {  	_ =	shalt  }
0x54: {  	_ =	shalt  }
0x55: {  	_ =	shalt  }
0x56: {  	_ =	shalt  }
0x57: {  	_ =	shalt  }
0x58: {  	_ =	shalt  }
0x59: {  	_ =	shalt  }
0x5a: {  	_ =	shalt  }
0x5b: {  	_ =	shalt  }
0x5c: {  	_ =	shalt  }
0x5d: {  	_ =	shalt  }
0x5e: {  	_ =	shalt  }
0x5f: {  	_ =	shalt  }
0x60: {  	_ =	shalt  }
0x61: {  	_ =	shalt  }
0x62: {  	_ =	shalt  }
0x63: {  	_ =	shalt  }
0x64: {  	_ =	shalt  }
0x65: {  	_ =	shalt  }
0x66: {  	_ =	shalt  }
0x67: {  	_ =	shalt  }
0x68: {  	_ =	shalt  }
0x69: {  	_ =	shalt  }
0x6a: {  	_ =	shalt  }
0x6b: {  	_ =	shalt  }
0x6c: {  	_ =	shalt  }
0x6d: {  	_ =	shalt  }
0x6e: {  	_ =	shalt  }
0x6f: {  	_ =	shalt  }
0x70: {  	_ =	shalt  }
0x71: {  	_ =	shalt  }
0x72: {  	_ =	shalt  }
0x73: {  	_ =	shalt  }
0x74: {  	_ =	shalt  }
0x75: {  	_ =	shalt  }
0x76: {  	_ =	shalt  }
0x77: {  	_ =	shalt  }
0x78: {  	_ =	shalt  }
0x79: {  	_ =	shalt  }
0x7a: {  	_ =	shalt  }
0x7b: {  	_ =	shalt  }
0x7c: {  	_ =	shalt  }
0x7d: {  	_ =	shalt  }
0x7e: {  	_ =	shalt  }
0x7f: {  	_ =	shalt  }
0x80: {  	_ =	shalt  }
0x81: {  	_ =	shalt  }
0x82: {  	_ =	shalt  }
0x83: {  	_ =	shalt  }
0x84: {  	_ =	shalt  }
0x85: {  	_ =	shalt  }
0x86: {  	_ =	shalt  }
0x87: {  	_ =	shalt  }
.Lfunc_end0:
.L_simem_size_0:
called_computation_lowered:
.L_overlay_start_0:
0x88: {  	s2 =	sld [smem:$0x3FD9]  }
0x89: {  	s3 =	sld [smem:$0x3FFE];
	_ =	sdelay $0x1  }
0x8a: {  	s1 =	srdreg.scid  }
0x8b: {  	s0 =	sand.u32 $0x1, s1  }
0x8c: {  	s16 =	sshll.u32 s0, $0xA;
	s2 =	sadd.s32 s3, s2  }
0x8d: {  	s2 =	sadd.s32 s2, s16  }
0x8e: {  	[smem:$0x3FBE] =	sst s2  }
0x8f: {  	_ = 	snop  }
0x90: {  	(tm) =	ssettm $0x1  }
0x91: {  	s17 =	sld [smem:$0x3FFB];
	_ =	sdelay $0x3  }
0x92: {  	_ =	strace s17  }
0x93: {  	s2 =	sld [smem:$0x3FFC];
	_ =	sdelay $0x3  }
0x94: {  	_ =	strace s2  }
0x95: {  	s2 =	sld [smem:$0x3FFD];
	_ =	sdelay $0x3  }
0x96: {  	_ =	strace s2  }
0x97: {  	_ =	strace $0x8FFFFFFF  }
0x98: {  	s18 =	sld [smem:$0x3FDB];
	_ =	sdelay $0x1  }
0x99: {  	s19 =	simm.s32 $_scs_section_size  }
0x9a: {  	s4 =	simm.s32 $_size__tile_overlayer_lowered;
	s5 =	simm.s32 $_tile_overlayer_lowered  }
0x9b: {  	s22 =	simm.s32 $0x1BFF;
	s21 =	sshll.u32 s5, $0x1;
	s2 =	sadd.s32 s19, s18  }
0x9c: {  	s6 =	simm.s32 $0x0;
	s20 =	sshll.u32 s4, $0x1;
	s4 =	sadd.s32 s21, s2  }
0x9d: {  	[timem:s6], [sflag:s22] =	dma.local [hbm:s4], s20  }
0x9e: {  	_ =	swait.ge [sflag:s22], s20  }
0x9f: {  	s3 =	ssub.s32 $0x0, s20;
	[sflag:s22] =	ssyncset.done $0x0  }
0xa0: {  	[sflag:s22] =	ssyncadd.s32 s3;
	_ =	sdelay $0x1  }
0xa1: {  	s23 =	simm.s32 $0x1B8B  }
0xa2: {  	_ =	swait.ge [sflag:s23], $0x1  }
0xa3: {  	[sflag:s23] =	ssyncset.done $0x0  }
0xa4: {  	s25 =	simm.s32 $0x1B8E;
	s24 =	sld [smem:$0x3FFE];
	[sflag:s23] =	ssyncadd.s32 $0xFFFFFFFF  }
0xa5: {  	s26 =	simm.s32 $execute0_lowered;
	[smem:$0x3FD2] =	sst s25  }
0xa6: {  	s4 =	sshll.u32 s26, $0x1;
	_ =	strace $0x80000046;
	[dreg:$0x1] =	wrdreg $0xFFFFFFFF  }
0xa7: {  	s28 =	simm.s32 $_size_execute0_lowered;
	s2 =	sadd.s32 s2, s4;
	[dreg:$0x0] =	wrdreg $0x0  }
0xa8: {  	s4 =	sshll.u32 s28, $0x1;
	[dreg:$0x2] =	wrdreg s2  }
0xa9: {  	[dreg:$0x3] =	wrdreg s4  }
0xaa: {  	[dreg:$0x4] =	wrdreg $0xC0  }
0xab: {  	_ =	task [dreg:s6], $0x5FFFF  }
0xac: {  	[dreg:$0x1] =	wrdreg $0xFFFFFFFF  }
0xad: {  	[dreg:$0x0] =	wrdreg $0x60  }
0xae: {  	[dreg:$0x2] =	wrdreg s24  }
0xaf: {  	[dreg:$0x3] =	wrdreg $0x68800  }
0xb0: {  	[dreg:$0x4] =	wrdreg $0x9  }
0xb1: {  	_ =	task.clear_ibuf [dreg:s6], $0x5FFFF;
	_ =	strace $0x90000046  }
0xb2: {  	s29 =	simm.s32 $0x9;
	_ =	strace $0x80000048  }
0xb3: {  	_ =	swait.ge [sflag:s29], $0x1  }
0xb4: {  	[sflag:s29] =	ssyncadd.s32 $0xFFFFFFFF  }
0xb5: {  	_ =	strace $0x90000048  }
0xb6: {  	_ =	sfence  }
0xb7: {  	s30 =	sld [smem:$0x0];
	_ =	sdelay $0x2  }
0xb8: {  	s31 =	sshll.u32 s1, $0xD;
	s1 =	sshrl.u32 s1, $0x2  }
0xb9: {  	s3 =	sand.u32 $0x4000, s31;
	s1 =	sadd.s32 s1, s30  }
0xba: {  	s0 =	sor.u32 s3, s0;
	s1 =	sshll.u32 s1, $0x11  }
0xbb: {  	s0 =	sor.u32 s1, s0  }
0xbc: {  	s0 =	sadd.s32 $0x8F2B, s0  }
0xbd: {  	[sflag:s0] =	ssyncadd.remote.s32 $0x1  }
0xbe: {  	_ =	sfence.sel $0xFFFF  }
0xbf: {  	[dreg:$0x0] =	wrdreg $0xFFFFFFFF;
	(pc) =	sbr.abs _section_cstart, $3  }
0xc0: {  	[dreg:$0x1] =	wrdreg $0xFFFFFFFF  }
0xc1: {  	_ =	task.clear_ibuf [dreg:s6], $0x2FFFF;
	_ =	strace $0x9FFFFFFF  }
0xc2: {  	(tm) =	ssettm $0x7FFFFFFF  }
0xc3: {  	_ =	shalt  }
tec
execute0_lowered:
.L_overlay_start_1:
0x0: {  	(tag) =	ssettag $0x1  }
0x1: {  	s5 =	rddreg [dreg:$0x0]  }
0x2: {  	s0 =	srdreg.scid;
	s2 =	rddreg [dreg:$0x1]  }
0x3: {  	s3 =	simm.s32 $0x0;
	s6 =	sand.u32 $0x1, s0;
	s0 =	stileid.u32  }
0x4: {  	[smem:$0x7FF] =	sst s3;
	s4 =	smul.u32 $0x140000, s6  }
0x5: {  	s1 =	rddreg [dreg:$0x2];
	s7 =	smul.u32 $0x14000, s0;
	_ =	strace $0x80000047  }
0x6: {  	s8 =	smul.u32 $0x50000, s0;
	s30 =	ssub.s32 $0x2, s6;
	s6 =	sshll.u32 s6, $0x4  }
0x7: {  	s17 =	sshll.u32 s0, $0x6;
	s31 =	sshrl.u32 s30, $0x1;
	s6 =	sor.u32 s0, s6  }
0x8: {  	s4 =	sadd.s32 s7, s4;
	s8 =	sshrl.u32 s8, $0x2;
	s11 =	ssub.s32 s30, s31  }
0x9: {  	s12 =	smul.u32 $0x50, s6;
	s7 =	sshrl.u32 s4, $0x3;
	s4 =	sadd.s32 $0x3000, s5  }
0xa: {  	s11 =	smax.u32 s11, $0x1;
	s10 =	sadd.s32 s7, s5;
	s5 =	sadd.s32 s8, s2  }
0xb: {  	v4 =	vlaneseq.u32;
	s13 =	sadd.s32 $0x10, s12;
	s14 =	sadd.s32 $0x20, s12;
	s15 =	sadd.s32 $0x30, s12  }
0xc: {  	v0 =	vor.u32 s12, v4;
	s16 =	sadd.s32 $0x40, s12;
	s12 =	simm.s32 $0x2880;
	s6 =	sadd.s32 $0x4000, s5  }
0xd: {  	s7 =	sadd.s32 $0x8000, s5;
	s8 =	sadd.s32 $0xC000, s5;
	s9 =	sadd.s32 $0x10000, s5  }
0xe: {  	v5 =	vimm.f32 $0.0e+00;
	s10 =	sadd.s32 $0xD000, s10;
	v1 =	vor.u32 s13, v4;
	v2 =	vor.u32 s14, v4;
	s13 =	simm.s32 $0x1;
	s14 =	simm.s32 $0x50  }
0xf: {  	v6 =	vimm.f32 $1.000000000e+00;
	v3 =	vor.u32 s15, v4;
	v4 =	vor.u32 s16, v4;
	s15 =	simm.s32 $0x80;
	s16 =	sor.u32 $0x1C01, s17;
	s17 =	sshrl.u32 s5, $0x3  }
.LBB2_1:
0x10: {  	[tilespmem:$0x0] =	vst v0  }
0x11: {  	[tilespmem:$0x10] =	vst v1  }
0x12: {  	[tilespmem:$0x20] =	vst v2  }
0x13: {  	[tilespmem:$0x30] =	vst v3  }
0x14: {  	[tilespmem:$0x40] =	vst v4;
	s18 =	simm.s32 $0x0;
	s19 =	simm.s32 $0x200  }
.LBB2_2:
0x15: {  	p0 =	sne.s32 s19, $0xFE00;
	[tilespmem:s18+$0x28F0] =	vst v5  }
0x16: {  	[tilespmem:s18+$0x2880] =	vst v5  }
0x17: {  	[tilespmem:s18+$0x2890] =	vst v5  }
.Ltmp0:
0x18: {  	[tilespmem:s18+$0x28A0] =	vst v5;
	(pc) =	sbr.rel @p0 .LBB2_2-.Ltmp0, $4  }
0x19: {  	[tilespmem:s18+$0x28B0] =	vst v5  }
0x1a: {  	[tilespmem:s18+$0x28C0] =	vst v5  }
0x1b: {  	[tilespmem:s18+$0x28D0] =	vst v5  }
0x1c: {  	[tilespmem:s18+$0x28E0] =	vst v5;
	s18 =	sshra.s32 s19, $0x2;
	s19 =	sadd.s32 $0x200, s19  }
0x1d: {  	[tilespmem:s18+$0x28F0] =	vst v5  }
0x1e: {  	[tilespmem:s18+$0x2880] =	vst v5  }
0x1f: {  	[tilespmem:s18+$0x2890] =	vst v5  }
0x20: {  	[tilespmem:s18+$0x28A0] =	vst v5  }
0x21: {  	[tilespmem:s18+$0x28B0] =	vst v5  }
0x22: {  	[tilespmem:s18+$0x28C0] =	vst v5  }
0x23: {  	[tilespmem:s18+$0x28D0] =	vst v5  }
0x24: {  	[tilespmem:s18+$0x28E0] =	vst v5  }
0x25: {  	[spmem:s5] =	stream.linear.scatter [tilespmem:s12], [sflag:$0x1], $0x4000, $0x38;
	[tilespmem:$0x1A880] =	vst v63  }
0x26: {  	_ =	swait.ge [sflag:s13], $0x4000  }
0x27: {  	[sflag:s13] =	ssyncset.done $0x0  }
0x28: {  	[sflag:s13] =	ssyncadd.s32 $0xFFFFC000  }
0x29: {  	[spmem:s6] =	stream.linear.scatter [tilespmem:s12], [sflag:$0x1], $0x4000, $0x38;
	[tilespmem:$0x1A880] =	vst v63  }
0x2a: {  	_ =	swait.ge [sflag:s13], $0x4000  }
0x2b: {  	[sflag:s13] =	ssyncset.done $0x0  }
0x2c: {  	[sflag:s13] =	ssyncadd.s32 $0xFFFFC000  }
0x2d: {  	[spmem:s7] =	stream.linear.scatter [tilespmem:s12], [sflag:$0x1], $0x4000, $0x38;
	[tilespmem:$0x1A880] =	vst v63  }
0x2e: {  	_ =	swait.ge [sflag:s13], $0x4000  }
0x2f: {  	[sflag:s13] =	ssyncset.done $0x0  }
0x30: {  	[sflag:s13] =	ssyncadd.s32 $0xFFFFC000  }
0x31: {  	[spmem:s8] =	stream.linear.scatter [tilespmem:s12], [sflag:$0x1], $0x4000, $0x38;
	[tilespmem:$0x1A880] =	vst v63  }
0x32: {  	_ =	swait.ge [sflag:s13], $0x4000  }
0x33: {  	[sflag:s13] =	ssyncset.done $0x0  }
0x34: {  	[sflag:s13] =	ssyncadd.s32 $0xFFFFC000  }
0x35: {  	[spmem:s9] =	stream.linear.scatter [tilespmem:s12], [sflag:$0x1], $0x4000, $0x38;
	[tilespmem:$0x1A880] =	vst v63  }
0x36: {  	_ =	swait.ge [sflag:s13], $0x4000  }
0x37: {  	[sflag:s13] =	ssyncset.done $0x0  }
0x38: {  	s18 =	simm.s32 $0x0;
	s19 =	simm.s32 $0x200;
	[sflag:s13] =	ssyncadd.s32 $0xFFFFC000  }
.LBB2_4:
0x39: {  	p0 =	sne.s32 s19, $0xFE00;
	[tilespmem:s18+$0x28F0] =	vst v6  }
0x3a: {  	[tilespmem:s18+$0x2880] =	vst v6  }
0x3b: {  	[tilespmem:s18+$0x2890] =	vst v6  }
.Ltmp1:
0x3c: {  	[tilespmem:s18+$0x28A0] =	vst v6;
	(pc) =	sbr.rel @p0 .LBB2_4-.Ltmp1, $4  }
0x3d: {  	[tilespmem:s18+$0x28B0] =	vst v6  }
0x3e: {  	[tilespmem:s18+$0x28C0] =	vst v6  }
0x3f: {  	[tilespmem:s18+$0x28D0] =	vst v6  }
0x40: {  	[tilespmem:s18+$0x28E0] =	vst v6;
	s18 =	sshra.s32 s19, $0x2;
	s19 =	sadd.s32 $0x200, s19  }
0x41: {  	[tilespmem:s18+$0x28F0] =	vst v6  }
0x42: {  	[tilespmem:s18+$0x2880] =	vst v6  }
0x43: {  	[tilespmem:s18+$0x2890] =	vst v6  }
0x44: {  	[tilespmem:s18+$0x28A0] =	vst v6  }
0x45: {  	[tilespmem:s18+$0x28B0] =	vst v6  }
0x46: {  	[tilespmem:s18+$0x28C0] =	vst v6  }
0x47: {  	[tilespmem:s18+$0x28D0] =	vst v6  }
0x48: {  	[tilespmem:s18+$0x28E0] =	vst v6;
	s30 =	simm.s32 $0x0  }
0x49: {  	[tilespmem:s15], [sflag:$0x1] =	stream.indirect.gather [hbm4b:s4+s14], $0x80, s30, s14, $0xb8;
	[tilespmem:$0x1A880] =	vst v63  }
0x4a: {  	_ =	swait.ge [sflag:s13], $0x2800  }
0x4b: {  	[sflag:s13] =	ssyncset.done $0x0  }
0x4c: {  	[sflag:s13] =	ssyncadd.s32 $0xFFFFD800  }
0x4d: {  	s31 =	simm.s32 $0x80;
	[bflag:$0x0] =	sbarrier.arrive $0xFFFF  }
0x4e: {  	[spmem:s2] =	stream.indirect.scatter.add.f32 [tilespmem:s12], [sflag:$0x1], $0x80, s31, s15, $0xb8;
	[tilespmem:$0x1A880] =	vst v63  }
0x4f: {  	s18 =	simm.s32 $0x200;
	_ =	swait.ge [sflag:s13], $0x4000  }
.LBB2_6:
0x50: {  	s19 =	sshra.s32 s18, $0x2;
	[sflag:s13] =	ssyncset.done $0x0;
	p0 =	sne.s32 s18, $0x9E00  }
.Ltmp2:
0x51: {  	s19 =	sadd.s32 $0x80, s19;
	[sflag:s13] =	ssyncadd.s32 $0xFFFFC000;
	(pc) =	sbr.rel @p0 .LBB2_6-.Ltmp2, $3  }
0x52: {  	[spmem:s2] =	stream.indirect.scatter.add.f32 [tilespmem:s12], [sflag:$0x1], $0x80, s19, s15, $0xb8;
	[tilespmem:$0x1A880] =	vst v63  }
0x53: {  	s18 =	sadd.s32 $0x200, s18;
	_ =	sdelay $0x1  }
0x54: {  	_ =	swait.ge [sflag:s13], $0x4000  }
0x55: {  	[sflag:s13] =	ssyncset.done $0x0;
	s3 =	sadd.s32 $0x1, s3  }
0x56: {  	[sflag:s13] =	ssyncadd.s32 $0xFFFFC000;
	p0 =	sne.s32 s3, s11  }
.Ltmp3:
0x57: {  	[bflag:$0x0] =	sbarrier.arrive $0xFFFF;
	(pc) =	sbr.rel @p0 .LBB2_1-.Ltmp3, $4  }
0x58: {  	[hbm:s10], [sflag:s16] =	dma.local [spmem:s17], $0x2800  }
0x59: {  	_ =	swait.ge [sflag:s13], $0x2800  }
0x5a: {  	[sflag:s13] =	ssyncset.done $0x0  }
0x5b: {  	[sflag:s13] =	ssyncadd.s32 $0xFFFFD800  }
0x5c: {  	_ =	sfence.sel $0x180000  }
0x5d: {  	[bflag:$0x0] =	sbarrier.arrive $0xFFFF  }
0x5e: {  	p0 =	sne.s32 s0, $0x0;
	_ =	strace $0x90000047  }
0x5f: {  	s0 =	sadd.s32 @!p0 $0x100000, s1;
	[bflag:$0x2] =	sbarrier.arrive $0xFFFF  }
0x60: {  	[sflag:s0] =	ssyncadd.tile.s32 @!p0 $0x1;
	_ =	shalt  }
.Lfunc_end2:
_tile_overlayer_lowered:
.L_overlay_start_2:
0x61: {  	(tag) =	ssettag $0x2  }
0x62: {  	s0 =	rddreg [dreg:$0x0];
	s2 =	stileid.u32  }
0x63: {  	s1 =	rddreg [dreg:$0x1];
	p0 =	sne.s32 s2, $0x0  }
0x64: {  	s3 =	rddreg [dreg:$0x2];
	[bflag:$0x3] =	sbarrier.arrive $0xFFFF;
	s2 =	simm.s32 @!p0 $0x1C01  }
0x65: {  	[timem:s3], [sflag:s2] =	dma.local @!p0 [hbm:s0], s1  }
0x66: {  	s0 =	simm.s32 @!p0 $0x1  }
0x67: {  	_ =	swait.ge @!p0 [sflag:s0], s1  }
0x68: {  	s1 =	ssub.s32 @!p0 $0x0, s1;
	[sflag:s0] =	ssyncset.done @!p0 $0x0  }
0x69: {  	[sflag:s0] =	ssyncadd.s32 @!p0 s1  }
0x6a: {  	[bflag:$0x3] =	sbarrier.arrive $0xFFFF  }
0x6b: {  	_ =	shalt  }

</sc_bundles>
